<compile_context>
chip_gen: v7x
topology: tpu7x:2x2x1
jax: 0.10.2.dev20260603
libtpu: 0.0.44.dev20260713+nightly
codegen_flags: <defaults>
</compile_context>

<pallas_src>
import functools

import jax
import jax.numpy as jnp
from jax import lax
from jax.experimental import pallas as pl
from jax.experimental.pallas import tpu as pltpu
from jax.experimental.pallas import tpu_sc as plsc

_B = 4096
_N = 2 * _B
_DIM = 64
_MAXLEN = 50
_CHARSET = 128
_MARGIN = 1.0
_NC = 2
_NS = 16
_NW = _NC * _NS
_TPW = _N // _NW
_CHUNK = 128
_L = 16
_W = 128
_G = 512
_NP = _B // _G
_RSZ = _G * _CHARSET + 2 * _CHARSET
_ZPW = _RSZ // _NS
_DUMP = _G * _CHARSET
_BIG = 1 << 24


def _sc_body(heads_hbm, rels_hbm, tails_hbm, ent_hbm, rel_hbm, attr_hbm,
             ent_out, rel_out, cnt_out,
             hidx, ridx, tidx, ent_v, rel_v, chars_v, idxf_v, idxp_v,
             ones_v, zero_v, cnt_sh, sem_a, sem_b):
  s_id = lax.axis_index("s")
  c_id = lax.axis_index("c")
  w = c_id * _NS + s_id
  row0 = w * (_TPW // _CHUNK)
  base = w * _TPW

  pltpu.sync_copy(heads_hbm.at[pl.ds(row0, 2)], hidx)
  pltpu.sync_copy(rels_hbm.at[pl.ds(row0, 2)], ridx)
  pltpu.sync_copy(tails_hbm.at[pl.ds(row0, 2)], tidx)

  ch0 = pltpu.async_copy(attr_hbm.at[tidx.at[0]], chars_v.at[pl.ds(0, _CHUNK)], sem_b)
  ch1 = pltpu.async_copy(attr_hbm.at[tidx.at[1]], chars_v.at[pl.ds(_CHUNK, _CHUNK)], sem_b)
  e0 = pltpu.async_copy(ent_hbm.at[hidx.at[0]], ent_v.at[pl.ds(0, _CHUNK)], sem_a)
  e1 = pltpu.async_copy(ent_hbm.at[hidx.at[1]], ent_v.at[pl.ds(_CHUNK, _CHUNK)], sem_a)
  r0 = pltpu.async_copy(rel_hbm.at[ridx.at[0]], rel_v.at[pl.ds(0, _CHUNK)], sem_a)
  r1 = pltpu.async_copy(rel_hbm.at[ridx.at[1]], rel_v.at[pl.ds(_CHUNK, _CHUNK)], sem_a)

  one16 = jnp.ones((_L,), jnp.float32)
  zero16 = jnp.zeros((_L,), jnp.float32)

  def _init(i, c):
    zero_v[pl.ds(i * _L, _L)] = zero16
    return c

  lax.fori_loop(0, _ZPW // _L, _init, 0)
  for j in range(8):
    ones_v[pl.ds(j * _L, _L)] = one16

  ch0.wait()
  ch1.wait()

  iota = lax.iota(jnp.int32, _L)
  tailm = iota < (_MAXLEN - 3 * _L)
  big = jnp.full((_L,), _BIG, jnp.int32)

  def _bld(q, c):
    fb = jnp.full((_L,), (s_id * _TPW + q) * _MAXLEN, jnp.int32)
    r = q >> 1
    cb = (q & 1) * 64
    for k in range(4):
      col = iota + k * _L
      ch = chars_v[q, pl.ds(k * _L, _L)]
      ch = jnp.minimum(jnp.maximum(ch, 0), _CHARSET - 1)
      t = (fb + col) & (_B - 1)
      slot = (t << 7) + ch
      if k == 3:
        slot = jnp.where(tailm, slot, big)
      idxf_v[r, pl.ds(cb + k * _L, _L)] = slot
    return c

  lax.fori_loop(0, _TPW, _bld, 0)

  dump = jnp.full((_L,), _DUMP, jnp.int32) + iota

  for p in range(_NP):
    lo = p * _G * _CHARSET
    hi = lo + _G * _CHARSET
    for j in range(2):
      pltpu.sync_copy(zero_v.at[pl.ds(j * (_ZPW // 2), _ZPW // 2)],
                      cnt_sh.at[pl.ds(s_id * _ZPW + j * (_ZPW // 2),
                                      _ZPW // 2)])
    plsc.subcore_barrier()

    def _scat(r, c):
      q0s = (s_id * _TPW + 2 * r) * _MAXLEN
      st0 = q0s & (_B - 1)
      en0 = (q0s + 2 * _MAXLEN - 1) & (_B - 1)
      pl_lo = p * _G
      hit0 = jnp.logical_and(st0 >= pl_lo, st0 < pl_lo + _G)
      hit1 = jnp.logical_and(en0 >= pl_lo, en0 < pl_lo + _G)

      @pl.when(jnp.logical_or(hit0, hit1))
      def _():
        for k in range(8):
          sl = idxf_v[r, pl.ds(k * _L, _L)]
          inr = jnp.logical_and(sl >= lo, sl < hi)
          idxp_v[0, pl.ds(k * _L, _L)] = jnp.where(inr, sl - lo, dump)
        pltpu.sync_copy(ones_v, cnt_sh.at[idxp_v.at[0]], add=True)

      return c

    lax.fori_loop(0, _TPW // 2, _scat, 0)
    plsc.subcore_barrier()
    pltpu.sync_copy(
        cnt_sh.at[pl.ds(s_id * (_G // _NS) * _CHARSET, (_G // _NS) * _CHARSET)],
        cnt_out.at[pl.ds((c_id * _B + p * _G + s_id * (_G // _NS)) * _CHARSET,
                         (_G // _NS) * _CHARSET)])
    plsc.subcore_barrier()

  e0.wait()
  e1.wait()
  r0.wait()
  r1.wait()

  pltpu.sync_copy(ent_v, ent_out.at[pl.ds(base, _TPW)])
  pltpu.sync_copy(rel_v, rel_out.at[pl.ds(base, _TPW)])


@functools.cache
def _build_sc_gather():
  return functools.partial(
      pl.kernel,
      out_type=(
          jax.ShapeDtypeStruct((_N, _W), jnp.float32),
          jax.ShapeDtypeStruct((_N, _W), jnp.float32),
          jax.ShapeDtypeStruct((_N * _CHARSET,), jnp.float32),
      ),
      mesh=plsc.VectorSubcoreMesh(core_axis_name="c", subcore_axis_name="s",
                                  num_cores=_NC, num_subcores=_NS),
      compiler_params=pltpu.CompilerParams(use_tc_tiling_on_sc=False),
      scratch_types=(
          pltpu.VMEM((2, _CHUNK), jnp.int32),
          pltpu.VMEM((2, _CHUNK), jnp.int32),
          pltpu.VMEM((2, _CHUNK), jnp.int32),
          pltpu.VMEM((_TPW, _W), jnp.float32),
          pltpu.VMEM((_TPW, _W), jnp.float32),
          pltpu.VMEM((_TPW, _W), jnp.int32),
          pltpu.VMEM((_TPW // 2, _CHUNK), jnp.int32),
          pltpu.VMEM((1, _CHUNK), jnp.int32),
          pltpu.VMEM((_CHUNK,), jnp.float32),
          pltpu.VMEM((_ZPW,), jnp.float32),
          pltpu.VMEM_SHARED((_NS * _ZPW,), jnp.float32),
          pltpu.SemaphoreType.DMA,
          pltpu.SemaphoreType.DMA,
      ),
  )(_sc_body)


def _tc_body(ent_ref, rel_ref, cnt_ref, tbl_ref, hpar_ref, rpar_ref, out_ref):
  el = ent_ref[...]
  rl = rel_ref[...]
  e = jnp.where(hpar_ref[...] == 0, el[:, :_DIM], el[:, _DIM:])
  r = jnp.where(rpar_ref[...] == 0, rl[:, :_DIM], rl[:, _DIM:])
  inv = lax.rsqrt(jnp.sum(e * e, axis=1, keepdims=True))
  attr = jnp.dot(cnt_ref[...], tbl_ref[...], preferred_element_type=jnp.float32)
  diff = e * inv + r - attr
  s = jnp.sum(jnp.abs(diff), axis=1, keepdims=True)
  out_ref[...] = jnp.maximum(s[:_B] - s[_B:] + _MARGIN, 0.0)


_tc_dense = pl.pallas_call(
    _tc_body,
    out_shape=jax.ShapeDtypeStruct((_B, 1), jnp.float32),
)


def kernel(positive_triplets, negative_triplets, entities_emb_a,
           rel_embeddings, char_embeddings, attr_lookup_table_a):
  trip = jnp.concatenate([positive_triplets, negative_triplets], axis=0)
  trip = trip.astype(jnp.int32)
  heads = trip[:, 0]
  rels = trip[:, 1]
  tails = trip[:, 2].reshape(_N // _CHUNK, _CHUNK)
  hpair = (heads >> 1).reshape(_N // _CHUNK, _CHUNK)
  rpair = (rels >> 1).reshape(_N // _CHUNK, _CHUNK)
  ent2 = entities_emb_a.reshape(-1, _W)
  rel2 = rel_embeddings.reshape(-1, _W)
  attr_pad = jnp.pad(attr_lookup_table_a.astype(jnp.int32),
                     ((0, 0), (0, _W - _MAXLEN)))
  ent_land, rel_land, counts = _build_sc_gather()(
      hpair, rpair, tails, ent2, rel2, attr_pad)
  out = _tc_dense(ent_land, rel_land, counts.reshape(_N, _CHARSET),
                  char_embeddings, (heads & 1).reshape(_N, 1),
                  (rels & 1).reshape(_N, 1))
  return out.reshape(_B)

# --- scband reference (transcript-rebuilt; emitter-appended) ---
"""Pipeline reference for scband-attribute-model-80745385165100 (READ-ONLY COPY).

The authoritative reference and input builder live on the scoring server;
editing this copy changes nothing except your own understanding.
"""

import jax, jax.numpy as jnp
import numpy as np

B = 4096
ENT_A = 100000
REL = 1000
DIM = 64
MAXLEN = 50
CHARSET = 128
MARGIN = 1.0


def setup_inputs(seed: int = 0) -> dict:
    key = jax.random.key(seed)
    k1, k2, k3, k4, k5, k6, k7, k8, k9 = jax.random.split(key, 9)
    positive_triplets = jnp.stack([
        jax.random.randint(k1, (B,), 0, ENT_A),
        jax.random.randint(k2, (B,), 0, REL),
        jax.random.randint(k3, (B,), 0, ENT_A),
    ], axis=1)
    negative_triplets = jnp.stack([
        jax.random.randint(k4, (B,), 0, ENT_A),
        jax.random.randint(k5, (B,), 0, REL),
        jax.random.randint(k6, (B,), 0, ENT_A),
    ], axis=1)
    r = 6.0 / np.sqrt(DIM)
    entities_emb_a = jax.random.uniform(k7, (ENT_A, DIM), minval=-r, maxval=r, dtype=jnp.float32)
    rel_embeddings = jax.random.uniform(k8, (REL, DIM), minval=-r, maxval=r, dtype=jnp.float32)
    rel_embeddings = rel_embeddings / jnp.sum(jnp.abs(rel_embeddings), axis=1, keepdims=True)
    char_embeddings = jnp.eye(CHARSET, DIM, dtype=jnp.float32)
    attr_lookup_table_a = jax.random.randint(k9, (ENT_A, MAXLEN), 0, CHARSET)
    return {
        "positive_triplets": positive_triplets,
        "negative_triplets": negative_triplets,
        "entities_emb_a": entities_emb_a,
        "rel_embeddings": rel_embeddings,
        "char_embeddings": char_embeddings,
        "attr_lookup_table_a": attr_lookup_table_a,
    }


def reference(positive_triplets, negative_triplets, entities_emb_a, rel_embeddings, char_embeddings, attr_lookup_table_a):
    # mirror torch: entities_emb_a.data = entities_emb_a / ||.||_2 (row-wise, no-grad)
    ea = entities_emb_a / jnp.linalg.norm(entities_emb_a, axis=1, keepdims=True)

    def attr_embedding(attr):
        # faithful to torch: attr.view(-1,1) gather, then .view(MAXLEN, B, DIM)
        flat = jnp.take(char_embeddings, attr.reshape(-1), axis=0)
        emb = flat.reshape(MAXLEN, attr.shape[0], DIM)
        return jnp.sum(emb, axis=0)  # use_lstm=False path

    def distance(trip):
        heads = trip[:, 0]
        relations = trip[:, 1]
        tails = trip[:, 2]
        chars = jnp.take(attr_lookup_table_a, tails, axis=0)
        diff = jnp.take(ea, heads, axis=0) + jnp.take(rel_embeddings, relations, axis=0) - attr_embedding(chars)
        return jnp.sum(jnp.abs(diff), axis=1)  # p=1 norm

    pd = distance(positive_triplets)
    nd = distance(negative_triplets)
    return jnp.maximum(pd - nd + MARGIN, 0.0)

if __name__ == "__main__":
    import jax
    _d = setup_inputs()
    print(jax.jit(kernel)(*tuple(_d.values())))

</pallas_src>

<mosaic_0001>
#map = affine_map<(d0, d1) -> (0, 0)>
#map1 = affine_map<(d0, d1) -> (0)>
module attributes {stable_mosaic.version = 14 : i64} {
  func.func @_sc_body(%arg0: i32, %arg1: i32, %arg2: memref<64x128xi32, #tpu.memory_space<hbm>>, %arg3: memref<64x128xi32, #tpu.memory_space<hbm>>, %arg4: memref<64x128xi32, #tpu.memory_space<hbm>>, %arg5: memref<50000x128xf32, #tpu.memory_space<hbm>>, %arg6: memref<500x128xf32, #tpu.memory_space<hbm>>, %arg7: memref<100000x128xi32, #tpu.memory_space<hbm>>, %arg8: memref<8192x128xf32, #tpu.memory_space<hbm>>, %arg9: memref<8192x128xf32, #tpu.memory_space<hbm>>, %arg10: memref<1048576xf32, #tpu.memory_space<hbm>>, %arg11: memref<2x128xi32, #tpu.memory_space<vmem>>, %arg12: memref<2x128xi32, #tpu.memory_space<vmem>>, %arg13: memref<2x128xi32, #tpu.memory_space<vmem>>, %arg14: memref<256x128xf32, #tpu.memory_space<vmem>>, %arg15: memref<256x128xf32, #tpu.memory_space<vmem>>, %arg16: memref<256x128xi32, #tpu.memory_space<vmem>>, %arg17: memref<128x128xi32, #tpu.memory_space<vmem>>, %arg18: memref<1x128xi32, #tpu.memory_space<vmem>>, %arg19: memref<128xf32, #tpu.memory_space<vmem>>, %arg20: memref<4112xf32, #tpu.memory_space<vmem>>, %arg21: memref<65792xf32, #tpu.memory_space<vmem_shared>>, %arg22: memref<!tpu.dma_semaphore, #tpu.memory_space<semaphore_mem>>, %arg23: memref<!tpu.dma_semaphore, #tpu.memory_space<semaphore_mem>>) attributes {dimension_semantics = [#tpu.dimension_semantics<core_parallel>, #tpu.dimension_semantics<subcore_parallel>], iteration_bounds = array<i64: 2, 16>, scalar_prefetch = 0 : i64, scratch_operands = 13 : i64, tpu.core_type = #tpu.core_type<sc_vector_subcore>, window_params = [{transform_indices = #map}, {transform_indices = #map}, {transform_indices = #map}, {transform_indices = #map}, {transform_indices = #map}, {transform_indices = #map}, {transform_indices = #map}, {transform_indices = #map}, {transform_indices = #map1}]} {
    %mul3A = arith.constant 16 : i32
    %mul3A_0 = arith.muli %arg0, %mul3A : i32
    %add3A = arith.addi %mul3A_0, %arg1 : i32
    %mul3A_1 = arith.constant 2 : i32
    %mul3A_2 = arith.muli %add3A, %mul3A_1 : i32
    %mul3A_3 = arith.constant 256 : i32
    %mul3A_4 = arith.muli %add3A, %mul3A_3 : i32
    "tpu.region"() ({
      %run_scoped3A = tpu.sem_alloc : memref<!tpu.dma_semaphore, #tpu.memory_space<semaphore_mem>>
      %dma_start3A_414 = arith.constant 0 : i32
      %dma_start3A_415 = tpu.memref_slice %arg2[%mul3A_2, %dma_start3A_414] : memref<64x128xi32, #tpu.memory_space<hbm>> -> memref<2x128xi32, #tpu.memory_space<hbm>>
      %dma_start3A_416 = arith.constant 0 : i32
      %dma_start3A_417 = tpu.memref_slice %arg2[%mul3A_2, %dma_start3A_416] : memref<64x128xi32, #tpu.memory_space<hbm>> -> memref<2x128xi32, #tpu.memory_space<hbm>>
      tpu.enqueue_dma source(%dma_start3A_417 : memref<2x128xi32, #tpu.memory_space<hbm>>) target(%arg11 : memref<2x128xi32, #tpu.memory_space<vmem>>) target_semaphore(%run_scoped3A : memref<!tpu.dma_semaphore, #tpu.memory_space<semaphore_mem>>)
      %dma_wait3A_418 = arith.constant 0 : i32
      %dma_wait3A_419 = tpu.memref_slice %arg2[%mul3A_2, %dma_wait3A_418] : memref<64x128xi32, #tpu.memory_space<hbm>> -> memref<2x128xi32, #tpu.memory_space<hbm>>
      %dma_wait3A_420 = arith.constant 0 : i32
      %dma_wait3A_421 = tpu.memref_slice %arg2[%mul3A_2, %dma_wait3A_420] : memref<64x128xi32, #tpu.memory_space<hbm>> -> memref<2x128xi32, #tpu.memory_space<hbm>>
      tpu.wait_dma2 semaphore(%run_scoped3A : memref<!tpu.dma_semaphore, #tpu.memory_space<semaphore_mem>>) src(%dma_wait3A_421 : memref<2x128xi32, #tpu.memory_space<hbm>>) dst(%arg11 : memref<2x128xi32, #tpu.memory_space<vmem>>)
      tpu.yield
    }) : () -> ()
    "tpu.region"() ({
      %run_scoped3A = tpu.sem_alloc : memref<!tpu.dma_semaphore, #tpu.memory_space<semaphore_mem>>
      %dma_start3A_414 = arith.constant 0 : i32
      %dma_start3A_415 = tpu.memref_slice %arg3[%mul3A_2, %dma_start3A_414] : memref<64x128xi32, #tpu.memory_space<hbm>> -> memref<2x128xi32, #tpu.memory_space<hbm>>
      %dma_start3A_416 = arith.constant 0 : i32
      %dma_start3A_417 = tpu.memref_slice %arg3[%mul3A_2, %dma_start3A_416] : memref<64x128xi32, #tpu.memory_space<hbm>> -> memref<2x128xi32, #tpu.memory_space<hbm>>
      tpu.enqueue_dma source(%dma_start3A_417 : memref<2x128xi32, #tpu.memory_space<hbm>>) target(%arg12 : memref<2x128xi32, #tpu.memory_space<vmem>>) target_semaphore(%run_scoped3A : memref<!tpu.dma_semaphore, #tpu.memory_space<semaphore_mem>>)
      %dma_wait3A_418 = arith.constant 0 : i32
      %dma_wait3A_419 = tpu.memref_slice %arg3[%mul3A_2, %dma_wait3A_418] : memref<64x128xi32, #tpu.memory_space<hbm>> -> memref<2x128xi32, #tpu.memory_space<hbm>>
      %dma_wait3A_420 = arith.constant 0 : i32
      %dma_wait3A_421 = tpu.memref_slice %arg3[%mul3A_2, %dma_wait3A_420] : memref<64x128xi32, #tpu.memory_space<hbm>> -> memref<2x128xi32, #tpu.memory_space<hbm>>
      tpu.wait_dma2 semaphore(%run_scoped3A : memref<!tpu.dma_semaphore, #tpu.memory_space<semaphore_mem>>) src(%dma_wait3A_421 : memref<2x128xi32, #tpu.memory_space<hbm>>) dst(%arg12 : memref<2x128xi32, #tpu.memory_space<vmem>>)
      tpu.yield
    }) : () -> ()
    "tpu.region"() ({
      %run_scoped3A = tpu.sem_alloc : memref<!tpu.dma_semaphore, #tpu.memory_space<semaphore_mem>>
      %dma_start3A_414 = arith.constant 0 : i32
      %dma_start3A_415 = tpu.memref_slice %arg4[%mul3A_2, %dma_start3A_414] : memref<64x128xi32, #tpu.memory_space<hbm>> -> memref<2x128xi32, #tpu.memory_space<hbm>>
      %dma_start3A_416 = arith.constant 0 : i32
      %dma_start3A_417 = tpu.memref_slice %arg4[%mul3A_2, %dma_start3A_416] : memref<64x128xi32, #tpu.memory_space<hbm>> -> memref<2x128xi32, #tpu.memory_space<hbm>>
      tpu.enqueue_dma source(%dma_start3A_417 : memref<2x128xi32, #tpu.memory_space<hbm>>) target(%arg13 : memref<2x128xi32, #tpu.memory_space<vmem>>) target_semaphore(%run_scoped3A : memref<!tpu.dma_semaphore, #tpu.memory_space<semaphore_mem>>)
      %dma_wait3A_418 = arith.constant 0 : i32
      %dma_wait3A_419 = tpu.memref_slice %arg4[%mul3A_2, %dma_wait3A_418] : memref<64x128xi32, #tpu.memory_space<hbm>> -> memref<2x128xi32, #tpu.memory_space<hbm>>
      %dma_wait3A_420 = arith.constant 0 : i32
      %dma_wait3A_421 = tpu.memref_slice %arg4[%mul3A_2, %dma_wait3A_420] : memref<64x128xi32, #tpu.memory_space<hbm>> -> memref<2x128xi32, #tpu.memory_space<hbm>>
      tpu.wait_dma2 semaphore(%run_scoped3A : memref<!tpu.dma_semaphore, #tpu.memory_space<semaphore_mem>>) src(%dma_wait3A_421 : memref<2x128xi32, #tpu.memory_space<hbm>>) dst(%arg13 : memref<2x128xi32, #tpu.memory_space<vmem>>)
      tpu.yield
    }) : () -> ()
    %dma_start3A = arith.constant 0 : i32
    %dma_start3A_5 = arith.constant 0 : i32
    %dma_start3A_6 = arith.constant 0 : i32
    %dma_start3A_7 = tpu.memref_slice %arg16[%dma_start3A_5, %dma_start3A_6] : memref<256x128xi32, #tpu.memory_space<vmem>> -> memref<128x128xi32, #tpu.memory_space<vmem>>
    %dma_start3A_8 = arith.constant 0 : i32
    %dma_start3A_9 = tpu.memref_slice %arg13[%dma_start3A, %dma_start3A_8] : memref<2x128xi32, #tpu.memory_space<vmem>> -> memref<1x128xi32, #tpu.memory_space<vmem>>
    %dma_start3A_10 = tpu.memref_squeeze %dma_start3A_9 : memref<1x128xi32, #tpu.memory_space<vmem>> -> memref<128xi32, #tpu.memory_space<vmem>>
    %dma_start3A_11 = arith.constant 0 : i32
    %dma_start3A_12 = arith.constant 0 : i32
    %dma_start3A_13 = tpu.memref_slice %arg7[%dma_start3A_11, %dma_start3A_12] : memref<100000x128xi32, #tpu.memory_space<hbm>> -> memref<100000x128xi32, #tpu.memory_space<hbm>>
    tpu.enqueue_indirect_dma source(%dma_start3A_13 : memref<100000x128xi32, #tpu.memory_space<hbm>>) target(%dma_start3A_7 : memref<128x128xi32, #tpu.memory_space<vmem>>) offsets(%dma_start3A_10 : memref<128xi32, #tpu.memory_space<vmem>>) semaphore(%arg23 : memref<!tpu.dma_semaphore, #tpu.memory_space<semaphore_mem>>)
    %dma_start3A_14 = arith.constant 1 : i32
    %dma_start3A_15 = arith.constant 128 : i32
    %dma_start3A_16 = arith.constant 0 : i32
    %dma_start3A_17 = tpu.memref_slice %arg16[%dma_start3A_15, %dma_start3A_16] : memref<256x128xi32, #tpu.memory_space<vmem>> -> memref<128x128xi32, #tpu.memory_space<vmem>>
    %dma_start3A_18 = arith.constant 0 : i32
    %dma_start3A_19 = tpu.memref_slice %arg13[%dma_start3A_14, %dma_start3A_18] : memref<2x128xi32, #tpu.memory_space<vmem>> -> memref<1x128xi32, #tpu.memory_space<vmem>>
    %dma_start3A_20 = tpu.memref_squeeze %dma_start3A_19 : memref<1x128xi32, #tpu.memory_space<vmem>> -> memref<128xi32, #tpu.memory_space<vmem>>
    %dma_start3A_21 = arith.constant 0 : i32
    %dma_start3A_22 = arith.constant 0 : i32
    %dma_start3A_23 = tpu.memref_slice %arg7[%dma_start3A_21, %dma_start3A_22] : memref<100000x128xi32, #tpu.memory_space<hbm>> -> memref<100000x128xi32, #tpu.memory_space<hbm>>
    tpu.enqueue_indirect_dma source(%dma_start3A_23 : memref<100000x128xi32, #tpu.memory_space<hbm>>) target(%dma_start3A_17 : memref<128x128xi32, #tpu.memory_space<vmem>>) offsets(%dma_start3A_20 : memref<128xi32, #tpu.memory_space<vmem>>) semaphore(%arg23 : memref<!tpu.dma_semaphore, #tpu.memory_space<semaphore_mem>>)
    %dma_start3A_24 = arith.constant 0 : i32
    %dma_start3A_25 = arith.constant 0 : i32
    %dma_start3A_26 = arith.constant 0 : i32
    %dma_start3A_27 = tpu.memref_slice %arg14[%dma_start3A_25, %dma_start3A_26] : memref<256x128xf32, #tpu.memory_space<vmem>> -> memref<128x128xf32, #tpu.memory_space<vmem>>
    %dma_start3A_28 = arith.constant 0 : i32
    %dma_start3A_29 = tpu.memref_slice %arg11[%dma_start3A_24, %dma_start3A_28] : memref<2x128xi32, #tpu.memory_space<vmem>> -> memref<1x128xi32, #tpu.memory_space<vmem>>
    %dma_start3A_30 = tpu.memref_squeeze %dma_start3A_29 : memref<1x128xi32, #tpu.memory_space<vmem>> -> memref<128xi32, #tpu.memory_space<vmem>>
    %dma_start3A_31 = arith.constant 0 : i32
    %dma_start3A_32 = arith.constant 0 : i32
    %dma_start3A_33 = tpu.memref_slice %arg5[%dma_start3A_31, %dma_start3A_32] : memref<50000x128xf32, #tpu.memory_space<hbm>> -> memref<50000x128xf32, #tpu.memory_space<hbm>>
    tpu.enqueue_indirect_dma source(%dma_start3A_33 : memref<50000x128xf32, #tpu.memory_space<hbm>>) target(%dma_start3A_27 : memref<128x128xf32, #tpu.memory_space<vmem>>) offsets(%dma_start3A_30 : memref<128xi32, #tpu.memory_space<vmem>>) semaphore(%arg22 : memref<!tpu.dma_semaphore, #tpu.memory_space<semaphore_mem>>)
    %dma_start3A_34 = arith.constant 1 : i32
    %dma_start3A_35 = arith.constant 128 : i32
    %dma_start3A_36 = arith.constant 0 : i32
    %dma_start3A_37 = tpu.memref_slice %arg14[%dma_start3A_35, %dma_start3A_36] : memref<256x128xf32, #tpu.memory_space<vmem>> -> memref<128x128xf32, #tpu.memory_space<vmem>>
    %dma_start3A_38 = arith.constant 0 : i32
    %dma_start3A_39 = tpu.memref_slice %arg11[%dma_start3A_34, %dma_start3A_38] : memref<2x128xi32, #tpu.memory_space<vmem>> -> memref<1x128xi32, #tpu.memory_space<vmem>>
    %dma_start3A_40 = tpu.memref_squeeze %dma_start3A_39 : memref<1x128xi32, #tpu.memory_space<vmem>> -> memref<128xi32, #tpu.memory_space<vmem>>
    %dma_start3A_41 = arith.constant 0 : i32
    %dma_start3A_42 = arith.constant 0 : i32
    %dma_start3A_43 = tpu.memref_slice %arg5[%dma_start3A_41, %dma_start3A_42] : memref<50000x128xf32, #tpu.memory_space<hbm>> -> memref<50000x128xf32, #tpu.memory_space<hbm>>
    tpu.enqueue_indirect_dma source(%dma_start3A_43 : memref<50000x128xf32, #tpu.memory_space<hbm>>) target(%dma_start3A_37 : memref<128x128xf32, #tpu.memory_space<vmem>>) offsets(%dma_start3A_40 : memref<128xi32, #tpu.memory_space<vmem>>) semaphore(%arg22 : memref<!tpu.dma_semaphore, #tpu.memory_space<semaphore_mem>>)
    %dma_start3A_44 = arith.constant 0 : i32
    %dma_start3A_45 = arith.constant 0 : i32
    %dma_start3A_46 = arith.constant 0 : i32
    %dma_start3A_47 = tpu.memref_slice %arg15[%dma_start3A_45, %dma_start3A_46] : memref<256x128xf32, #tpu.memory_space<vmem>> -> memref<128x128xf32, #tpu.memory_space<vmem>>
    %dma_start3A_48 = arith.constant 0 : i32
    %dma_start3A_49 = tpu.memref_slice %arg12[%dma_start3A_44, %dma_start3A_48] : memref<2x128xi32, #tpu.memory_space<vmem>> -> memref<1x128xi32, #tpu.memory_space<vmem>>
    %dma_start3A_50 = tpu.memref_squeeze %dma_start3A_49 : memref<1x128xi32, #tpu.memory_space<vmem>> -> memref<128xi32, #tpu.memory_space<vmem>>
    %dma_start3A_51 = arith.constant 0 : i32
    %dma_start3A_52 = arith.constant 0 : i32
    %dma_start3A_53 = tpu.memref_slice %arg6[%dma_start3A_51, %dma_start3A_52] : memref<500x128xf32, #tpu.memory_space<hbm>> -> memref<500x128xf32, #tpu.memory_space<hbm>>
    tpu.enqueue_indirect_dma source(%dma_start3A_53 : memref<500x128xf32, #tpu.memory_space<hbm>>) target(%dma_start3A_47 : memref<128x128xf32, #tpu.memory_space<vmem>>) offsets(%dma_start3A_50 : memref<128xi32, #tpu.memory_space<vmem>>) semaphore(%arg22 : memref<!tpu.dma_semaphore, #tpu.memory_space<semaphore_mem>>)
    %dma_start3A_54 = arith.constant 1 : i32
    %dma_start3A_55 = arith.constant 128 : i32
    %dma_start3A_56 = arith.constant 0 : i32
    %dma_start3A_57 = tpu.memref_slice %arg15[%dma_start3A_55, %dma_start3A_56] : memref<256x128xf32, #tpu.memory_space<vmem>> -> memref<128x128xf32, #tpu.memory_space<vmem>>
    %dma_start3A_58 = arith.constant 0 : i32
    %dma_start3A_59 = tpu.memref_slice %arg12[%dma_start3A_54, %dma_start3A_58] : memref<2x128xi32, #tpu.memory_space<vmem>> -> memref<1x128xi32, #tpu.memory_space<vmem>>
    %dma_start3A_60 = tpu.memref_squeeze %dma_start3A_59 : memref<1x128xi32, #tpu.memory_space<vmem>> -> memref<128xi32, #tpu.memory_space<vmem>>
    %dma_start3A_61 = arith.constant 0 : i32
    %dma_start3A_62 = arith.constant 0 : i32
    %dma_start3A_63 = tpu.memref_slice %arg6[%dma_start3A_61, %dma_start3A_62] : memref<500x128xf32, #tpu.memory_space<hbm>> -> memref<500x128xf32, #tpu.memory_space<hbm>>
    tpu.enqueue_indirect_dma source(%dma_start3A_63 : memref<500x128xf32, #tpu.memory_space<hbm>>) target(%dma_start3A_57 : memref<128x128xf32, #tpu.memory_space<vmem>>) offsets(%dma_start3A_60 : memref<128xi32, #tpu.memory_space<vmem>>) semaphore(%arg22 : memref<!tpu.dma_semaphore, #tpu.memory_space<semaphore_mem>>)
    %broadcast_in_dim3A = arith.constant 1.000000e+00 : f32
    %broadcast_in_dim3A_64 = vector.broadcast %broadcast_in_dim3A : f32 to vector<16xf32>
    %broadcast_in_dim3A_65 = arith.constant 0.000000e+00 : f32
    %broadcast_in_dim3A_66 = vector.broadcast %broadcast_in_dim3A_65 : f32 to vector<16xf32>
    %scan3A = arith.constant 0 : i32
    %scan3A_67 = arith.constant 0 : i32
    %scan3A_68 = arith.constant 257 : i32
    %scan3A_69 = arith.addi %scan3A_67, %scan3A_68 : i32
    %scan3A_70 = arith.constant 1 : i32
    scf.for %scan3A_414 = %scan3A_67 to %scan3A_69 step %scan3A_70  : i32 {
      %mul3A_415 = arith.constant 16 : i32
      %mul3A_416 = arith.muli %scan3A_414, %mul3A_415 : i32
      %swap3A_417 = arith.index_cast %mul3A_416 : i32 to index
      %swap3A_418 = tpu.vector_load %arg20[%swap3A_417] {strides = array<i32>} : memref<4112xf32, #tpu.memory_space<vmem>>, vector<16xf32>,
      %swap3A_419 = vector.shape_cast %swap3A_418 : vector<16xf32> to vector<16xf32>
      %swap3A_420 = vector.shape_cast %broadcast_in_dim3A_66 : vector<16xf32> to vector<16xf32>
      tpu.vector_store %arg20[%swap3A_417], %swap3A_420 {strides = array<i32>} : memref<4112xf32, #tpu.memory_space<vmem>>, vector<16xf32>,
    }
    %scan3A_71 = arith.constant 257 : i32
    %swap3A = arith.constant 0 : index
    %swap3A_72 = tpu.vector_load %arg19[%swap3A] {strides = array<i32>} : memref<128xf32, #tpu.memory_space<vmem>>, vector<16xf32>,
    %swap3A_73 = vector.shape_cast %swap3A_72 : vector<16xf32> to vector<16xf32>
    %swap3A_74 = vector.shape_cast %broadcast_in_dim3A_64 : vector<16xf32> to vector<16xf32>
    tpu.vector_store %arg19[%swap3A], %swap3A_74 {strides = array<i32>} : memref<128xf32, #tpu.memory_space<vmem>>, vector<16xf32>,
    %swap3A_75 = arith.constant 16 : index
    %swap3A_76 = tpu.vector_load %arg19[%swap3A_75] {strides = array<i32>} : memref<128xf32, #tpu.memory_space<vmem>>, vector<16xf32>,
    %swap3A_77 = vector.shape_cast %swap3A_76 : vector<16xf32> to vector<16xf32>
    %swap3A_78 = vector.shape_cast %broadcast_in_dim3A_64 : vector<16xf32> to vector<16xf32>
    tpu.vector_store %arg19[%swap3A_75], %swap3A_78 {strides = array<i32>} : memref<128xf32, #tpu.memory_space<vmem>>, vector<16xf32>,
    %swap3A_79 = arith.constant 32 : index
    %swap3A_80 = tpu.vector_load %arg19[%swap3A_79] {strides = array<i32>} : memref<128xf32, #tpu.memory_space<vmem>>, vector<16xf32>,
    %swap3A_81 = vector.shape_cast %swap3A_80 : vector<16xf32> to vector<16xf32>
    %swap3A_82 = vector.shape_cast %broadcast_in_dim3A_64 : vector<16xf32> to vector<16xf32>
    tpu.vector_store %arg19[%swap3A_79], %swap3A_82 {strides = array<i32>} : memref<128xf32, #tpu.memory_space<vmem>>, vector<16xf32>,
    %swap3A_83 = arith.constant 48 : index
    %swap3A_84 = tpu.vector_load %arg19[%swap3A_83] {strides = array<i32>} : memref<128xf32, #tpu.memory_space<vmem>>, vector<16xf32>,
    %swap3A_85 = vector.shape_cast %swap3A_84 : vector<16xf32> to vector<16xf32>
    %swap3A_86 = vector.shape_cast %broadcast_in_dim3A_64 : vector<16xf32> to vector<16xf32>
    tpu.vector_store %arg19[%swap3A_83], %swap3A_86 {strides = array<i32>} : memref<128xf32, #tpu.memory_space<vmem>>, vector<16xf32>,
    %swap3A_87 = arith.constant 64 : index
    %swap3A_88 = tpu.vector_load %arg19[%swap3A_87] {strides = array<i32>} : memref<128xf32, #tpu.memory_space<vmem>>, vector<16xf32>,
    %swap3A_89 = vector.shape_cast %swap3A_88 : vector<16xf32> to vector<16xf32>
    %swap3A_90 = vector.shape_cast %broadcast_in_dim3A_64 : vector<16xf32> to vector<16xf32>
    tpu.vector_store %arg19[%swap3A_87], %swap3A_90 {strides = array<i32>} : memref<128xf32, #tpu.memory_space<vmem>>, vector<16xf32>,
    %swap3A_91 = arith.constant 80 : index
    %swap3A_92 = tpu.vector_load %arg19[%swap3A_91] {strides = array<i32>} : memref<128xf32, #tpu.memory_space<vmem>>, vector<16xf32>,
    %swap3A_93 = vector.shape_cast %swap3A_92 : vector<16xf32> to vector<16xf32>
    %swap3A_94 = vector.shape_cast %broadcast_in_dim3A_64 : vector<16xf32> to vector<16xf32>
    tpu.vector_store %arg19[%swap3A_91], %swap3A_94 {strides = array<i32>} : memref<128xf32, #tpu.memory_space<vmem>>, vector<16xf32>,
    %swap3A_95 = arith.constant 96 : index
    %swap3A_96 = tpu.vector_load %arg19[%swap3A_95] {strides = array<i32>} : memref<128xf32, #tpu.memory_space<vmem>>, vector<16xf32>,
    %swap3A_97 = vector.shape_cast %swap3A_96 : vector<16xf32> to vector<16xf32>
    %swap3A_98 = vector.shape_cast %broadcast_in_dim3A_64 : vector<16xf32> to vector<16xf32>
    tpu.vector_store %arg19[%swap3A_95], %swap3A_98 {strides = array<i32>} : memref<128xf32, #tpu.memory_space<vmem>>, vector<16xf32>,
    %swap3A_99 = arith.constant 112 : index
    %swap3A_100 = tpu.vector_load %arg19[%swap3A_99] {strides = array<i32>} : memref<128xf32, #tpu.memory_space<vmem>>, vector<16xf32>,
    %swap3A_101 = vector.shape_cast %swap3A_100 : vector<16xf32> to vector<16xf32>
    %swap3A_102 = vector.shape_cast %broadcast_in_dim3A_64 : vector<16xf32> to vector<16xf32>
    tpu.vector_store %arg19[%swap3A_99], %swap3A_102 {strides = array<i32>} : memref<128xf32, #tpu.memory_space<vmem>>, vector<16xf32>,
    %dma_wait3A = arith.constant 0 : i32
    %dma_wait3A_103 = arith.constant 0 : i32
    %dma_wait3A_104 = arith.constant 0 : i32
    %dma_wait3A_105 = tpu.memref_slice %arg16[%dma_wait3A_103, %dma_wait3A_104] : memref<256x128xi32, #tpu.memory_space<vmem>> -> memref<128x128xi32, #tpu.memory_space<vmem>>
    %dma_wait3A_106 = arith.constant 0 : i32
    %dma_wait3A_107 = tpu.memref_slice %arg13[%dma_wait3A, %dma_wait3A_106] : memref<2x128xi32, #tpu.memory_space<vmem>> -> memref<1x128xi32, #tpu.memory_space<vmem>>
    %dma_wait3A_108 = tpu.memref_squeeze %dma_wait3A_107 : memref<1x128xi32, #tpu.memory_space<vmem>> -> memref<128xi32, #tpu.memory_space<vmem>>
    %dma_wait3A_109 = arith.constant 0 : i32
    %dma_wait3A_110 = arith.constant 0 : i32
    %dma_wait3A_111 = tpu.memref_slice %arg7[%dma_wait3A_109, %dma_wait3A_110] : memref<100000x128xi32, #tpu.memory_space<hbm>> -> memref<100000x128xi32, #tpu.memory_space<hbm>>
    tpu.wait_indirect_dma semaphore(%arg23 : memref<!tpu.dma_semaphore, #tpu.memory_space<semaphore_mem>>) src(%dma_wait3A_111 : memref<100000x128xi32, #tpu.memory_space<hbm>>) dst(%dma_wait3A_105 : memref<128x128xi32, #tpu.memory_space<vmem>>)
    %dma_wait3A_112 = arith.constant 1 : i32
    %dma_wait3A_113 = arith.constant 128 : i32
    %dma_wait3A_114 = arith.constant 0 : i32
    %dma_wait3A_115 = tpu.memref_slice %arg16[%dma_wait3A_113, %dma_wait3A_114] : memref<256x128xi32, #tpu.memory_space<vmem>> -> memref<128x128xi32, #tpu.memory_space<vmem>>
    %dma_wait3A_116 = arith.constant 0 : i32
    %dma_wait3A_117 = tpu.memref_slice %arg13[%dma_wait3A_112, %dma_wait3A_116] : memref<2x128xi32, #tpu.memory_space<vmem>> -> memref<1x128xi32, #tpu.memory_space<vmem>>
    %dma_wait3A_118 = tpu.memref_squeeze %dma_wait3A_117 : memref<1x128xi32, #tpu.memory_space<vmem>> -> memref<128xi32, #tpu.memory_space<vmem>>
    %dma_wait3A_119 = arith.constant 0 : i32
    %dma_wait3A_120 = arith.constant 0 : i32
    %dma_wait3A_121 = tpu.memref_slice %arg7[%dma_wait3A_119, %dma_wait3A_120] : memref<100000x128xi32, #tpu.memory_space<hbm>> -> memref<100000x128xi32, #tpu.memory_space<hbm>>
    tpu.wait_indirect_dma semaphore(%arg23 : memref<!tpu.dma_semaphore, #tpu.memory_space<semaphore_mem>>) src(%dma_wait3A_121 : memref<100000x128xi32, #tpu.memory_space<hbm>>) dst(%dma_wait3A_115 : memref<128x128xi32, #tpu.memory_space<vmem>>)
    %iota3A = tpu.iota {dimensions = array<i32: 0>} : vector<16xi32>
    %lt3A = arith.constant 2 : i32
    %lt3A_122 = vector.broadcast %lt3A : i32 to vector<16xi32>
    %lt3A_123 = arith.cmpi slt, %iota3A, %lt3A_122 : vector<16xi32>
    %broadcast_in_dim3A_124 = arith.constant 16777216 : i32
    %broadcast_in_dim3A_125 = vector.broadcast %broadcast_in_dim3A_124 : i32 to vector<16xi32>
    %scan3A_126 = arith.constant 0 : i32
    %scan3A_127 = arith.constant 0 : i32
    %scan3A_128 = arith.constant 256 : i32
    %scan3A_129 = arith.addi %scan3A_127, %scan3A_128 : i32
    %scan3A_130 = arith.constant 1 : i32
    scf.for %scan3A_414 = %scan3A_127 to %scan3A_129 step %scan3A_130  : i32 {
      %mul3A_415 = arith.constant 256 : i32
      %mul3A_416 = arith.muli %arg1, %mul3A_415 : i32
      %add3A_417 = arith.addi %mul3A_416, %scan3A_414 : i32
      %mul3A_418 = arith.constant 50 : i32
      %mul3A_419 = arith.muli %add3A_417, %mul3A_418 : i32
      %broadcast_in_dim3A_420 = vector.broadcast %mul3A_419 : i32 to vector<16xi32>
      %shift_right_arithmetic3A = arith.constant 1 : i32
      %shift_right_arithmetic3A_421 = arith.shrsi %scan3A_414, %shift_right_arithmetic3A : i32
      %and3A = arith.constant 1 : i32
      %and3A_422 = arith.andi %scan3A_414, %and3A : i32
      %mul3A_423 = arith.constant 64 : i32
      %mul3A_424 = arith.muli %and3A_422, %mul3A_423 : i32
      %add3A_425 = arith.constant 0 : i32
      %add3A_426 = vector.broadcast %add3A_425 : i32 to vector<16xi32>
      %add3A_427 = arith.addi %iota3A, %add3A_426 : vector<16xi32>
      %get3A = arith.index_cast %scan3A_414 : i32 to index
      %get3A_428 = arith.constant 0 : index
      %get3A_429 = tpu.vector_load %arg16[%get3A, %get3A_428] {strides = array<i32>} : memref<256x128xi32, #tpu.memory_space<vmem>>, vector<1x16xi32>,
      %get3A_430 = vector.shape_cast %get3A_429 : vector<1x16xi32> to vector<16xi32>
      %max3A = arith.constant 0 : i32
      %max3A_431 = vector.broadcast %max3A : i32 to vector<16xi32>
      %max3A_432 = arith.maxsi %get3A_430, %max3A_431 : vector<16xi32>
      %min3A = arith.constant 127 : i32
      %min3A_433 = vector.broadcast %min3A : i32 to vector<16xi32>
      %min3A_434 = arith.minsi %max3A_432, %min3A_433 : vector<16xi32>
      %add3A_435 = arith.addi %broadcast_in_dim3A_420, %add3A_427 : vector<16xi32>
      %and3A_436 = arith.constant 4095 : i32
      %and3A_437 = vector.broadcast %and3A_436 : i32 to vector<16xi32>
      %and3A_438 = arith.andi %add3A_435, %and3A_437 : vector<16xi32>
      %shift_left3A = arith.constant 7 : i32
      %shift_left3A_439 = vector.broadcast %shift_left3A : i32 to vector<16xi32>
      %shift_left3A_440 = arith.shli %and3A_438, %shift_left3A_439 : vector<16xi32>
      %add3A_441 = arith.addi %shift_left3A_440, %min3A_434 : vector<16xi32>
      %add3A_442 = arith.constant 0 : i32
      %add3A_443 = arith.addi %mul3A_424, %add3A_442 : i32
      %swap3A_444 = arith.index_cast %shift_right_arithmetic3A_421 : i32 to index
      %swap3A_445 = arith.index_cast %add3A_443 : i32 to index
      %swap3A_446 = tpu.vector_load %arg17[%swap3A_444, %swap3A_445] {strides = array<i32>} : memref<128x128xi32, #tpu.memory_space<vmem>>, vector<1x16xi32>,
      %swap3A_447 = vector.shape_cast %swap3A_446 : vector<1x16xi32> to vector<16xi32>
      %swap3A_448 = vector.shape_cast %add3A_441 : vector<16xi32> to vector<1x16xi32>
      tpu.vector_store %arg17[%swap3A_444, %swap3A_445], %swap3A_448 {strides = array<i32>} : memref<128x128xi32, #tpu.memory_space<vmem>>, vector<1x16xi32>,
      %add3A_449 = arith.constant 16 : i32
      %add3A_450 = vector.broadcast %add3A_449 : i32 to vector<16xi32>
      %add3A_451 = arith.addi %iota3A, %add3A_450 : vector<16xi32>
      %get3A_452 = arith.index_cast %scan3A_414 : i32 to index
      %get3A_453 = arith.constant 16 : index
      %get3A_454 = tpu.vector_load %arg16[%get3A_452, %get3A_453] {strides = array<i32>} : memref<256x128xi32, #tpu.memory_space<vmem>>, vector<1x16xi32>,
      %get3A_455 = vector.shape_cast %get3A_454 : vector<1x16xi32> to vector<16xi32>
      %max3A_456 = arith.constant 0 : i32
      %max3A_457 = vector.broadcast %max3A_456 : i32 to vector<16xi32>
      %max3A_458 = arith.maxsi %get3A_455, %max3A_457 : vector<16xi32>
      %min3A_459 = arith.constant 127 : i32
      %min3A_460 = vector.broadcast %min3A_459 : i32 to vector<16xi32>
      %min3A_461 = arith.minsi %max3A_458, %min3A_460 : vector<16xi32>
      %add3A_462 = arith.addi %broadcast_in_dim3A_420, %add3A_451 : vector<16xi32>
      %and3A_463 = arith.constant 4095 : i32
      %and3A_464 = vector.broadcast %and3A_463 : i32 to vector<16xi32>
      %and3A_465 = arith.andi %add3A_462, %and3A_464 : vector<16xi32>
      %shift_left3A_466 = arith.constant 7 : i32
      %shift_left3A_467 = vector.broadcast %shift_left3A_466 : i32 to vector<16xi32>
      %shift_left3A_468 = arith.shli %and3A_465, %shift_left3A_467 : vector<16xi32>
      %add3A_469 = arith.addi %shift_left3A_468, %min3A_461 : vector<16xi32>
      %add3A_470 = arith.constant 16 : i32
      %add3A_471 = arith.addi %mul3A_424, %add3A_470 : i32
      %swap3A_472 = arith.index_cast %shift_right_arithmetic3A_421 : i32 to index
      %swap3A_473 = arith.index_cast %add3A_471 : i32 to index
      %swap3A_474 = tpu.vector_load %arg17[%swap3A_472, %swap3A_473] {strides = array<i32>} : memref<128x128xi32, #tpu.memory_space<vmem>>, vector<1x16xi32>,
      %swap3A_475 = vector.shape_cast %swap3A_474 : vector<1x16xi32> to vector<16xi32>
      %swap3A_476 = vector.shape_cast %add3A_469 : vector<16xi32> to vector<1x16xi32>
      tpu.vector_store %arg17[%swap3A_472, %swap3A_473], %swap3A_476 {strides = array<i32>} : memref<128x128xi32, #tpu.memory_space<vmem>>, vector<1x16xi32>,
      %add3A_477 = arith.constant 32 : i32
      %add3A_478 = vector.broadcast %add3A_477 : i32 to vector<16xi32>
      %add3A_479 = arith.addi %iota3A, %add3A_478 : vector<16xi32>
      %get3A_480 = arith.index_cast %scan3A_414 : i32 to index
      %get3A_481 = arith.constant 32 : index
      %get3A_482 = tpu.vector_load %arg16[%get3A_480, %get3A_481] {strides = array<i32>} : memref<256x128xi32, #tpu.memory_space<vmem>>, vector<1x16xi32>,
      %get3A_483 = vector.shape_cast %get3A_482 : vector<1x16xi32> to vector<16xi32>
      %max3A_484 = arith.constant 0 : i32
      %max3A_485 = vector.broadcast %max3A_484 : i32 to vector<16xi32>
      %max3A_486 = arith.maxsi %get3A_483, %max3A_485 : vector<16xi32>
      %min3A_487 = arith.constant 127 : i32
      %min3A_488 = vector.broadcast %min3A_487 : i32 to vector<16xi32>
      %min3A_489 = arith.minsi %max3A_486, %min3A_488 : vector<16xi32>
      %add3A_490 = arith.addi %broadcast_in_dim3A_420, %add3A_479 : vector<16xi32>
      %and3A_491 = arith.constant 4095 : i32
      %and3A_492 = vector.broadcast %and3A_491 : i32 to vector<16xi32>
      %and3A_493 = arith.andi %add3A_490, %and3A_492 : vector<16xi32>
      %shift_left3A_494 = arith.constant 7 : i32
      %shift_left3A_495 = vector.broadcast %shift_left3A_494 : i32 to vector<16xi32>
      %shift_left3A_496 = arith.shli %and3A_493, %shift_left3A_495 : vector<16xi32>
      %add3A_497 = arith.addi %shift_left3A_496, %min3A_489 : vector<16xi32>
      %add3A_498 = arith.constant 32 : i32
      %add3A_499 = arith.addi %mul3A_424, %add3A_498 : i32
      %swap3A_500 = arith.index_cast %shift_right_arithmetic3A_421 : i32 to index
      %swap3A_501 = arith.index_cast %add3A_499 : i32 to index
      %swap3A_502 = tpu.vector_load %arg17[%swap3A_500, %swap3A_501] {strides = array<i32>} : memref<128x128xi32, #tpu.memory_space<vmem>>, vector<1x16xi32>,
      %swap3A_503 = vector.shape_cast %swap3A_502 : vector<1x16xi32> to vector<16xi32>
      %swap3A_504 = vector.shape_cast %add3A_497 : vector<16xi32> to vector<1x16xi32>
      tpu.vector_store %arg17[%swap3A_500, %swap3A_501], %swap3A_504 {strides = array<i32>} : memref<128x128xi32, #tpu.memory_space<vmem>>, vector<1x16xi32>,
      %add3A_505 = arith.constant 48 : i32
      %add3A_506 = vector.broadcast %add3A_505 : i32 to vector<16xi32>
      %add3A_507 = arith.addi %iota3A, %add3A_506 : vector<16xi32>
      %get3A_508 = arith.index_cast %scan3A_414 : i32 to index
      %get3A_509 = arith.constant 48 : index
      %get3A_510 = tpu.vector_load %arg16[%get3A_508, %get3A_509] {strides = array<i32>} : memref<256x128xi32, #tpu.memory_space<vmem>>, vector<1x16xi32>,
      %get3A_511 = vector.shape_cast %get3A_510 : vector<1x16xi32> to vector<16xi32>
      %max3A_512 = arith.constant 0 : i32
      %max3A_513 = vector.broadcast %max3A_512 : i32 to vector<16xi32>
      %max3A_514 = arith.maxsi %get3A_511, %max3A_513 : vector<16xi32>
      %min3A_515 = arith.constant 127 : i32
      %min3A_516 = vector.broadcast %min3A_515 : i32 to vector<16xi32>
      %min3A_517 = arith.minsi %max3A_514, %min3A_516 : vector<16xi32>
      %add3A_518 = arith.addi %broadcast_in_dim3A_420, %add3A_507 : vector<16xi32>
      %and3A_519 = arith.constant 4095 : i32
      %and3A_520 = vector.broadcast %and3A_519 : i32 to vector<16xi32>
      %and3A_521 = arith.andi %add3A_518, %and3A_520 : vector<16xi32>
      %shift_left3A_522 = arith.constant 7 : i32
      %shift_left3A_523 = vector.broadcast %shift_left3A_522 : i32 to vector<16xi32>
      %shift_left3A_524 = arith.shli %and3A_521, %shift_left3A_523 : vector<16xi32>
      %add3A_525 = arith.addi %shift_left3A_524, %min3A_517 : vector<16xi32>
      %select_n3A = arith.select %lt3A_123, %add3A_525, %broadcast_in_dim3A_125 : vector<16xi1>, vector<16xi32>
      %add3A_526 = arith.constant 48 : i32
      %add3A_527 = arith.addi %mul3A_424, %add3A_526 : i32
      %swap3A_528 = arith.index_cast %shift_right_arithmetic3A_421 : i32 to index
      %swap3A_529 = arith.index_cast %add3A_527 : i32 to index
      %swap3A_530 = tpu.vector_load %arg17[%swap3A_528, %swap3A_529] {strides = array<i32>} : memref<128x128xi32, #tpu.memory_space<vmem>>, vector<1x16xi32>,
      %swap3A_531 = vector.shape_cast %swap3A_530 : vector<1x16xi32> to vector<16xi32>
      %swap3A_532 = vector.shape_cast %select_n3A : vector<16xi32> to vector<1x16xi32>
      tpu.vector_store %arg17[%swap3A_528, %swap3A_529], %swap3A_532 {strides = array<i32>} : memref<128x128xi32, #tpu.memory_space<vmem>>, vector<1x16xi32>,
    }
    %scan3A_131 = arith.constant 256 : i32
    %broadcast_in_dim3A_132 = arith.constant 65536 : i32
    %broadcast_in_dim3A_133 = vector.broadcast %broadcast_in_dim3A_132 : i32 to vector<16xi32>
    %add3A_134 = arith.addi %broadcast_in_dim3A_133, %iota3A : vector<16xi32>
    %mul3A_135 = arith.constant 4112 : i32
    %mul3A_136 = arith.muli %arg1, %mul3A_135 : i32
    %add3A_137 = arith.constant 0 : i32
    %add3A_138 = arith.addi %mul3A_136, %add3A_137 : i32
    "tpu.region"() ({
      %run_scoped3A = tpu.sem_alloc : memref<!tpu.dma_semaphore, #tpu.memory_space<semaphore_mem>>
      %dma_start3A_414 = arith.constant 0 : i32
      %dma_start3A_415 = tpu.memref_slice %arg20[%dma_start3A_414] : memref<4112xf32, #tpu.memory_space<vmem>> -> memref<2056xf32, #tpu.memory_space<vmem>>
      %dma_start3A_416 = tpu.memref_slice %arg21[%add3A_138] : memref<65792xf32, #tpu.memory_space<vmem_shared>> -> memref<2056xf32, #tpu.memory_space<vmem_shared>>
      %dma_start3A_417 = tpu.memref_slice %arg21[%add3A_138] : memref<65792xf32, #tpu.memory_space<vmem_shared>> -> memref<2056xf32, #tpu.memory_space<vmem_shared>>
      %dma_start3A_418 = arith.constant 0 : i32
      %dma_start3A_419 = tpu.memref_slice %arg20[%dma_start3A_418] : memref<4112xf32, #tpu.memory_space<vmem>> -> memref<2056xf32, #tpu.memory_space<vmem>>
      tpu.enqueue_dma source(%dma_start3A_419 : memref<2056xf32, #tpu.memory_space<vmem>>) target(%dma_start3A_417 : memref<2056xf32, #tpu.memory_space<vmem_shared>>) target_semaphore(%run_scoped3A : memref<!tpu.dma_semaphore, #tpu.memory_space<semaphore_mem>>)
      %dma_wait3A_420 = arith.constant 0 : i32
      %dma_wait3A_421 = tpu.memref_slice %arg20[%dma_wait3A_420] : memref<4112xf32, #tpu.memory_space<vmem>> -> memref<2056xf32, #tpu.memory_space<vmem>>
      %dma_wait3A_422 = tpu.memref_slice %arg21[%add3A_138] : memref<65792xf32, #tpu.memory_space<vmem_shared>> -> memref<2056xf32, #tpu.memory_space<vmem_shared>>
      %dma_wait3A_423 = tpu.memref_slice %arg21[%add3A_138] : memref<65792xf32, #tpu.memory_space<vmem_shared>> -> memref<2056xf32, #tpu.memory_space<vmem_shared>>
      %dma_wait3A_424 = arith.constant 0 : i32
      %dma_wait3A_425 = tpu.memref_slice %arg20[%dma_wait3A_424] : memref<4112xf32, #tpu.memory_space<vmem>> -> memref<2056xf32, #tpu.memory_space<vmem>>
      tpu.wait_dma2 semaphore(%run_scoped3A : memref<!tpu.dma_semaphore, #tpu.memory_space<semaphore_mem>>) src(%dma_wait3A_425 : memref<2056xf32, #tpu.memory_space<vmem>>) dst(%dma_wait3A_423 : memref<2056xf32, #tpu.memory_space<vmem_shared>>)
      tpu.yield
    }) : () -> ()
    %mul3A_139 = arith.constant 4112 : i32
    %mul3A_140 = arith.muli %arg1, %mul3A_139 : i32
    %add3A_141 = arith.constant 2056 : i32
    %add3A_142 = arith.addi %mul3A_140, %add3A_141 : i32
    "tpu.region"() ({
      %run_scoped3A = tpu.sem_alloc : memref<!tpu.dma_semaphore, #tpu.memory_space<semaphore_mem>>
      %dma_start3A_414 = arith.constant 2056 : i32
      %dma_start3A_415 = tpu.memref_slice %arg20[%dma_start3A_414] : memref<4112xf32, #tpu.memory_space<vmem>> -> memref<2056xf32, #tpu.memory_space<vmem>>
      %dma_start3A_416 = tpu.memref_slice %arg21[%add3A_142] : memref<65792xf32, #tpu.memory_space<vmem_shared>> -> memref<2056xf32, #tpu.memory_space<vmem_shared>>
      %dma_start3A_417 = tpu.memref_slice %arg21[%add3A_142] : memref<65792xf32, #tpu.memory_space<vmem_shared>> -> memref<2056xf32, #tpu.memory_space<vmem_shared>>
      %dma_start3A_418 = arith.constant 2056 : i32
      %dma_start3A_419 = tpu.memref_slice %arg20[%dma_start3A_418] : memref<4112xf32, #tpu.memory_space<vmem>> -> memref<2056xf32, #tpu.memory_space<vmem>>
      tpu.enqueue_dma source(%dma_start3A_419 : memref<2056xf32, #tpu.memory_space<vmem>>) target(%dma_start3A_417 : memref<2056xf32, #tpu.memory_space<vmem_shared>>) target_semaphore(%run_scoped3A : memref<!tpu.dma_semaphore, #tpu.memory_space<semaphore_mem>>)
      %dma_wait3A_420 = arith.constant 2056 : i32
      %dma_wait3A_421 = tpu.memref_slice %arg20[%dma_wait3A_420] : memref<4112xf32, #tpu.memory_space<vmem>> -> memref<2056xf32, #tpu.memory_space<vmem>>
      %dma_wait3A_422 = tpu.memref_slice %arg21[%add3A_142] : memref<65792xf32, #tpu.memory_space<vmem_shared>> -> memref<2056xf32, #tpu.memory_space<vmem_shared>>
      %dma_wait3A_423 = tpu.memref_slice %arg21[%add3A_142] : memref<65792xf32, #tpu.memory_space<vmem_shared>> -> memref<2056xf32, #tpu.memory_space<vmem_shared>>
      %dma_wait3A_424 = arith.constant 2056 : i32
      %dma_wait3A_425 = tpu.memref_slice %arg20[%dma_wait3A_424] : memref<4112xf32, #tpu.memory_space<vmem>> -> memref<2056xf32, #tpu.memory_space<vmem>>
      tpu.wait_dma2 semaphore(%run_scoped3A : memref<!tpu.dma_semaphore, #tpu.memory_space<semaphore_mem>>) src(%dma_wait3A_425 : memref<2056xf32, #tpu.memory_space<vmem>>) dst(%dma_wait3A_423 : memref<2056xf32, #tpu.memory_space<vmem_shared>>)
      tpu.yield
    }) : () -> ()
    %barrier3A = arith.constant 0 : index
    tpu.barrier barrier_id(%barrier3A)
    %scan3A_143 = arith.constant 0 : i32
    %scan3A_144 = arith.constant 0 : i32
    %scan3A_145 = arith.constant 128 : i32
    %scan3A_146 = arith.addi %scan3A_144, %scan3A_145 : i32
    %scan3A_147 = arith.constant 1 : i32
    scf.for %scan3A_414 = %scan3A_144 to %scan3A_146 step %scan3A_147  : i32 {
      %mul3A_415 = arith.constant 256 : i32
      %mul3A_416 = arith.muli %arg1, %mul3A_415 : i32
      %mul3A_417 = arith.constant 2 : i32
      %mul3A_418 = arith.muli %mul3A_417, %scan3A_414 : i32
      %add3A_419 = arith.addi %mul3A_416, %mul3A_418 : i32
      %mul3A_420 = arith.constant 50 : i32
      %mul3A_421 = arith.muli %add3A_419, %mul3A_420 : i32
      %and3A = arith.constant 4095 : i32
      %and3A_422 = arith.andi %mul3A_421, %and3A : i32
      %add3A_423 = arith.constant 100 : i32
      %add3A_424 = arith.addi %mul3A_421, %add3A_423 : i32
      %sub3A = arith.constant 1 : i32
      %sub3A_425 = arith.subi %add3A_424, %sub3A : i32
      %and3A_426 = arith.constant 4095 : i32
      %and3A_427 = arith.andi %sub3A_425, %and3A_426 : i32
      %ge3A = arith.constant 0 : i32
      %ge3A_428 = arith.cmpi sge, %and3A_422, %ge3A : i32
      %lt3A_429 = arith.constant 512 : i32
      %lt3A_430 = arith.cmpi slt, %and3A_422, %lt3A_429 : i32
      %and3A_431 = arith.andi %ge3A_428, %lt3A_430 : i1
      %ge3A_432 = arith.constant 0 : i32
      %ge3A_433 = arith.cmpi sge, %and3A_427, %ge3A_432 : i32
      %lt3A_434 = arith.constant 512 : i32
      %lt3A_435 = arith.cmpi slt, %and3A_427, %lt3A_434 : i32
      %and3A_436 = arith.andi %ge3A_433, %lt3A_435 : i1
      %or3A = arith.ori %and3A_431, %and3A_436 : i1
      %convert_element_type3A = arith.extui %or3A : i1 to i32
      %cond3A = arith.constant 0 : i32
      %cond3A_437 = arith.cmpi ne, %convert_element_type3A, %cond3A : i32
      scf.if %cond3A_437 {
        %get3A = arith.index_cast %scan3A_414 : i32 to index
        %get3A_438 = arith.constant 0 : index
        %get3A_439 = tpu.vector_load %arg17[%get3A, %get3A_438] {strides = array<i32>} : memref<128x128xi32, #tpu.memory_space<vmem>>, vector<1x16xi32>,
        %get3A_440 = vector.shape_cast %get3A_439 : vector<1x16xi32> to vector<16xi32>
        %ge3A_441 = arith.constant 0 : i32
        %ge3A_442 = vector.broadcast %ge3A_441 : i32 to vector<16xi32>
        %ge3A_443 = arith.cmpi sge, %get3A_440, %ge3A_442 : vector<16xi32>
        %lt3A_444 = arith.constant 65536 : i32
        %lt3A_445 = vector.broadcast %lt3A_444 : i32 to vector<16xi32>
        %lt3A_446 = arith.cmpi slt, %get3A_440, %lt3A_445 : vector<16xi32>
        %and3A_447 = arith.andi %ge3A_443, %lt3A_446 : vector<16xi1>
        %sub3A_448 = arith.constant 0 : i32
        %sub3A_449 = vector.broadcast %sub3A_448 : i32 to vector<16xi32>
        %sub3A_450 = arith.subi %get3A_440, %sub3A_449 : vector<16xi32>
        %select_n3A = arith.select %and3A_447, %sub3A_450, %add3A_134 : vector<16xi1>, vector<16xi32>
        %swap3A_451 = arith.constant 0 : i32
        %swap3A_452 = arith.index_cast %swap3A_451 : i32 to index
        %swap3A_453 = arith.constant 0 : index
        %swap3A_454 = tpu.vector_load %arg18[%swap3A_452, %swap3A_453] {strides = array<i32>} : memref<1x128xi32, #tpu.memory_space<vmem>>, vector<1x16xi32>,
        %swap3A_455 = vector.shape_cast %swap3A_454 : vector<1x16xi32> to vector<16xi32>
        %swap3A_456 = vector.shape_cast %select_n3A : vector<16xi32> to vector<1x16xi32>
        tpu.vector_store %arg18[%swap3A_452, %swap3A_453], %swap3A_456 {strides = array<i32>} : memref<1x128xi32, #tpu.memory_space<vmem>>, vector<1x16xi32>,
        %get3A_457 = arith.index_cast %scan3A_414 : i32 to index
        %get3A_458 = arith.constant 16 : index
        %get3A_459 = tpu.vector_load %arg17[%get3A_457, %get3A_458] {strides = array<i32>} : memref<128x128xi32, #tpu.memory_space<vmem>>, vector<1x16xi32>,
        %get3A_460 = vector.shape_cast %get3A_459 : vector<1x16xi32> to vector<16xi32>
        %ge3A_461 = arith.constant 0 : i32
        %ge3A_462 = vector.broadcast %ge3A_461 : i32 to vector<16xi32>
        %ge3A_463 = arith.cmpi sge, %get3A_460, %ge3A_462 : vector<16xi32>
        %lt3A_464 = arith.constant 65536 : i32
        %lt3A_465 = vector.broadcast %lt3A_464 : i32 to vector<16xi32>
        %lt3A_466 = arith.cmpi slt, %get3A_460, %lt3A_465 : vector<16xi32>
        %and3A_467 = arith.andi %ge3A_463, %lt3A_466 : vector<16xi1>
        %sub3A_468 = arith.constant 0 : i32
        %sub3A_469 = vector.broadcast %sub3A_468 : i32 to vector<16xi32>
        %sub3A_470 = arith.subi %get3A_460, %sub3A_469 : vector<16xi32>
        %select_n3A_471 = arith.select %and3A_467, %sub3A_470, %add3A_134 : vector<16xi1>, vector<16xi32>
        %swap3A_472 = arith.constant 0 : i32
        %swap3A_473 = arith.index_cast %swap3A_472 : i32 to index
        %swap3A_474 = arith.constant 16 : index
        %swap3A_475 = tpu.vector_load %arg18[%swap3A_473, %swap3A_474] {strides = array<i32>} : memref<1x128xi32, #tpu.memory_space<vmem>>, vector<1x16xi32>,
        %swap3A_476 = vector.shape_cast %swap3A_475 : vector<1x16xi32> to vector<16xi32>
        %swap3A_477 = vector.shape_cast %select_n3A_471 : vector<16xi32> to vector<1x16xi32>
        tpu.vector_store %arg18[%swap3A_473, %swap3A_474], %swap3A_477 {strides = array<i32>} : memref<1x128xi32, #tpu.memory_space<vmem>>, vector<1x16xi32>,
        %get3A_478 = arith.index_cast %scan3A_414 : i32 to index
        %get3A_479 = arith.constant 32 : index
        %get3A_480 = tpu.vector_load %arg17[%get3A_478, %get3A_479] {strides = array<i32>} : memref<128x128xi32, #tpu.memory_space<vmem>>, vector<1x16xi32>,
        %get3A_481 = vector.shape_cast %get3A_480 : vector<1x16xi32> to vector<16xi32>
        %ge3A_482 = arith.constant 0 : i32
        %ge3A_483 = vector.broadcast %ge3A_482 : i32 to vector<16xi32>
        %ge3A_484 = arith.cmpi sge, %get3A_481, %ge3A_483 : vector<16xi32>
        %lt3A_485 = arith.constant 65536 : i32
        %lt3A_486 = vector.broadcast %lt3A_485 : i32 to vector<16xi32>
        %lt3A_487 = arith.cmpi slt, %get3A_481, %lt3A_486 : vector<16xi32>
        %and3A_488 = arith.andi %ge3A_484, %lt3A_487 : vector<16xi1>
        %sub3A_489 = arith.constant 0 : i32
        %sub3A_490 = vector.broadcast %sub3A_489 : i32 to vector<16xi32>
        %sub3A_491 = arith.subi %get3A_481, %sub3A_490 : vector<16xi32>
        %select_n3A_492 = arith.select %and3A_488, %sub3A_491, %add3A_134 : vector<16xi1>, vector<16xi32>
        %swap3A_493 = arith.constant 0 : i32
        %swap3A_494 = arith.index_cast %swap3A_493 : i32 to index
        %swap3A_495 = arith.constant 32 : index
        %swap3A_496 = tpu.vector_load %arg18[%swap3A_494, %swap3A_495] {strides = array<i32>} : memref<1x128xi32, #tpu.memory_space<vmem>>, vector<1x16xi32>,
        %swap3A_497 = vector.shape_cast %swap3A_496 : vector<1x16xi32> to vector<16xi32>
        %swap3A_498 = vector.shape_cast %select_n3A_492 : vector<16xi32> to vector<1x16xi32>
        tpu.vector_store %arg18[%swap3A_494, %swap3A_495], %swap3A_498 {strides = array<i32>} : memref<1x128xi32, #tpu.memory_space<vmem>>, vector<1x16xi32>,
        %get3A_499 = arith.index_cast %scan3A_414 : i32 to index
        %get3A_500 = arith.constant 48 : index
        %get3A_501 = tpu.vector_load %arg17[%get3A_499, %get3A_500] {strides = array<i32>} : memref<128x128xi32, #tpu.memory_space<vmem>>, vector<1x16xi32>,
        %get3A_502 = vector.shape_cast %get3A_501 : vector<1x16xi32> to vector<16xi32>
        %ge3A_503 = arith.constant 0 : i32
        %ge3A_504 = vector.broadcast %ge3A_503 : i32 to vector<16xi32>
        %ge3A_505 = arith.cmpi sge, %get3A_502, %ge3A_504 : vector<16xi32>
        %lt3A_506 = arith.constant 65536 : i32
        %lt3A_507 = vector.broadcast %lt3A_506 : i32 to vector<16xi32>
        %lt3A_508 = arith.cmpi slt, %get3A_502, %lt3A_507 : vector<16xi32>
        %and3A_509 = arith.andi %ge3A_505, %lt3A_508 : vector<16xi1>
        %sub3A_510 = arith.constant 0 : i32
        %sub3A_511 = vector.broadcast %sub3A_510 : i32 to vector<16xi32>
        %sub3A_512 = arith.subi %get3A_502, %sub3A_511 : vector<16xi32>
        %select_n3A_513 = arith.select %and3A_509, %sub3A_512, %add3A_134 : vector<16xi1>, vector<16xi32>
        %swap3A_514 = arith.constant 0 : i32
        %swap3A_515 = arith.index_cast %swap3A_514 : i32 to index
        %swap3A_516 = arith.constant 48 : index
        %swap3A_517 = tpu.vector_load %arg18[%swap3A_515, %swap3A_516] {strides = array<i32>} : memref<1x128xi32, #tpu.memory_space<vmem>>, vector<1x16xi32>,
        %swap3A_518 = vector.shape_cast %swap3A_517 : vector<1x16xi32> to vector<16xi32>
        %swap3A_519 = vector.shape_cast %select_n3A_513 : vector<16xi32> to vector<1x16xi32>
        tpu.vector_store %arg18[%swap3A_515, %swap3A_516], %swap3A_519 {strides = array<i32>} : memref<1x128xi32, #tpu.memory_space<vmem>>, vector<1x16xi32>,
        %get3A_520 = arith.index_cast %scan3A_414 : i32 to index
        %get3A_521 = arith.constant 64 : index
        %get3A_522 = tpu.vector_load %arg17[%get3A_520, %get3A_521] {strides = array<i32>} : memref<128x128xi32, #tpu.memory_space<vmem>>, vector<1x16xi32>,
        %get3A_523 = vector.shape_cast %get3A_522 : vector<1x16xi32> to vector<16xi32>
        %ge3A_524 = arith.constant 0 : i32
        %ge3A_525 = vector.broadcast %ge3A_524 : i32 to vector<16xi32>
        %ge3A_526 = arith.cmpi sge, %get3A_523, %ge3A_525 : vector<16xi32>
        %lt3A_527 = arith.constant 65536 : i32
        %lt3A_528 = vector.broadcast %lt3A_527 : i32 to vector<16xi32>
        %lt3A_529 = arith.cmpi slt, %get3A_523, %lt3A_528 : vector<16xi32>
        %and3A_530 = arith.andi %ge3A_526, %lt3A_529 : vector<16xi1>
        %sub3A_531 = arith.constant 0 : i32
        %sub3A_532 = vector.broadcast %sub3A_531 : i32 to vector<16xi32>
        %sub3A_533 = arith.subi %get3A_523, %sub3A_532 : vector<16xi32>
        %select_n3A_534 = arith.select %and3A_530, %sub3A_533, %add3A_134 : vector<16xi1>, vector<16xi32>
        %swap3A_535 = arith.constant 0 : i32
        %swap3A_536 = arith.index_cast %swap3A_535 : i32 to index
        %swap3A_537 = arith.constant 64 : index
        %swap3A_538 = tpu.vector_load %arg18[%swap3A_536, %swap3A_537] {strides = array<i32>} : memref<1x128xi32, #tpu.memory_space<vmem>>, vector<1x16xi32>,
        %swap3A_539 = vector.shape_cast %swap3A_538 : vector<1x16xi32> to vector<16xi32>
        %swap3A_540 = vector.shape_cast %select_n3A_534 : vector<16xi32> to vector<1x16xi32>
        tpu.vector_store %arg18[%swap3A_536, %swap3A_537], %swap3A_540 {strides = array<i32>} : memref<1x128xi32, #tpu.memory_space<vmem>>, vector<1x16xi32>,
        %get3A_541 = arith.index_cast %scan3A_414 : i32 to index
        %get3A_542 = arith.constant 80 : index
        %get3A_543 = tpu.vector_load %arg17[%get3A_541, %get3A_542] {strides = array<i32>} : memref<128x128xi32, #tpu.memory_space<vmem>>, vector<1x16xi32>,
        %get3A_544 = vector.shape_cast %get3A_543 : vector<1x16xi32> to vector<16xi32>
        %ge3A_545 = arith.constant 0 : i32
        %ge3A_546 = vector.broadcast %ge3A_545 : i32 to vector<16xi32>
        %ge3A_547 = arith.cmpi sge, %get3A_544, %ge3A_546 : vector<16xi32>
        %lt3A_548 = arith.constant 65536 : i32
        %lt3A_549 = vector.broadcast %lt3A_548 : i32 to vector<16xi32>
        %lt3A_550 = arith.cmpi slt, %get3A_544, %lt3A_549 : vector<16xi32>
        %and3A_551 = arith.andi %ge3A_547, %lt3A_550 : vector<16xi1>
        %sub3A_552 = arith.constant 0 : i32
        %sub3A_553 = vector.broadcast %sub3A_552 : i32 to vector<16xi32>
        %sub3A_554 = arith.subi %get3A_544, %sub3A_553 : vector<16xi32>
        %select_n3A_555 = arith.select %and3A_551, %sub3A_554, %add3A_134 : vector<16xi1>, vector<16xi32>
        %swap3A_556 = arith.constant 0 : i32
        %swap3A_557 = arith.index_cast %swap3A_556 : i32 to index
        %swap3A_558 = arith.constant 80 : index
        %swap3A_559 = tpu.vector_load %arg18[%swap3A_557, %swap3A_558] {strides = array<i32>} : memref<1x128xi32, #tpu.memory_space<vmem>>, vector<1x16xi32>,
        %swap3A_560 = vector.shape_cast %swap3A_559 : vector<1x16xi32> to vector<16xi32>
        %swap3A_561 = vector.shape_cast %select_n3A_555 : vector<16xi32> to vector<1x16xi32>
        tpu.vector_store %arg18[%swap3A_557, %swap3A_558], %swap3A_561 {strides = array<i32>} : memref<1x128xi32, #tpu.memory_space<vmem>>, vector<1x16xi32>,
        %get3A_562 = arith.index_cast %scan3A_414 : i32 to index
        %get3A_563 = arith.constant 96 : index
        %get3A_564 = tpu.vector_load %arg17[%get3A_562, %get3A_563] {strides = array<i32>} : memref<128x128xi32, #tpu.memory_space<vmem>>, vector<1x16xi32>,
        %get3A_565 = vector.shape_cast %get3A_564 : vector<1x16xi32> to vector<16xi32>
        %ge3A_566 = arith.constant 0 : i32
        %ge3A_567 = vector.broadcast %ge3A_566 : i32 to vector<16xi32>
        %ge3A_568 = arith.cmpi sge, %get3A_565, %ge3A_567 : vector<16xi32>
        %lt3A_569 = arith.constant 65536 : i32
        %lt3A_570 = vector.broadcast %lt3A_569 : i32 to vector<16xi32>
        %lt3A_571 = arith.cmpi slt, %get3A_565, %lt3A_570 : vector<16xi32>
        %and3A_572 = arith.andi %ge3A_568, %lt3A_571 : vector<16xi1>
        %sub3A_573 = arith.constant 0 : i32
        %sub3A_574 = vector.broadcast %sub3A_573 : i32 to vector<16xi32>
        %sub3A_575 = arith.subi %get3A_565, %sub3A_574 : vector<16xi32>
        %select_n3A_576 = arith.select %and3A_572, %sub3A_575, %add3A_134 : vector<16xi1>, vector<16xi32>
        %swap3A_577 = arith.constant 0 : i32
        %swap3A_578 = arith.index_cast %swap3A_577 : i32 to index
        %swap3A_579 = arith.constant 96 : index
        %swap3A_580 = tpu.vector_load %arg18[%swap3A_578, %swap3A_579] {strides = array<i32>} : memref<1x128xi32, #tpu.memory_space<vmem>>, vector<1x16xi32>,
        %swap3A_581 = vector.shape_cast %swap3A_580 : vector<1x16xi32> to vector<16xi32>
        %swap3A_582 = vector.shape_cast %select_n3A_576 : vector<16xi32> to vector<1x16xi32>
        tpu.vector_store %arg18[%swap3A_578, %swap3A_579], %swap3A_582 {strides = array<i32>} : memref<1x128xi32, #tpu.memory_space<vmem>>, vector<1x16xi32>,
        %get3A_583 = arith.index_cast %scan3A_414 : i32 to index
        %get3A_584 = arith.constant 112 : index
        %get3A_585 = tpu.vector_load %arg17[%get3A_583, %get3A_584] {strides = array<i32>} : memref<128x128xi32, #tpu.memory_space<vmem>>, vector<1x16xi32>,
        %get3A_586 = vector.shape_cast %get3A_585 : vector<1x16xi32> to vector<16xi32>
        %ge3A_587 = arith.constant 0 : i32
        %ge3A_588 = vector.broadcast %ge3A_587 : i32 to vector<16xi32>
        %ge3A_589 = arith.cmpi sge, %get3A_586, %ge3A_588 : vector<16xi32>
        %lt3A_590 = arith.constant 65536 : i32
        %lt3A_591 = vector.broadcast %lt3A_590 : i32 to vector<16xi32>
        %lt3A_592 = arith.cmpi slt, %get3A_586, %lt3A_591 : vector<16xi32>
        %and3A_593 = arith.andi %ge3A_589, %lt3A_592 : vector<16xi1>
        %sub3A_594 = arith.constant 0 : i32
        %sub3A_595 = vector.broadcast %sub3A_594 : i32 to vector<16xi32>
        %sub3A_596 = arith.subi %get3A_586, %sub3A_595 : vector<16xi32>
        %select_n3A_597 = arith.select %and3A_593, %sub3A_596, %add3A_134 : vector<16xi1>, vector<16xi32>
        %swap3A_598 = arith.constant 0 : i32
        %swap3A_599 = arith.index_cast %swap3A_598 : i32 to index
        %swap3A_600 = arith.constant 112 : index
        %swap3A_601 = tpu.vector_load %arg18[%swap3A_599, %swap3A_600] {strides = array<i32>} : memref<1x128xi32, #tpu.memory_space<vmem>>, vector<1x16xi32>,
        %swap3A_602 = vector.shape_cast %swap3A_601 : vector<1x16xi32> to vector<16xi32>
        %swap3A_603 = vector.shape_cast %select_n3A_597 : vector<16xi32> to vector<1x16xi32>
        tpu.vector_store %arg18[%swap3A_599, %swap3A_600], %swap3A_603 {strides = array<i32>} : memref<1x128xi32, #tpu.memory_space<vmem>>, vector<1x16xi32>,
        %run_scoped3A = arith.constant 0 : i32
        "tpu.region"() ({
          %run_scoped3A_604 = tpu.sem_alloc : memref<!tpu.dma_semaphore, #tpu.memory_space<semaphore_mem>>
          %dma_start3A_605 = arith.constant 0 : i32
          %dma_start3A_606 = tpu.memref_slice %arg18[%run_scoped3A, %dma_start3A_605] : memref<1x128xi32, #tpu.memory_space<vmem>> -> memref<1x128xi32, #tpu.memory_space<vmem>>
          %dma_start3A_607 = tpu.memref_squeeze %dma_start3A_606 : memref<1x128xi32, #tpu.memory_space<vmem>> -> memref<128xi32, #tpu.memory_space<vmem>>
          %dma_start3A_608 = arith.constant 0 : i32
          %dma_start3A_609 = tpu.memref_slice %arg21[%dma_start3A_608] : memref<65792xf32, #tpu.memory_space<vmem_shared>> -> memref<65792xf32, #tpu.memory_space<vmem_shared>>
          tpu.enqueue_indirect_dma source(%arg19 : memref<128xf32, #tpu.memory_space<vmem>>) target(%dma_start3A_609 : memref<65792xf32, #tpu.memory_space<vmem_shared>>) offsets(%dma_start3A_607 : memref<128xi32, #tpu.memory_space<vmem>>) semaphore(%run_scoped3A_604 : memref<!tpu.dma_semaphore, #tpu.memory_space<semaphore_mem>>) {add = true}
          %dma_wait3A_610 = arith.constant 0 : i32
          %dma_wait3A_611 = tpu.memref_slice %arg18[%run_scoped3A, %dma_wait3A_610] : memref<1x128xi32, #tpu.memory_space<vmem>> -> memref<1x128xi32, #tpu.memory_space<vmem>>
          %dma_wait3A_612 = tpu.memref_squeeze %dma_wait3A_611 : memref<1x128xi32, #tpu.memory_space<vmem>> -> memref<128xi32, #tpu.memory_space<vmem>>
          %dma_wait3A_613 = arith.constant 0 : i32
          %dma_wait3A_614 = tpu.memref_slice %arg21[%dma_wait3A_613] : memref<65792xf32, #tpu.memory_space<vmem_shared>> -> memref<65792xf32, #tpu.memory_space<vmem_shared>>
          tpu.wait_indirect_dma semaphore(%run_scoped3A_604 : memref<!tpu.dma_semaphore, #tpu.memory_space<semaphore_mem>>) src(%arg19 : memref<128xf32, #tpu.memory_space<vmem>>) dst(%dma_wait3A_614 : memref<65792xf32, #tpu.memory_space<vmem_shared>>)
          tpu.yield
        }) : () -> ()
      } else {
      }
    }
    %scan3A_148 = arith.constant 128 : i32
    %barrier3A_149 = arith.constant 0 : index
    tpu.barrier barrier_id(%barrier3A_149)
    %mul3A_150 = arith.constant 32 : i32
    %mul3A_151 = arith.muli %arg1, %mul3A_150 : i32
    %mul3A_152 = arith.constant 128 : i32
    %mul3A_153 = arith.muli %mul3A_151, %mul3A_152 : i32
    %mul3A_154 = arith.constant 4096 : i32
    %mul3A_155 = arith.muli %arg0, %mul3A_154 : i32
    %add3A_156 = arith.constant 0 : i32
    %add3A_157 = arith.addi %mul3A_155, %add3A_156 : i32
    %mul3A_158 = arith.constant 32 : i32
    %mul3A_159 = arith.muli %arg1, %mul3A_158 : i32
    %add3A_160 = arith.addi %add3A_157, %mul3A_159 : i32
    %mul3A_161 = arith.constant 128 : i32
    %mul3A_162 = arith.muli %add3A_160, %mul3A_161 : i32
    "tpu.region"() ({
      %run_scoped3A = tpu.sem_alloc : memref<!tpu.dma_semaphore, #tpu.memory_space<semaphore_mem>>
      %dma_start3A_414 = tpu.memref_slice %arg10[%mul3A_162] : memref<1048576xf32, #tpu.memory_space<hbm>> -> memref<4096xf32, #tpu.memory_space<hbm>>
      %dma_start3A_415 = tpu.memref_slice %arg21[%mul3A_153] : memref<65792xf32, #tpu.memory_space<vmem_shared>> -> memref<4096xf32, #tpu.memory_space<vmem_shared>>
      tpu.enqueue_dma source(%dma_start3A_415 : memref<4096xf32, #tpu.memory_space<vmem_shared>>) target(%dma_start3A_414 : memref<4096xf32, #tpu.memory_space<hbm>>) target_semaphore(%run_scoped3A : memref<!tpu.dma_semaphore, #tpu.memory_space<semaphore_mem>>)
      %dma_wait3A_416 = tpu.memref_slice %arg10[%mul3A_162] : memref<1048576xf32, #tpu.memory_space<hbm>> -> memref<4096xf32, #tpu.memory_space<hbm>>
      %dma_wait3A_417 = tpu.memref_slice %arg21[%mul3A_153] : memref<65792xf32, #tpu.memory_space<vmem_shared>> -> memref<4096xf32, #tpu.memory_space<vmem_shared>>
      tpu.wait_dma2 semaphore(%run_scoped3A : memref<!tpu.dma_semaphore, #tpu.memory_space<semaphore_mem>>) src(%dma_wait3A_417 : memref<4096xf32, #tpu.memory_space<vmem_shared>>) dst(%dma_wait3A_416 : memref<4096xf32, #tpu.memory_space<hbm>>)
      tpu.yield
    }) : () -> ()
    %barrier3A_163 = arith.constant 0 : index
    tpu.barrier barrier_id(%barrier3A_163)
    %mul3A_164 = arith.constant 4112 : i32
    %mul3A_165 = arith.muli %arg1, %mul3A_164 : i32
    %add3A_166 = arith.constant 0 : i32
    %add3A_167 = arith.addi %mul3A_165, %add3A_166 : i32
    "tpu.region"() ({
      %run_scoped3A = tpu.sem_alloc : memref<!tpu.dma_semaphore, #tpu.memory_space<semaphore_mem>>
      %dma_start3A_414 = arith.constant 0 : i32
      %dma_start3A_415 = tpu.memref_slice %arg20[%dma_start3A_414] : memref<4112xf32, #tpu.memory_space<vmem>> -> memref<2056xf32, #tpu.memory_space<vmem>>
      %dma_start3A_416 = tpu.memref_slice %arg21[%add3A_167] : memref<65792xf32, #tpu.memory_space<vmem_shared>> -> memref<2056xf32, #tpu.memory_space<vmem_shared>>
      %dma_start3A_417 = tpu.memref_slice %arg21[%add3A_167] : memref<65792xf32, #tpu.memory_space<vmem_shared>> -> memref<2056xf32, #tpu.memory_space<vmem_shared>>
      %dma_start3A_418 = arith.constant 0 : i32
      %dma_start3A_419 = tpu.memref_slice %arg20[%dma_start3A_418] : memref<4112xf32, #tpu.memory_space<vmem>> -> memref<2056xf32, #tpu.memory_space<vmem>>
      tpu.enqueue_dma source(%dma_start3A_419 : memref<2056xf32, #tpu.memory_space<vmem>>) target(%dma_start3A_417 : memref<2056xf32, #tpu.memory_space<vmem_shared>>) target_semaphore(%run_scoped3A : memref<!tpu.dma_semaphore, #tpu.memory_space<semaphore_mem>>)
      %dma_wait3A_420 = arith.constant 0 : i32
      %dma_wait3A_421 = tpu.memref_slice %arg20[%dma_wait3A_420] : memref<4112xf32, #tpu.memory_space<vmem>> -> memref<2056xf32, #tpu.memory_space<vmem>>
      %dma_wait3A_422 = tpu.memref_slice %arg21[%add3A_167] : memref<65792xf32, #tpu.memory_space<vmem_shared>> -> memref<2056xf32, #tpu.memory_space<vmem_shared>>
      %dma_wait3A_423 = tpu.memref_slice %arg21[%add3A_167] : memref<65792xf32, #tpu.memory_space<vmem_shared>> -> memref<2056xf32, #tpu.memory_space<vmem_shared>>
      %dma_wait3A_424 = arith.constant 0 : i32
      %dma_wait3A_425 = tpu.memref_slice %arg20[%dma_wait3A_424] : memref<4112xf32, #tpu.memory_space<vmem>> -> memref<2056xf32, #tpu.memory_space<vmem>>
      tpu.wait_dma2 semaphore(%run_scoped3A : memref<!tpu.dma_semaphore, #tpu.memory_space<semaphore_mem>>) src(%dma_wait3A_425 : memref<2056xf32, #tpu.memory_space<vmem>>) dst(%dma_wait3A_423 : memref<2056xf32, #tpu.memory_space<vmem_shared>>)
      tpu.yield
    }) : () -> ()
    %mul3A_168 = arith.constant 4112 : i32
    %mul3A_169 = arith.muli %arg1, %mul3A_168 : i32
    %add3A_170 = arith.constant 2056 : i32
    %add3A_171 = arith.addi %mul3A_169, %add3A_170 : i32
    "tpu.region"() ({
      %run_scoped3A = tpu.sem_alloc : memref<!tpu.dma_semaphore, #tpu.memory_space<semaphore_mem>>
      %dma_start3A_414 = arith.constant 2056 : i32
      %dma_start3A_415 = tpu.memref_slice %arg20[%dma_start3A_414] : memref<4112xf32, #tpu.memory_space<vmem>> -> memref<2056xf32, #tpu.memory_space<vmem>>
      %dma_start3A_416 = tpu.memref_slice %arg21[%add3A_171] : memref<65792xf32, #tpu.memory_space<vmem_shared>> -> memref<2056xf32, #tpu.memory_space<vmem_shared>>
      %dma_start3A_417 = tpu.memref_slice %arg21[%add3A_171] : memref<65792xf32, #tpu.memory_space<vmem_shared>> -> memref<2056xf32, #tpu.memory_space<vmem_shared>>
      %dma_start3A_418 = arith.constant 2056 : i32
      %dma_start3A_419 = tpu.memref_slice %arg20[%dma_start3A_418] : memref<4112xf32, #tpu.memory_space<vmem>> -> memref<2056xf32, #tpu.memory_space<vmem>>
      tpu.enqueue_dma source(%dma_start3A_419 : memref<2056xf32, #tpu.memory_space<vmem>>) target(%dma_start3A_417 : memref<2056xf32, #tpu.memory_space<vmem_shared>>) target_semaphore(%run_scoped3A : memref<!tpu.dma_semaphore, #tpu.memory_space<semaphore_mem>>)
      %dma_wait3A_420 = arith.constant 2056 : i32
      %dma_wait3A_421 = tpu.memref_slice %arg20[%dma_wait3A_420] : memref<4112xf32, #tpu.memory_space<vmem>> -> memref<2056xf32, #tpu.memory_space<vmem>>
      %dma_wait3A_422 = tpu.memref_slice %arg21[%add3A_171] : memref<65792xf32, #tpu.memory_space<vmem_shared>> -> memref<2056xf32, #tpu.memory_space<vmem_shared>>
      %dma_wait3A_423 = tpu.memref_slice %arg21[%add3A_171] : memref<65792xf32, #tpu.memory_space<vmem_shared>> -> memref<2056xf32, #tpu.memory_space<vmem_shared>>
      %dma_wait3A_424 = arith.constant 2056 : i32
      %dma_wait3A_425 = tpu.memref_slice %arg20[%dma_wait3A_424] : memref<4112xf32, #tpu.memory_space<vmem>> -> memref<2056xf32, #tpu.memory_space<vmem>>
      tpu.wait_dma2 semaphore(%run_scoped3A : memref<!tpu.dma_semaphore, #tpu.memory_space<semaphore_mem>>) src(%dma_wait3A_425 : memref<2056xf32, #tpu.memory_space<vmem>>) dst(%dma_wait3A_423 : memref<2056xf32, #tpu.memory_space<vmem_shared>>)
      tpu.yield
    }) : () -> ()
    %barrier3A_172 = arith.constant 0 : index
    tpu.barrier barrier_id(%barrier3A_172)
    %scan3A_173 = arith.constant 0 : i32
    %scan3A_174 = arith.constant 0 : i32
    %scan3A_175 = arith.constant 128 : i32
    %scan3A_176 = arith.addi %scan3A_174, %scan3A_175 : i32
    %scan3A_177 = arith.constant 1 : i32
    scf.for %scan3A_414 = %scan3A_174 to %scan3A_176 step %scan3A_177  : i32 {
      %mul3A_415 = arith.constant 256 : i32
      %mul3A_416 = arith.muli %arg1, %mul3A_415 : i32
      %mul3A_417 = arith.constant 2 : i32
      %mul3A_418 = arith.muli %mul3A_417, %scan3A_414 : i32
      %add3A_419 = arith.addi %mul3A_416, %mul3A_418 : i32
      %mul3A_420 = arith.constant 50 : i32
      %mul3A_421 = arith.muli %add3A_419, %mul3A_420 : i32
      %and3A = arith.constant 4095 : i32
      %and3A_422 = arith.andi %mul3A_421, %and3A : i32
      %add3A_423 = arith.constant 100 : i32
      %add3A_424 = arith.addi %mul3A_421, %add3A_423 : i32
      %sub3A = arith.constant 1 : i32
      %sub3A_425 = arith.subi %add3A_424, %sub3A : i32
      %and3A_426 = arith.constant 4095 : i32
      %and3A_427 = arith.andi %sub3A_425, %and3A_426 : i32
      %ge3A = arith.constant 512 : i32
      %ge3A_428 = arith.cmpi sge, %and3A_422, %ge3A : i32
      %lt3A_429 = arith.constant 1024 : i32
      %lt3A_430 = arith.cmpi slt, %and3A_422, %lt3A_429 : i32
      %and3A_431 = arith.andi %ge3A_428, %lt3A_430 : i1
      %ge3A_432 = arith.constant 512 : i32
      %ge3A_433 = arith.cmpi sge, %and3A_427, %ge3A_432 : i32
      %lt3A_434 = arith.constant 1024 : i32
      %lt3A_435 = arith.cmpi slt, %and3A_427, %lt3A_434 : i32
      %and3A_436 = arith.andi %ge3A_433, %lt3A_435 : i1
      %or3A = arith.ori %and3A_431, %and3A_436 : i1
      %convert_element_type3A = arith.extui %or3A : i1 to i32
      %cond3A = arith.constant 0 : i32
      %cond3A_437 = arith.cmpi ne, %convert_element_type3A, %cond3A : i32
      scf.if %cond3A_437 {
        %get3A = arith.index_cast %scan3A_414 : i32 to index
        %get3A_438 = arith.constant 0 : index
        %get3A_439 = tpu.vector_load %arg17[%get3A, %get3A_438] {strides = array<i32>} : memref<128x128xi32, #tpu.memory_space<vmem>>, vector<1x16xi32>,
        %get3A_440 = vector.shape_cast %get3A_439 : vector<1x16xi32> to vector<16xi32>
        %ge3A_441 = arith.constant 65536 : i32
        %ge3A_442 = vector.broadcast %ge3A_441 : i32 to vector<16xi32>
        %ge3A_443 = arith.cmpi sge, %get3A_440, %ge3A_442 : vector<16xi32>
        %lt3A_444 = arith.constant 131072 : i32
        %lt3A_445 = vector.broadcast %lt3A_444 : i32 to vector<16xi32>
        %lt3A_446 = arith.cmpi slt, %get3A_440, %lt3A_445 : vector<16xi32>
        %and3A_447 = arith.andi %ge3A_443, %lt3A_446 : vector<16xi1>
        %sub3A_448 = arith.constant 65536 : i32
        %sub3A_449 = vector.broadcast %sub3A_448 : i32 to vector<16xi32>
        %sub3A_450 = arith.subi %get3A_440, %sub3A_449 : vector<16xi32>
        %select_n3A = arith.select %and3A_447, %sub3A_450, %add3A_134 : vector<16xi1>, vector<16xi32>
        %swap3A_451 = arith.constant 0 : i32
        %swap3A_452 = arith.index_cast %swap3A_451 : i32 to index
        %swap3A_453 = arith.constant 0 : index
        %swap3A_454 = tpu.vector_load %arg18[%swap3A_452, %swap3A_453] {strides = array<i32>} : memref<1x128xi32, #tpu.memory_space<vmem>>, vector<1x16xi32>,
        %swap3A_455 = vector.shape_cast %swap3A_454 : vector<1x16xi32> to vector<16xi32>
        %swap3A_456 = vector.shape_cast %select_n3A : vector<16xi32> to vector<1x16xi32>
        tpu.vector_store %arg18[%swap3A_452, %swap3A_453], %swap3A_456 {strides = array<i32>} : memref<1x128xi32, #tpu.memory_space<vmem>>, vector<1x16xi32>,
        %get3A_457 = arith.index_cast %scan3A_414 : i32 to index
        %get3A_458 = arith.constant 16 : index
        %get3A_459 = tpu.vector_load %arg17[%get3A_457, %get3A_458] {strides = array<i32>} : memref<128x128xi32, #tpu.memory_space<vmem>>, vector<1x16xi32>,
        %get3A_460 = vector.shape_cast %get3A_459 : vector<1x16xi32> to vector<16xi32>
        %ge3A_461 = arith.constant 65536 : i32
        %ge3A_462 = vector.broadcast %ge3A_461 : i32 to vector<16xi32>
        %ge3A_463 = arith.cmpi sge, %get3A_460, %ge3A_462 : vector<16xi32>
        %lt3A_464 = arith.constant 131072 : i32
        %lt3A_465 = vector.broadcast %lt3A_464 : i32 to vector<16xi32>
        %lt3A_466 = arith.cmpi slt, %get3A_460, %lt3A_465 : vector<16xi32>
        %and3A_467 = arith.andi %ge3A_463, %lt3A_466 : vector<16xi1>
        %sub3A_468 = arith.constant 65536 : i32
        %sub3A_469 = vector.broadcast %sub3A_468 : i32 to vector<16xi32>
        %sub3A_470 = arith.subi %get3A_460, %sub3A_469 : vector<16xi32>
        %select_n3A_471 = arith.select %and3A_467, %sub3A_470, %add3A_134 : vector<16xi1>, vector<16xi32>
        %swap3A_472 = arith.constant 0 : i32
        %swap3A_473 = arith.index_cast %swap3A_472 : i32 to index
        %swap3A_474 = arith.constant 16 : index
        %swap3A_475 = tpu.vector_load %arg18[%swap3A_473, %swap3A_474] {strides = array<i32>} : memref<1x128xi32, #tpu.memory_space<vmem>>, vector<1x16xi32>,
        %swap3A_476 = vector.shape_cast %swap3A_475 : vector<1x16xi32> to vector<16xi32>
        %swap3A_477 = vector.shape_cast %select_n3A_471 : vector<16xi32> to vector<1x16xi32>
        tpu.vector_store %arg18[%swap3A_473, %swap3A_474], %swap3A_477 {strides = array<i32>} : memref<1x128xi32, #tpu.memory_space<vmem>>, vector<1x16xi32>,
        %get3A_478 = arith.index_cast %scan3A_414 : i32 to index
        %get3A_479 = arith.constant 32 : index
        %get3A_480 = tpu.vector_load %arg17[%get3A_478, %get3A_479] {strides = array<i32>} : memref<128x128xi32, #tpu.memory_space<vmem>>, vector<1x16xi32>,
        %get3A_481 = vector.shape_cast %get3A_480 : vector<1x16xi32> to vector<16xi32>
        %ge3A_482 = arith.constant 65536 : i32
        %ge3A_483 = vector.broadcast %ge3A_482 : i32 to vector<16xi32>
        %ge3A_484 = arith.cmpi sge, %get3A_481, %ge3A_483 : vector<16xi32>
        %lt3A_485 = arith.constant 131072 : i32
        %lt3A_486 = vector.broadcast %lt3A_485 : i32 to vector<16xi32>
        %lt3A_487 = arith.cmpi slt, %get3A_481, %lt3A_486 : vector<16xi32>
        %and3A_488 = arith.andi %ge3A_484, %lt3A_487 : vector<16xi1>
        %sub3A_489 = arith.constant 65536 : i32
        %sub3A_490 = vector.broadcast %sub3A_489 : i32 to vector<16xi32>
        %sub3A_491 = arith.subi %get3A_481, %sub3A_490 : vector<16xi32>
        %select_n3A_492 = arith.select %and3A_488, %sub3A_491, %add3A_134 : vector<16xi1>, vector<16xi32>
        %swap3A_493 = arith.constant 0 : i32
        %swap3A_494 = arith.index_cast %swap3A_493 : i32 to index
        %swap3A_495 = arith.constant 32 : index
        %swap3A_496 = tpu.vector_load %arg18[%swap3A_494, %swap3A_495] {strides = array<i32>} : memref<1x128xi32, #tpu.memory_space<vmem>>, vector<1x16xi32>,
        %swap3A_497 = vector.shape_cast %swap3A_496 : vector<1x16xi32> to vector<16xi32>
        %swap3A_498 = vector.shape_cast %select_n3A_492 : vector<16xi32> to vector<1x16xi32>
        tpu.vector_store %arg18[%swap3A_494, %swap3A_495], %swap3A_498 {strides = array<i32>} : memref<1x128xi32, #tpu.memory_space<vmem>>, vector<1x16xi32>,
        %get3A_499 = arith.index_cast %scan3A_414 : i32 to index
        %get3A_500 = arith.constant 48 : index
        %get3A_501 = tpu.vector_load %arg17[%get3A_499, %get3A_500] {strides = array<i32>} : memref<128x128xi32, #tpu.memory_space<vmem>>, vector<1x16xi32>,
        %get3A_502 = vector.shape_cast %get3A_501 : vector<1x16xi32> to vector<16xi32>
        %ge3A_503 = arith.constant 65536 : i32
        %ge3A_504 = vector.broadcast %ge3A_503 : i32 to vector<16xi32>
        %ge3A_505 = arith.cmpi sge, %get3A_502, %ge3A_504 : vector<16xi32>
        %lt3A_506 = arith.constant 131072 : i32
        %lt3A_507 = vector.broadcast %lt3A_506 : i32 to vector<16xi32>
        %lt3A_508 = arith.cmpi slt, %get3A_502, %lt3A_507 : vector<16xi32>
        %and3A_509 = arith.andi %ge3A_505, %lt3A_508 : vector<16xi1>
        %sub3A_510 = arith.constant 65536 : i32
        %sub3A_511 = vector.broadcast %sub3A_510 : i32 to vector<16xi32>
        %sub3A_512 = arith.subi %get3A_502, %sub3A_511 : vector<16xi32>
        %select_n3A_513 = arith.select %and3A_509, %sub3A_512, %add3A_134 : vector<16xi1>, vector<16xi32>
        %swap3A_514 = arith.constant 0 : i32
        %swap3A_515 = arith.index_cast %swap3A_514 : i32 to index
        %swap3A_516 = arith.constant 48 : index
        %swap3A_517 = tpu.vector_load %arg18[%swap3A_515, %swap3A_516] {strides = array<i32>} : memref<1x128xi32, #tpu.memory_space<vmem>>, vector<1x16xi32>,
        %swap3A_518 = vector.shape_cast %swap3A_517 : vector<1x16xi32> to vector<16xi32>
        %swap3A_519 = vector.shape_cast %select_n3A_513 : vector<16xi32> to vector<1x16xi32>
        tpu.vector_store %arg18[%swap3A_515, %swap3A_516], %swap3A_519 {strides = array<i32>} : memref<1x128xi32, #tpu.memory_space<vmem>>, vector<1x16xi32>,
        %get3A_520 = arith.index_cast %scan3A_414 : i32 to index
        %get3A_521 = arith.constant 64 : index
        %get3A_522 = tpu.vector_load %arg17[%get3A_520, %get3A_521] {strides = array<i32>} : memref<128x128xi32, #tpu.memory_space<vmem>>, vector<1x16xi32>,
        %get3A_523 = vector.shape_cast %get3A_522 : vector<1x16xi32> to vector<16xi32>
        %ge3A_524 = arith.constant 65536 : i32
        %ge3A_525 = vector.broadcast %ge3A_524 : i32 to vector<16xi32>
        %ge3A_526 = arith.cmpi sge, %get3A_523, %ge3A_525 : vector<16xi32>
        %lt3A_527 = arith.constant 131072 : i32
        %lt3A_528 = vector.broadcast %lt3A_527 : i32 to vector<16xi32>
        %lt3A_529 = arith.cmpi slt, %get3A_523, %lt3A_528 : vector<16xi32>
        %and3A_530 = arith.andi %ge3A_526, %lt3A_529 : vector<16xi1>
        %sub3A_531 = arith.constant 65536 : i32
        %sub3A_532 = vector.broadcast %sub3A_531 : i32 to vector<16xi32>
        %sub3A_533 = arith.subi %get3A_523, %sub3A_532 : vector<16xi32>
        %select_n3A_534 = arith.select %and3A_530, %sub3A_533, %add3A_134 : vector<16xi1>, vector<16xi32>
        %swap3A_535 = arith.constant 0 : i32
        %swap3A_536 = arith.index_cast %swap3A_535 : i32 to index
        %swap3A_537 = arith.constant 64 : index
        %swap3A_538 = tpu.vector_load %arg18[%swap3A_536, %swap3A_537] {strides = array<i32>} : memref<1x128xi32, #tpu.memory_space<vmem>>, vector<1x16xi32>,
        %swap3A_539 = vector.shape_cast %swap3A_538 : vector<1x16xi32> to vector<16xi32>
        %swap3A_540 = vector.shape_cast %select_n3A_534 : vector<16xi32> to vector<1x16xi32>
        tpu.vector_store %arg18[%swap3A_536, %swap3A_537], %swap3A_540 {strides = array<i32>} : memref<1x128xi32, #tpu.memory_space<vmem>>, vector<1x16xi32>,
        %get3A_541 = arith.index_cast %scan3A_414 : i32 to index
        %get3A_542 = arith.constant 80 : index
        %get3A_543 = tpu.vector_load %arg17[%get3A_541, %get3A_542] {strides = array<i32>} : memref<128x128xi32, #tpu.memory_space<vmem>>, vector<1x16xi32>,
        %get3A_544 = vector.shape_cast %get3A_543 : vector<1x16xi32> to vector<16xi32>
        %ge3A_545 = arith.constant 65536 : i32
        %ge3A_546 = vector.broadcast %ge3A_545 : i32 to vector<16xi32>
        %ge3A_547 = arith.cmpi sge, %get3A_544, %ge3A_546 : vector<16xi32>
        %lt3A_548 = arith.constant 131072 : i32
        %lt3A_549 = vector.broadcast %lt3A_548 : i32 to vector<16xi32>
        %lt3A_550 = arith.cmpi slt, %get3A_544, %lt3A_549 : vector<16xi32>
        %and3A_551 = arith.andi %ge3A_547, %lt3A_550 : vector<16xi1>
        %sub3A_552 = arith.constant 65536 : i32
        %sub3A_553 = vector.broadcast %sub3A_552 : i32 to vector<16xi32>
        %sub3A_554 = arith.subi %get3A_544, %sub3A_553 : vector<16xi32>
        %select_n3A_555 = arith.select %and3A_551, %sub3A_554, %add3A_134 : vector<16xi1>, vector<16xi32>
        %swap3A_556 = arith.constant 0 : i32
        %swap3A_557 = arith.index_cast %swap3A_556 : i32 to index
        %swap3A_558 = arith.constant 80 : index
        %swap3A_559 = tpu.vector_load %arg18[%swap3A_557, %swap3A_558] {strides = array<i32>} : memref<1x128xi32, #tpu.memory_space<vmem>>, vector<1x16xi32>,
        %swap3A_560 = vector.shape_cast %swap3A_559 : vector<1x16xi32> to vector<16xi32>
        %swap3A_561 = vector.shape_cast %select_n3A_555 : vector<16xi32> to vector<1x16xi32>
        tpu.vector_store %arg18[%swap3A_557, %swap3A_558], %swap3A_561 {strides = array<i32>} : memref<1x128xi32, #tpu.memory_space<vmem>>, vector<1x16xi32>,
        %get3A_562 = arith.index_cast %scan3A_414 : i32 to index
        %get3A_563 = arith.constant 96 : index
        %get3A_564 = tpu.vector_load %arg17[%get3A_562, %get3A_563] {strides = array<i32>} : memref<128x128xi32, #tpu.memory_space<vmem>>, vector<1x16xi32>,
        %get3A_565 = vector.shape_cast %get3A_564 : vector<1x16xi32> to vector<16xi32>
        %ge3A_566 = arith.constant 65536 : i32
        %ge3A_567 = vector.broadcast %ge3A_566 : i32 to vector<16xi32>
        %ge3A_568 = arith.cmpi sge, %get3A_565, %ge3A_567 : vector<16xi32>
        %lt3A_569 = arith.constant 131072 : i32
        %lt3A_570 = vector.broadcast %lt3A_569 : i32 to vector<16xi32>
        %lt3A_571 = arith.cmpi slt, %get3A_565, %lt3A_570 : vector<16xi32>
        %and3A_572 = arith.andi %ge3A_568, %lt3A_571 : vector<16xi1>
        %sub3A_573 = arith.constant 65536 : i32
        %sub3A_574 = vector.broadcast %sub3A_573 : i32 to vector<16xi32>
        %sub3A_575 = arith.subi %get3A_565, %sub3A_574 : vector<16xi32>
        %select_n3A_576 = arith.select %and3A_572, %sub3A_575, %add3A_134 : vector<16xi1>, vector<16xi32>
        %swap3A_577 = arith.constant 0 : i32
        %swap3A_578 = arith.index_cast %swap3A_577 : i32 to index
        %swap3A_579 = arith.constant 96 : index
        %swap3A_580 = tpu.vector_load %arg18[%swap3A_578, %swap3A_579] {strides = array<i32>} : memref<1x128xi32, #tpu.memory_space<vmem>>, vector<1x16xi32>,
        %swap3A_581 = vector.shape_cast %swap3A_580 : vector<1x16xi32> to vector<16xi32>
        %swap3A_582 = vector.shape_cast %select_n3A_576 : vector<16xi32> to vector<1x16xi32>
        tpu.vector_store %arg18[%swap3A_578, %swap3A_579], %swap3A_582 {strides = array<i32>} : memref<1x128xi32, #tpu.memory_space<vmem>>, vector<1x16xi32>,
        %get3A_583 = arith.index_cast %scan3A_414 : i32 to index
        %get3A_584 = arith.constant 112 : index
        %get3A_585 = tpu.vector_load %arg17[%get3A_583, %get3A_584] {strides = array<i32>} : memref<128x128xi32, #tpu.memory_space<vmem>>, vector<1x16xi32>,
        %get3A_586 = vector.shape_cast %get3A_585 : vector<1x16xi32> to vector<16xi32>
        %ge3A_587 = arith.constant 65536 : i32
        %ge3A_588 = vector.broadcast %ge3A_587 : i32 to vector<16xi32>
        %ge3A_589 = arith.cmpi sge, %get3A_586, %ge3A_588 : vector<16xi32>
        %lt3A_590 = arith.constant 131072 : i32
        %lt3A_591 = vector.broadcast %lt3A_590 : i32 to vector<16xi32>
        %lt3A_592 = arith.cmpi slt, %get3A_586, %lt3A_591 : vector<16xi32>
        %and3A_593 = arith.andi %ge3A_589, %lt3A_592 : vector<16xi1>
        %sub3A_594 = arith.constant 65536 : i32
        %sub3A_595 = vector.broadcast %sub3A_594 : i32 to vector<16xi32>
        %sub3A_596 = arith.subi %get3A_586, %sub3A_595 : vector<16xi32>
        %select_n3A_597 = arith.select %and3A_593, %sub3A_596, %add3A_134 : vector<16xi1>, vector<16xi32>
        %swap3A_598 = arith.constant 0 : i32
        %swap3A_599 = arith.index_cast %swap3A_598 : i32 to index
        %swap3A_600 = arith.constant 112 : index
        %swap3A_601 = tpu.vector_load %arg18[%swap3A_599, %swap3A_600] {strides = array<i32>} : memref<1x128xi32, #tpu.memory_space<vmem>>, vector<1x16xi32>,
        %swap3A_602 = vector.shape_cast %swap3A_601 : vector<1x16xi32> to vector<16xi32>
        %swap3A_603 = vector.shape_cast %select_n3A_597 : vector<16xi32> to vector<1x16xi32>
        tpu.vector_store %arg18[%swap3A_599, %swap3A_600], %swap3A_603 {strides = array<i32>} : memref<1x128xi32, #tpu.memory_space<vmem>>, vector<1x16xi32>,
        %run_scoped3A = arith.constant 0 : i32
        "tpu.region"() ({
          %run_scoped3A_604 = tpu.sem_alloc : memref<!tpu.dma_semaphore, #tpu.memory_space<semaphore_mem>>
          %dma_start3A_605 = arith.constant 0 : i32
          %dma_start3A_606 = tpu.memref_slice %arg18[%run_scoped3A, %dma_start3A_605] : memref<1x128xi32, #tpu.memory_space<vmem>> -> memref<1x128xi32, #tpu.memory_space<vmem>>
          %dma_start3A_607 = tpu.memref_squeeze %dma_start3A_606 : memref<1x128xi32, #tpu.memory_space<vmem>> -> memref<128xi32, #tpu.memory_space<vmem>>
          %dma_start3A_608 = arith.constant 0 : i32
          %dma_start3A_609 = tpu.memref_slice %arg21[%dma_start3A_608] : memref<65792xf32, #tpu.memory_space<vmem_shared>> -> memref<65792xf32, #tpu.memory_space<vmem_shared>>
          tpu.enqueue_indirect_dma source(%arg19 : memref<128xf32, #tpu.memory_space<vmem>>) target(%dma_start3A_609 : memref<65792xf32, #tpu.memory_space<vmem_shared>>) offsets(%dma_start3A_607 : memref<128xi32, #tpu.memory_space<vmem>>) semaphore(%run_scoped3A_604 : memref<!tpu.dma_semaphore, #tpu.memory_space<semaphore_mem>>) {add = true}
          %dma_wait3A_610 = arith.constant 0 : i32
          %dma_wait3A_611 = tpu.memref_slice %arg18[%run_scoped3A, %dma_wait3A_610] : memref<1x128xi32, #tpu.memory_space<vmem>> -> memref<1x128xi32, #tpu.memory_space<vmem>>
          %dma_wait3A_612 = tpu.memref_squeeze %dma_wait3A_611 : memref<1x128xi32, #tpu.memory_space<vmem>> -> memref<128xi32, #tpu.memory_space<vmem>>
          %dma_wait3A_613 = arith.constant 0 : i32
          %dma_wait3A_614 = tpu.memref_slice %arg21[%dma_wait3A_613] : memref<65792xf32, #tpu.memory_space<vmem_shared>> -> memref<65792xf32, #tpu.memory_space<vmem_shared>>
          tpu.wait_indirect_dma semaphore(%run_scoped3A_604 : memref<!tpu.dma_semaphore, #tpu.memory_space<semaphore_mem>>) src(%arg19 : memref<128xf32, #tpu.memory_space<vmem>>) dst(%dma_wait3A_614 : memref<65792xf32, #tpu.memory_space<vmem_shared>>)
          tpu.yield
        }) : () -> ()
      } else {
      }
    }
    %scan3A_178 = arith.constant 128 : i32
    %barrier3A_179 = arith.constant 0 : index
    tpu.barrier barrier_id(%barrier3A_179)
    %mul3A_180 = arith.constant 32 : i32
    %mul3A_181 = arith.muli %arg1, %mul3A_180 : i32
    %mul3A_182 = arith.constant 128 : i32
    %mul3A_183 = arith.muli %mul3A_181, %mul3A_182 : i32
    %mul3A_184 = arith.constant 4096 : i32
    %mul3A_185 = arith.muli %arg0, %mul3A_184 : i32
    %add3A_186 = arith.constant 512 : i32
    %add3A_187 = arith.addi %mul3A_185, %add3A_186 : i32
    %mul3A_188 = arith.constant 32 : i32
    %mul3A_189 = arith.muli %arg1, %mul3A_188 : i32
    %add3A_190 = arith.addi %add3A_187, %mul3A_189 : i32
    %mul3A_191 = arith.constant 128 : i32
    %mul3A_192 = arith.muli %add3A_190, %mul3A_191 : i32
    "tpu.region"() ({
      %run_scoped3A = tpu.sem_alloc : memref<!tpu.dma_semaphore, #tpu.memory_space<semaphore_mem>>
      %dma_start3A_414 = tpu.memref_slice %arg10[%mul3A_192] : memref<1048576xf32, #tpu.memory_space<hbm>> -> memref<4096xf32, #tpu.memory_space<hbm>>
      %dma_start3A_415 = tpu.memref_slice %arg21[%mul3A_183] : memref<65792xf32, #tpu.memory_space<vmem_shared>> -> memref<4096xf32, #tpu.memory_space<vmem_shared>>
      tpu.enqueue_dma source(%dma_start3A_415 : memref<4096xf32, #tpu.memory_space<vmem_shared>>) target(%dma_start3A_414 : memref<4096xf32, #tpu.memory_space<hbm>>) target_semaphore(%run_scoped3A : memref<!tpu.dma_semaphore, #tpu.memory_space<semaphore_mem>>)
      %dma_wait3A_416 = tpu.memref_slice %arg10[%mul3A_192] : memref<1048576xf32, #tpu.memory_space<hbm>> -> memref<4096xf32, #tpu.memory_space<hbm>>
      %dma_wait3A_417 = tpu.memref_slice %arg21[%mul3A_183] : memref<65792xf32, #tpu.memory_space<vmem_shared>> -> memref<4096xf32, #tpu.memory_space<vmem_shared>>
      tpu.wait_dma2 semaphore(%run_scoped3A : memref<!tpu.dma_semaphore, #tpu.memory_space<semaphore_mem>>) src(%dma_wait3A_417 : memref<4096xf32, #tpu.memory_space<vmem_shared>>) dst(%dma_wait3A_416 : memref<4096xf32, #tpu.memory_space<hbm>>)
      tpu.yield
    }) : () -> ()
    %barrier3A_193 = arith.constant 0 : index
    tpu.barrier barrier_id(%barrier3A_193)
    %mul3A_194 = arith.constant 4112 : i32
    %mul3A_195 = arith.muli %arg1, %mul3A_194 : i32
    %add3A_196 = arith.constant 0 : i32
    %add3A_197 = arith.addi %mul3A_195, %add3A_196 : i32
    "tpu.region"() ({
      %run_scoped3A = tpu.sem_alloc : memref<!tpu.dma_semaphore, #tpu.memory_space<semaphore_mem>>
      %dma_start3A_414 = arith.constant 0 : i32
      %dma_start3A_415 = tpu.memref_slice %arg20[%dma_start3A_414] : memref<4112xf32, #tpu.memory_space<vmem>> -> memref<2056xf32, #tpu.memory_space<vmem>>
      %dma_start3A_416 = tpu.memref_slice %arg21[%add3A_197] : memref<65792xf32, #tpu.memory_space<vmem_shared>> -> memref<2056xf32, #tpu.memory_space<vmem_shared>>
      %dma_start3A_417 = tpu.memref_slice %arg21[%add3A_197] : memref<65792xf32, #tpu.memory_space<vmem_shared>> -> memref<2056xf32, #tpu.memory_space<vmem_shared>>
      %dma_start3A_418 = arith.constant 0 : i32
      %dma_start3A_419 = tpu.memref_slice %arg20[%dma_start3A_418] : memref<4112xf32, #tpu.memory_space<vmem>> -> memref<2056xf32, #tpu.memory_space<vmem>>
      tpu.enqueue_dma source(%dma_start3A_419 : memref<2056xf32, #tpu.memory_space<vmem>>) target(%dma_start3A_417 : memref<2056xf32, #tpu.memory_space<vmem_shared>>) target_semaphore(%run_scoped3A : memref<!tpu.dma_semaphore, #tpu.memory_space<semaphore_mem>>)
      %dma_wait3A_420 = arith.constant 0 : i32
      %dma_wait3A_421 = tpu.memref_slice %arg20[%dma_wait3A_420] : memref<4112xf32, #tpu.memory_space<vmem>> -> memref<2056xf32, #tpu.memory_space<vmem>>
      %dma_wait3A_422 = tpu.memref_slice %arg21[%add3A_197] : memref<65792xf32, #tpu.memory_space<vmem_shared>> -> memref<2056xf32, #tpu.memory_space<vmem_shared>>
      %dma_wait3A_423 = tpu.memref_slice %arg21[%add3A_197] : memref<65792xf32, #tpu.memory_space<vmem_shared>> -> memref<2056xf32, #tpu.memory_space<vmem_shared>>
      %dma_wait3A_424 = arith.constant 0 : i32
      %dma_wait3A_425 = tpu.memref_slice %arg20[%dma_wait3A_424] : memref<4112xf32, #tpu.memory_space<vmem>> -> memref<2056xf32, #tpu.memory_space<vmem>>
      tpu.wait_dma2 semaphore(%run_scoped3A : memref<!tpu.dma_semaphore, #tpu.memory_space<semaphore_mem>>) src(%dma_wait3A_425 : memref<2056xf32, #tpu.memory_space<vmem>>) dst(%dma_wait3A_423 : memref<2056xf32, #tpu.memory_space<vmem_shared>>)
      tpu.yield
    }) : () -> ()
    %mul3A_198 = arith.constant 4112 : i32
    %mul3A_199 = arith.muli %arg1, %mul3A_198 : i32
    %add3A_200 = arith.constant 2056 : i32
    %add3A_201 = arith.addi %mul3A_199, %add3A_200 : i32
    "tpu.region"() ({
      %run_scoped3A = tpu.sem_alloc : memref<!tpu.dma_semaphore, #tpu.memory_space<semaphore_mem>>
      %dma_start3A_414 = arith.constant 2056 : i32
      %dma_start3A_415 = tpu.memref_slice %arg20[%dma_start3A_414] : memref<4112xf32, #tpu.memory_space<vmem>> -> memref<2056xf32, #tpu.memory_space<vmem>>
      %dma_start3A_416 = tpu.memref_slice %arg21[%add3A_201] : memref<65792xf32, #tpu.memory_space<vmem_shared>> -> memref<2056xf32, #tpu.memory_space<vmem_shared>>
      %dma_start3A_417 = tpu.memref_slice %arg21[%add3A_201] : memref<65792xf32, #tpu.memory_space<vmem_shared>> -> memref<2056xf32, #tpu.memory_space<vmem_shared>>
      %dma_start3A_418 = arith.constant 2056 : i32
      %dma_start3A_419 = tpu.memref_slice %arg20[%dma_start3A_418] : memref<4112xf32, #tpu.memory_space<vmem>> -> memref<2056xf32, #tpu.memory_space<vmem>>
      tpu.enqueue_dma source(%dma_start3A_419 : memref<2056xf32, #tpu.memory_space<vmem>>) target(%dma_start3A_417 : memref<2056xf32, #tpu.memory_space<vmem_shared>>) target_semaphore(%run_scoped3A : memref<!tpu.dma_semaphore, #tpu.memory_space<semaphore_mem>>)
      %dma_wait3A_420 = arith.constant 2056 : i32
      %dma_wait3A_421 = tpu.memref_slice %arg20[%dma_wait3A_420] : memref<4112xf32, #tpu.memory_space<vmem>> -> memref<2056xf32, #tpu.memory_space<vmem>>
      %dma_wait3A_422 = tpu.memref_slice %arg21[%add3A_201] : memref<65792xf32, #tpu.memory_space<vmem_shared>> -> memref<2056xf32, #tpu.memory_space<vmem_shared>>
      %dma_wait3A_423 = tpu.memref_slice %arg21[%add3A_201] : memref<65792xf32, #tpu.memory_space<vmem_shared>> -> memref<2056xf32, #tpu.memory_space<vmem_shared>>
      %dma_wait3A_424 = arith.constant 2056 : i32
      %dma_wait3A_425 = tpu.memref_slice %arg20[%dma_wait3A_424] : memref<4112xf32, #tpu.memory_space<vmem>> -> memref<2056xf32, #tpu.memory_space<vmem>>
      tpu.wait_dma2 semaphore(%run_scoped3A : memref<!tpu.dma_semaphore, #tpu.memory_space<semaphore_mem>>) src(%dma_wait3A_425 : memref<2056xf32, #tpu.memory_space<vmem>>) dst(%dma_wait3A_423 : memref<2056xf32, #tpu.memory_space<vmem_shared>>)
      tpu.yield
    }) : () -> ()
    %barrier3A_202 = arith.constant 0 : index
    tpu.barrier barrier_id(%barrier3A_202)
    %scan3A_203 = arith.constant 0 : i32
    %scan3A_204 = arith.constant 0 : i32
    %scan3A_205 = arith.constant 128 : i32
    %scan3A_206 = arith.addi %scan3A_204, %scan3A_205 : i32
    %scan3A_207 = arith.constant 1 : i32
    scf.for %scan3A_414 = %scan3A_204 to %scan3A_206 step %scan3A_207  : i32 {
      %mul3A_415 = arith.constant 256 : i32
      %mul3A_416 = arith.muli %arg1, %mul3A_415 : i32
      %mul3A_417 = arith.constant 2 : i32
      %mul3A_418 = arith.muli %mul3A_417, %scan3A_414 : i32
      %add3A_419 = arith.addi %mul3A_416, %mul3A_418 : i32
      %mul3A_420 = arith.constant 50 : i32
      %mul3A_421 = arith.muli %add3A_419, %mul3A_420 : i32
      %and3A = arith.constant 4095 : i32
      %and3A_422 = arith.andi %mul3A_421, %and3A : i32
      %add3A_423 = arith.constant 100 : i32
      %add3A_424 = arith.addi %mul3A_421, %add3A_423 : i32
      %sub3A = arith.constant 1 : i32
      %sub3A_425 = arith.subi %add3A_424, %sub3A : i32
      %and3A_426 = arith.constant 4095 : i32
      %and3A_427 = arith.andi %sub3A_425, %and3A_426 : i32
      %ge3A = arith.constant 1024 : i32
      %ge3A_428 = arith.cmpi sge, %and3A_422, %ge3A : i32
      %lt3A_429 = arith.constant 1536 : i32
      %lt3A_430 = arith.cmpi slt, %and3A_422, %lt3A_429 : i32
      %and3A_431 = arith.andi %ge3A_428, %lt3A_430 : i1
      %ge3A_432 = arith.constant 1024 : i32
      %ge3A_433 = arith.cmpi sge, %and3A_427, %ge3A_432 : i32
      %lt3A_434 = arith.constant 1536 : i32
      %lt3A_435 = arith.cmpi slt, %and3A_427, %lt3A_434 : i32
      %and3A_436 = arith.andi %ge3A_433, %lt3A_435 : i1
      %or3A = arith.ori %and3A_431, %and3A_436 : i1
      %convert_element_type3A = arith.extui %or3A : i1 to i32
      %cond3A = arith.constant 0 : i32
      %cond3A_437 = arith.cmpi ne, %convert_element_type3A, %cond3A : i32
      scf.if %cond3A_437 {
        %get3A = arith.index_cast %scan3A_414 : i32 to index
        %get3A_438 = arith.constant 0 : index
        %get3A_439 = tpu.vector_load %arg17[%get3A, %get3A_438] {strides = array<i32>} : memref<128x128xi32, #tpu.memory_space<vmem>>, vector<1x16xi32>,
        %get3A_440 = vector.shape_cast %get3A_439 : vector<1x16xi32> to vector<16xi32>
        %ge3A_441 = arith.constant 131072 : i32
        %ge3A_442 = vector.broadcast %ge3A_441 : i32 to vector<16xi32>
        %ge3A_443 = arith.cmpi sge, %get3A_440, %ge3A_442 : vector<16xi32>
        %lt3A_444 = arith.constant 196608 : i32
        %lt3A_445 = vector.broadcast %lt3A_444 : i32 to vector<16xi32>
        %lt3A_446 = arith.cmpi slt, %get3A_440, %lt3A_445 : vector<16xi32>
        %and3A_447 = arith.andi %ge3A_443, %lt3A_446 : vector<16xi1>
        %sub3A_448 = arith.constant 131072 : i32
        %sub3A_449 = vector.broadcast %sub3A_448 : i32 to vector<16xi32>
        %sub3A_450 = arith.subi %get3A_440, %sub3A_449 : vector<16xi32>
        %select_n3A = arith.select %and3A_447, %sub3A_450, %add3A_134 : vector<16xi1>, vector<16xi32>
        %swap3A_451 = arith.constant 0 : i32
        %swap3A_452 = arith.index_cast %swap3A_451 : i32 to index
        %swap3A_453 = arith.constant 0 : index
        %swap3A_454 = tpu.vector_load %arg18[%swap3A_452, %swap3A_453] {strides = array<i32>} : memref<1x128xi32, #tpu.memory_space<vmem>>, vector<1x16xi32>,
        %swap3A_455 = vector.shape_cast %swap3A_454 : vector<1x16xi32> to vector<16xi32>
        %swap3A_456 = vector.shape_cast %select_n3A : vector<16xi32> to vector<1x16xi32>
        tpu.vector_store %arg18[%swap3A_452, %swap3A_453], %swap3A_456 {strides = array<i32>} : memref<1x128xi32, #tpu.memory_space<vmem>>, vector<1x16xi32>,
        %get3A_457 = arith.index_cast %scan3A_414 : i32 to index
        %get3A_458 = arith.constant 16 : index
        %get3A_459 = tpu.vector_load %arg17[%get3A_457, %get3A_458] {strides = array<i32>} : memref<128x128xi32, #tpu.memory_space<vmem>>, vector<1x16xi32>,
        %get3A_460 = vector.shape_cast %get3A_459 : vector<1x16xi32> to vector<16xi32>
        %ge3A_461 = arith.constant 131072 : i32
        %ge3A_462 = vector.broadcast %ge3A_461 : i32 to vector<16xi32>
        %ge3A_463 = arith.cmpi sge, %get3A_460, %ge3A_462 : vector<16xi32>
        %lt3A_464 = arith.constant 196608 : i32
        %lt3A_465 = vector.broadcast %lt3A_464 : i32 to vector<16xi32>
        %lt3A_466 = arith.cmpi slt, %get3A_460, %lt3A_465 : vector<16xi32>
        %and3A_467 = arith.andi %ge3A_463, %lt3A_466 : vector<16xi1>
        %sub3A_468 = arith.constant 131072 : i32
        %sub3A_469 = vector.broadcast %sub3A_468 : i32 to vector<16xi32>
        %sub3A_470 = arith.subi %get3A_460, %sub3A_469 : vector<16xi32>
        %select_n3A_471 = arith.select %and3A_467, %sub3A_470, %add3A_134 : vector<16xi1>, vector<16xi32>
        %swap3A_472 = arith.constant 0 : i32
        %swap3A_473 = arith.index_cast %swap3A_472 : i32 to index
        %swap3A_474 = arith.constant 16 : index
        %swap3A_475 = tpu.vector_load %arg18[%swap3A_473, %swap3A_474] {strides = array<i32>} : memref<1x128xi32, #tpu.memory_space<vmem>>, vector<1x16xi32>,
        %swap3A_476 = vector.shape_cast %swap3A_475 : vector<1x16xi32> to vector<16xi32>
        %swap3A_477 = vector.shape_cast %select_n3A_471 : vector<16xi32> to vector<1x16xi32>
        tpu.vector_store %arg18[%swap3A_473, %swap3A_474], %swap3A_477 {strides = array<i32>} : memref<1x128xi32, #tpu.memory_space<vmem>>, vector<1x16xi32>,
        %get3A_478 = arith.index_cast %scan3A_414 : i32 to index
        %get3A_479 = arith.constant 32 : index
        %get3A_480 = tpu.vector_load %arg17[%get3A_478, %get3A_479] {strides = array<i32>} : memref<128x128xi32, #tpu.memory_space<vmem>>, vector<1x16xi32>,
        %get3A_481 = vector.shape_cast %get3A_480 : vector<1x16xi32> to vector<16xi32>
        %ge3A_482 = arith.constant 131072 : i32
        %ge3A_483 = vector.broadcast %ge3A_482 : i32 to vector<16xi32>
        %ge3A_484 = arith.cmpi sge, %get3A_481, %ge3A_483 : vector<16xi32>
        %lt3A_485 = arith.constant 196608 : i32
        %lt3A_486 = vector.broadcast %lt3A_485 : i32 to vector<16xi32>
        %lt3A_487 = arith.cmpi slt, %get3A_481, %lt3A_486 : vector<16xi32>
        %and3A_488 = arith.andi %ge3A_484, %lt3A_487 : vector<16xi1>
        %sub3A_489 = arith.constant 131072 : i32
        %sub3A_490 = vector.broadcast %sub3A_489 : i32 to vector<16xi32>
        %sub3A_491 = arith.subi %get3A_481, %sub3A_490 : vector<16xi32>
        %select_n3A_492 = arith.select %and3A_488, %sub3A_491, %add3A_134 : vector<16xi1>, vector<16xi32>
        %swap3A_493 = arith.constant 0 : i32
        %swap3A_494 = arith.index_cast %swap3A_493 : i32 to index
        %swap3A_495 = arith.constant 32 : index
        %swap3A_496 = tpu.vector_load %arg18[%swap3A_494, %swap3A_495] {strides = array<i32>} : memref<1x128xi32, #tpu.memory_space<vmem>>, vector<1x16xi32>,
        %swap3A_497 = vector.shape_cast %swap3A_496 : vector<1x16xi32> to vector<16xi32>
        %swap3A_498 = vector.shape_cast %select_n3A_492 : vector<16xi32> to vector<1x16xi32>
        tpu.vector_store %arg18[%swap3A_494, %swap3A_495], %swap3A_498 {strides = array<i32>} : memref<1x128xi32, #tpu.memory_space<vmem>>, vector<1x16xi32>,
        %get3A_499 = arith.index_cast %scan3A_414 : i32 to index
        %get3A_500 = arith.constant 48 : index
        %get3A_501 = tpu.vector_load %arg17[%get3A_499, %get3A_500] {strides = array<i32>} : memref<128x128xi32, #tpu.memory_space<vmem>>, vector<1x16xi32>,
        %get3A_502 = vector.shape_cast %get3A_501 : vector<1x16xi32> to vector<16xi32>
        %ge3A_503 = arith.constant 131072 : i32
        %ge3A_504 = vector.broadcast %ge3A_503 : i32 to vector<16xi32>
        %ge3A_505 = arith.cmpi sge, %get3A_502, %ge3A_504 : vector<16xi32>
        %lt3A_506 = arith.constant 196608 : i32
        %lt3A_507 = vector.broadcast %lt3A_506 : i32 to vector<16xi32>
        %lt3A_508 = arith.cmpi slt, %get3A_502, %lt3A_507 : vector<16xi32>
        %and3A_509 = arith.andi %ge3A_505, %lt3A_508 : vector<16xi1>
        %sub3A_510 = arith.constant 131072 : i32
        %sub3A_511 = vector.broadcast %sub3A_510 : i32 to vector<16xi32>
        %sub3A_512 = arith.subi %get3A_502, %sub3A_511 : vector<16xi32>
        %select_n3A_513 = arith.select %and3A_509, %sub3A_512, %add3A_134 : vector<16xi1>, vector<16xi32>
        %swap3A_514 = arith.constant 0 : i32
        %swap3A_515 = arith.index_cast %swap3A_514 : i32 to index
        %swap3A_516 = arith.constant 48 : index
        %swap3A_517 = tpu.vector_load %arg18[%swap3A_515, %swap3A_516] {strides = array<i32>} : memref<1x128xi32, #tpu.memory_space<vmem>>, vector<1x16xi32>,
        %swap3A_518 = vector.shape_cast %swap3A_517 : vector<1x16xi32> to vector<16xi32>
        %swap3A_519 = vector.shape_cast %select_n3A_513 : vector<16xi32> to vector<1x16xi32>
        tpu.vector_store %arg18[%swap3A_515, %swap3A_516], %swap3A_519 {strides = array<i32>} : memref<1x128xi32, #tpu.memory_space<vmem>>, vector<1x16xi32>,
        %get3A_520 = arith.index_cast %scan3A_414 : i32 to index
        %get3A_521 = arith.constant 64 : index
        %get3A_522 = tpu.vector_load %arg17[%get3A_520, %get3A_521] {strides = array<i32>} : memref<128x128xi32, #tpu.memory_space<vmem>>, vector<1x16xi32>,
        %get3A_523 = vector.shape_cast %get3A_522 : vector<1x16xi32> to vector<16xi32>
        %ge3A_524 = arith.constant 131072 : i32
        %ge3A_525 = vector.broadcast %ge3A_524 : i32 to vector<16xi32>
        %ge3A_526 = arith.cmpi sge, %get3A_523, %ge3A_525 : vector<16xi32>
        %lt3A_527 = arith.constant 196608 : i32
        %lt3A_528 = vector.broadcast %lt3A_527 : i32 to vector<16xi32>
        %lt3A_529 = arith.cmpi slt, %get3A_523, %lt3A_528 : vector<16xi32>
        %and3A_530 = arith.andi %ge3A_526, %lt3A_529 : vector<16xi1>
        %sub3A_531 = arith.constant 131072 : i32
        %sub3A_532 = vector.broadcast %sub3A_531 : i32 to vector<16xi32>
        %sub3A_533 = arith.subi %get3A_523, %sub3A_532 : vector<16xi32>
        %select_n3A_534 = arith.select %and3A_530, %sub3A_533, %add3A_134 : vector<16xi1>, vector<16xi32>
        %swap3A_535 = arith.constant 0 : i32
        %swap3A_536 = arith.index_cast %swap3A_535 : i32 to index
        %swap3A_537 = arith.constant 64 : index
        %swap3A_538 = tpu.vector_load %arg18[%swap3A_536, %swap3A_537] {strides = array<i32>} : memref<1x128xi32, #tpu.memory_space<vmem>>, vector<1x16xi32>,
        %swap3A_539 = vector.shape_cast %swap3A_538 : vector<1x16xi32> to vector<16xi32>
        %swap3A_540 = vector.shape_cast %select_n3A_534 : vector<16xi32> to vector<1x16xi32>
        tpu.vector_store %arg18[%swap3A_536, %swap3A_537], %swap3A_540 {strides = array<i32>} : memref<1x128xi32, #tpu.memory_space<vmem>>, vector<1x16xi32>,
        %get3A_541 = arith.index_cast %scan3A_414 : i32 to index
        %get3A_542 = arith.constant 80 : index
        %get3A_543 = tpu.vector_load %arg17[%get3A_541, %get3A_542] {strides = array<i32>} : memref<128x128xi32, #tpu.memory_space<vmem>>, vector<1x16xi32>,
        %get3A_544 = vector.shape_cast %get3A_543 : vector<1x16xi32> to vector<16xi32>
        %ge3A_545 = arith.constant 131072 : i32
        %ge3A_546 = vector.broadcast %ge3A_545 : i32 to vector<16xi32>
        %ge3A_547 = arith.cmpi sge, %get3A_544, %ge3A_546 : vector<16xi32>
        %lt3A_548 = arith.constant 196608 : i32
        %lt3A_549 = vector.broadcast %lt3A_548 : i32 to vector<16xi32>
        %lt3A_550 = arith.cmpi slt, %get3A_544, %lt3A_549 : vector<16xi32>
        %and3A_551 = arith.andi %ge3A_547, %lt3A_550 : vector<16xi1>
        %sub3A_552 = arith.constant 131072 : i32
        %sub3A_553 = vector.broadcast %sub3A_552 : i32 to vector<16xi32>
        %sub3A_554 = arith.subi %get3A_544, %sub3A_553 : vector<16xi32>
        %select_n3A_555 = arith.select %and3A_551, %sub3A_554, %add3A_134 : vector<16xi1>, vector<16xi32>
        %swap3A_556 = arith.constant 0 : i32
        %swap3A_557 = arith.index_cast %swap3A_556 : i32 to index
        %swap3A_558 = arith.constant 80 : index
        %swap3A_559 = tpu.vector_load %arg18[%swap3A_557, %swap3A_558] {strides = array<i32>} : memref<1x128xi32, #tpu.memory_space<vmem>>, vector<1x16xi32>,
        %swap3A_560 = vector.shape_cast %swap3A_559 : vector<1x16xi32> to vector<16xi32>
        %swap3A_561 = vector.shape_cast %select_n3A_555 : vector<16xi32> to vector<1x16xi32>
        tpu.vector_store %arg18[%swap3A_557, %swap3A_558], %swap3A_561 {strides = array<i32>} : memref<1x128xi32, #tpu.memory_space<vmem>>, vector<1x16xi32>,
        %get3A_562 = arith.index_cast %scan3A_414 : i32 to index
        %get3A_563 = arith.constant 96 : index
        %get3A_564 = tpu.vector_load %arg17[%get3A_562, %get3A_563] {strides = array<i32>} : memref<128x128xi32, #tpu.memory_space<vmem>>, vector<1x16xi32>,
        %get3A_565 = vector.shape_cast %get3A_564 : vector<1x16xi32> to vector<16xi32>
        %ge3A_566 = arith.constant 131072 : i32
        %ge3A_567 = vector.broadcast %ge3A_566 : i32 to vector<16xi32>
        %ge3A_568 = arith.cmpi sge, %get3A_565, %ge3A_567 : vector<16xi32>
        %lt3A_569 = arith.constant 196608 : i32
        %lt3A_570 = vector.broadcast %lt3A_569 : i32 to vector<16xi32>
        %lt3A_571 = arith.cmpi slt, %get3A_565, %lt3A_570 : vector<16xi32>
        %and3A_572 = arith.andi %ge3A_568, %lt3A_571 : vector<16xi1>
        %sub3A_573 = arith.constant 131072 : i32
        %sub3A_574 = vector.broadcast %sub3A_573 : i32 to vector<16xi32>
        %sub3A_575 = arith.subi %get3A_565, %sub3A_574 : vector<16xi32>
        %select_n3A_576 = arith.select %and3A_572, %sub3A_575, %add3A_134 : vector<16xi1>, vector<16xi32>
        %swap3A_577 = arith.constant 0 : i32
        %swap3A_578 = arith.index_cast %swap3A_577 : i32 to index
        %swap3A_579 = arith.constant 96 : index
        %swap3A_580 = tpu.vector_load %arg18[%swap3A_578, %swap3A_579] {strides = array<i32>} : memref<1x128xi32, #tpu.memory_space<vmem>>, vector<1x16xi32>,
        %swap3A_581 = vector.shape_cast %swap3A_580 : vector<1x16xi32> to vector<16xi32>
        %swap3A_582 = vector.shape_cast %select_n3A_576 : vector<16xi32> to vector<1x16xi32>
        tpu.vector_store %arg18[%swap3A_578, %swap3A_579], %swap3A_582 {strides = array<i32>} : memref<1x128xi32, #tpu.memory_space<vmem>>, vector<1x16xi32>,
        %get3A_583 = arith.index_cast %scan3A_414 : i32 to index
        %get3A_584 = arith.constant 112 : index
        %get3A_585 = tpu.vector_load %arg17[%get3A_583, %get3A_584] {strides = array<i32>} : memref<128x128xi32, #tpu.memory_space<vmem>>, vector<1x16xi32>,
        %get3A_586 = vector.shape_cast %get3A_585 : vector<1x16xi32> to vector<16xi32>
        %ge3A_587 = arith.constant 131072 : i32
        %ge3A_588 = vector.broadcast %ge3A_587 : i32 to vector<16xi32>
        %ge3A_589 = arith.cmpi sge, %get3A_586, %ge3A_588 : vector<16xi32>
        %lt3A_590 = arith.constant 196608 : i32
        %lt3A_591 = vector.broadcast %lt3A_590 : i32 to vector<16xi32>
        %lt3A_592 = arith.cmpi slt, %get3A_586, %lt3A_591 : vector<16xi32>
        %and3A_593 = arith.andi %ge3A_589, %lt3A_592 : vector<16xi1>
        %sub3A_594 = arith.constant 131072 : i32
        %sub3A_595 = vector.broadcast %sub3A_594 : i32 to vector<16xi32>
        %sub3A_596 = arith.subi %get3A_586, %sub3A_595 : vector<16xi32>
        %select_n3A_597 = arith.select %and3A_593, %sub3A_596, %add3A_134 : vector<16xi1>, vector<16xi32>
        %swap3A_598 = arith.constant 0 : i32
        %swap3A_599 = arith.index_cast %swap3A_598 : i32 to index
        %swap3A_600 = arith.constant 112 : index
        %swap3A_601 = tpu.vector_load %arg18[%swap3A_599, %swap3A_600] {strides = array<i32>} : memref<1x128xi32, #tpu.memory_space<vmem>>, vector<1x16xi32>,
        %swap3A_602 = vector.shape_cast %swap3A_601 : vector<1x16xi32> to vector<16xi32>
        %swap3A_603 = vector.shape_cast %select_n3A_597 : vector<16xi32> to vector<1x16xi32>
        tpu.vector_store %arg18[%swap3A_599, %swap3A_600], %swap3A_603 {strides = array<i32>} : memref<1x128xi32, #tpu.memory_space<vmem>>, vector<1x16xi32>,
        %run_scoped3A = arith.constant 0 : i32
        "tpu.region"() ({
          %run_scoped3A_604 = tpu.sem_alloc : memref<!tpu.dma_semaphore, #tpu.memory_space<semaphore_mem>>
          %dma_start3A_605 = arith.constant 0 : i32
          %dma_start3A_606 = tpu.memref_slice %arg18[%run_scoped3A, %dma_start3A_605] : memref<1x128xi32, #tpu.memory_space<vmem>> -> memref<1x128xi32, #tpu.memory_space<vmem>>
          %dma_start3A_607 = tpu.memref_squeeze %dma_start3A_606 : memref<1x128xi32, #tpu.memory_space<vmem>> -> memref<128xi32, #tpu.memory_space<vmem>>
          %dma_start3A_608 = arith.constant 0 : i32
          %dma_start3A_609 = tpu.memref_slice %arg21[%dma_start3A_608] : memref<65792xf32, #tpu.memory_space<vmem_shared>> -> memref<65792xf32, #tpu.memory_space<vmem_shared>>
          tpu.enqueue_indirect_dma source(%arg19 : memref<128xf32, #tpu.memory_space<vmem>>) target(%dma_start3A_609 : memref<65792xf32, #tpu.memory_space<vmem_shared>>) offsets(%dma_start3A_607 : memref<128xi32, #tpu.memory_space<vmem>>) semaphore(%run_scoped3A_604 : memref<!tpu.dma_semaphore, #tpu.memory_space<semaphore_mem>>) {add = true}
          %dma_wait3A_610 = arith.constant 0 : i32
          %dma_wait3A_611 = tpu.memref_slice %arg18[%run_scoped3A, %dma_wait3A_610] : memref<1x128xi32, #tpu.memory_space<vmem>> -> memref<1x128xi32, #tpu.memory_space<vmem>>
          %dma_wait3A_612 = tpu.memref_squeeze %dma_wait3A_611 : memref<1x128xi32, #tpu.memory_space<vmem>> -> memref<128xi32, #tpu.memory_space<vmem>>
          %dma_wait3A_613 = arith.constant 0 : i32
          %dma_wait3A_614 = tpu.memref_slice %arg21[%dma_wait3A_613] : memref<65792xf32, #tpu.memory_space<vmem_shared>> -> memref<65792xf32, #tpu.memory_space<vmem_shared>>
          tpu.wait_indirect_dma semaphore(%run_scoped3A_604 : memref<!tpu.dma_semaphore, #tpu.memory_space<semaphore_mem>>) src(%arg19 : memref<128xf32, #tpu.memory_space<vmem>>) dst(%dma_wait3A_614 : memref<65792xf32, #tpu.memory_space<vmem_shared>>)
          tpu.yield
        }) : () -> ()
      } else {
      }
    }
    %scan3A_208 = arith.constant 128 : i32
    %barrier3A_209 = arith.constant 0 : index
    tpu.barrier barrier_id(%barrier3A_209)
    %mul3A_210 = arith.constant 32 : i32
    %mul3A_211 = arith.muli %arg1, %mul3A_210 : i32
    %mul3A_212 = arith.constant 128 : i32
    %mul3A_213 = arith.muli %mul3A_211, %mul3A_212 : i32
    %mul3A_214 = arith.constant 4096 : i32
    %mul3A_215 = arith.muli %arg0, %mul3A_214 : i32
    %add3A_216 = arith.constant 1024 : i32
    %add3A_217 = arith.addi %mul3A_215, %add3A_216 : i32
    %mul3A_218 = arith.constant 32 : i32
    %mul3A_219 = arith.muli %arg1, %mul3A_218 : i32
    %add3A_220 = arith.addi %add3A_217, %mul3A_219 : i32
    %mul3A_221 = arith.constant 128 : i32
    %mul3A_222 = arith.muli %add3A_220, %mul3A_221 : i32
    "tpu.region"() ({
      %run_scoped3A = tpu.sem_alloc : memref<!tpu.dma_semaphore, #tpu.memory_space<semaphore_mem>>
      %dma_start3A_414 = tpu.memref_slice %arg10[%mul3A_222] : memref<1048576xf32, #tpu.memory_space<hbm>> -> memref<4096xf32, #tpu.memory_space<hbm>>
      %dma_start3A_415 = tpu.memref_slice %arg21[%mul3A_213] : memref<65792xf32, #tpu.memory_space<vmem_shared>> -> memref<4096xf32, #tpu.memory_space<vmem_shared>>
      tpu.enqueue_dma source(%dma_start3A_415 : memref<4096xf32, #tpu.memory_space<vmem_shared>>) target(%dma_start3A_414 : memref<4096xf32, #tpu.memory_space<hbm>>) target_semaphore(%run_scoped3A : memref<!tpu.dma_semaphore, #tpu.memory_space<semaphore_mem>>)
      %dma_wait3A_416 = tpu.memref_slice %arg10[%mul3A_222] : memref<1048576xf32, #tpu.memory_space<hbm>> -> memref<4096xf32, #tpu.memory_space<hbm>>
      %dma_wait3A_417 = tpu.memref_slice %arg21[%mul3A_213] : memref<65792xf32, #tpu.memory_space<vmem_shared>> -> memref<4096xf32, #tpu.memory_space<vmem_shared>>
      tpu.wait_dma2 semaphore(%run_scoped3A : memref<!tpu.dma_semaphore, #tpu.memory_space<semaphore_mem>>) src(%dma_wait3A_417 : memref<4096xf32, #tpu.memory_space<vmem_shared>>) dst(%dma_wait3A_416 : memref<4096xf32, #tpu.memory_space<hbm>>)
      tpu.yield
    }) : () -> ()
    %barrier3A_223 = arith.constant 0 : index
    tpu.barrier barrier_id(%barrier3A_223)
    %mul3A_224 = arith.constant 4112 : i32
    %mul3A_225 = arith.muli %arg1, %mul3A_224 : i32
    %add3A_226 = arith.constant 0 : i32
    %add3A_227 = arith.addi %mul3A_225, %add3A_226 : i32
    "tpu.region"() ({
      %run_scoped3A = tpu.sem_alloc : memref<!tpu.dma_semaphore, #tpu.memory_space<semaphore_mem>>
      %dma_start3A_414 = arith.constant 0 : i32
      %dma_start3A_415 = tpu.memref_slice %arg20[%dma_start3A_414] : memref<4112xf32, #tpu.memory_space<vmem>> -> memref<2056xf32, #tpu.memory_space<vmem>>
      %dma_start3A_416 = tpu.memref_slice %arg21[%add3A_227] : memref<65792xf32, #tpu.memory_space<vmem_shared>> -> memref<2056xf32, #tpu.memory_space<vmem_shared>>
      %dma_start3A_417 = tpu.memref_slice %arg21[%add3A_227] : memref<65792xf32, #tpu.memory_space<vmem_shared>> -> memref<2056xf32, #tpu.memory_space<vmem_shared>>
      %dma_start3A_418 = arith.constant 0 : i32
      %dma_start3A_419 = tpu.memref_slice %arg20[%dma_start3A_418] : memref<4112xf32, #tpu.memory_space<vmem>> -> memref<2056xf32, #tpu.memory_space<vmem>>
      tpu.enqueue_dma source(%dma_start3A_419 : memref<2056xf32, #tpu.memory_space<vmem>>) target(%dma_start3A_417 : memref<2056xf32, #tpu.memory_space<vmem_shared>>) target_semaphore(%run_scoped3A : memref<!tpu.dma_semaphore, #tpu.memory_space<semaphore_mem>>)
      %dma_wait3A_420 = arith.constant 0 : i32
      %dma_wait3A_421 = tpu.memref_slice %arg20[%dma_wait3A_420] : memref<4112xf32, #tpu.memory_space<vmem>> -> memref<2056xf32, #tpu.memory_space<vmem>>
      %dma_wait3A_422 = tpu.memref_slice %arg21[%add3A_227] : memref<65792xf32, #tpu.memory_space<vmem_shared>> -> memref<2056xf32, #tpu.memory_space<vmem_shared>>
      %dma_wait3A_423 = tpu.memref_slice %arg21[%add3A_227] : memref<65792xf32, #tpu.memory_space<vmem_shared>> -> memref<2056xf32, #tpu.memory_space<vmem_shared>>
      %dma_wait3A_424 = arith.constant 0 : i32
      %dma_wait3A_425 = tpu.memref_slice %arg20[%dma_wait3A_424] : memref<4112xf32, #tpu.memory_space<vmem>> -> memref<2056xf32, #tpu.memory_space<vmem>>
      tpu.wait_dma2 semaphore(%run_scoped3A : memref<!tpu.dma_semaphore, #tpu.memory_space<semaphore_mem>>) src(%dma_wait3A_425 : memref<2056xf32, #tpu.memory_space<vmem>>) dst(%dma_wait3A_423 : memref<2056xf32, #tpu.memory_space<vmem_shared>>)
      tpu.yield
    }) : () -> ()
    %mul3A_228 = arith.constant 4112 : i32
    %mul3A_229 = arith.muli %arg1, %mul3A_228 : i32
    %add3A_230 = arith.constant 2056 : i32
    %add3A_231 = arith.addi %mul3A_229, %add3A_230 : i32
    "tpu.region"() ({
      %run_scoped3A = tpu.sem_alloc : memref<!tpu.dma_semaphore, #tpu.memory_space<semaphore_mem>>
      %dma_start3A_414 = arith.constant 2056 : i32
      %dma_start3A_415 = tpu.memref_slice %arg20[%dma_start3A_414] : memref<4112xf32, #tpu.memory_space<vmem>> -> memref<2056xf32, #tpu.memory_space<vmem>>
      %dma_start3A_416 = tpu.memref_slice %arg21[%add3A_231] : memref<65792xf32, #tpu.memory_space<vmem_shared>> -> memref<2056xf32, #tpu.memory_space<vmem_shared>>
      %dma_start3A_417 = tpu.memref_slice %arg21[%add3A_231] : memref<65792xf32, #tpu.memory_space<vmem_shared>> -> memref<2056xf32, #tpu.memory_space<vmem_shared>>
      %dma_start3A_418 = arith.constant 2056 : i32
      %dma_start3A_419 = tpu.memref_slice %arg20[%dma_start3A_418] : memref<4112xf32, #tpu.memory_space<vmem>> -> memref<2056xf32, #tpu.memory_space<vmem>>
      tpu.enqueue_dma source(%dma_start3A_419 : memref<2056xf32, #tpu.memory_space<vmem>>) target(%dma_start3A_417 : memref<2056xf32, #tpu.memory_space<vmem_shared>>) target_semaphore(%run_scoped3A : memref<!tpu.dma_semaphore, #tpu.memory_space<semaphore_mem>>)
      %dma_wait3A_420 = arith.constant 2056 : i32
      %dma_wait3A_421 = tpu.memref_slice %arg20[%dma_wait3A_420] : memref<4112xf32, #tpu.memory_space<vmem>> -> memref<2056xf32, #tpu.memory_space<vmem>>
      %dma_wait3A_422 = tpu.memref_slice %arg21[%add3A_231] : memref<65792xf32, #tpu.memory_space<vmem_shared>> -> memref<2056xf32, #tpu.memory_space<vmem_shared>>
      %dma_wait3A_423 = tpu.memref_slice %arg21[%add3A_231] : memref<65792xf32, #tpu.memory_space<vmem_shared>> -> memref<2056xf32, #tpu.memory_space<vmem_shared>>
      %dma_wait3A_424 = arith.constant 2056 : i32
      %dma_wait3A_425 = tpu.memref_slice %arg20[%dma_wait3A_424] : memref<4112xf32, #tpu.memory_space<vmem>> -> memref<2056xf32, #tpu.memory_space<vmem>>
      tpu.wait_dma2 semaphore(%run_scoped3A : memref<!tpu.dma_semaphore, #tpu.memory_space<semaphore_mem>>) src(%dma_wait3A_425 : memref<2056xf32, #tpu.memory_space<vmem>>) dst(%dma_wait3A_423 : memref<2056xf32, #tpu.memory_space<vmem_shared>>)
      tpu.yield
    }) : () -> ()
    %barrier3A_232 = arith.constant 0 : index
    tpu.barrier barrier_id(%barrier3A_232)
    %scan3A_233 = arith.constant 0 : i32
    %scan3A_234 = arith.constant 0 : i32
    %scan3A_235 = arith.constant 128 : i32
    %scan3A_236 = arith.addi %scan3A_234, %scan3A_235 : i32
    %scan3A_237 = arith.constant 1 : i32
    scf.for %scan3A_414 = %scan3A_234 to %scan3A_236 step %scan3A_237  : i32 {
      %mul3A_415 = arith.constant 256 : i32
      %mul3A_416 = arith.muli %arg1, %mul3A_415 : i32
      %mul3A_417 = arith.constant 2 : i32
      %mul3A_418 = arith.muli %mul3A_417, %scan3A_414 : i32
      %add3A_419 = arith.addi %mul3A_416, %mul3A_418 : i32
      %mul3A_420 = arith.constant 50 : i32
      %mul3A_421 = arith.muli %add3A_419, %mul3A_420 : i32
      %and3A = arith.constant 4095 : i32
      %and3A_422 = arith.andi %mul3A_421, %and3A : i32
      %add3A_423 = arith.constant 100 : i32
      %add3A_424 = arith.addi %mul3A_421, %add3A_423 : i32
      %sub3A = arith.constant 1 : i32
      %sub3A_425 = arith.subi %add3A_424, %sub3A : i32
      %and3A_426 = arith.constant 4095 : i32
      %and3A_427 = arith.andi %sub3A_425, %and3A_426 : i32
      %ge3A = arith.constant 1536 : i32
      %ge3A_428 = arith.cmpi sge, %and3A_422, %ge3A : i32
      %lt3A_429 = arith.constant 2048 : i32
      %lt3A_430 = arith.cmpi slt, %and3A_422, %lt3A_429 : i32
      %and3A_431 = arith.andi %ge3A_428, %lt3A_430 : i1
      %ge3A_432 = arith.constant 1536 : i32
      %ge3A_433 = arith.cmpi sge, %and3A_427, %ge3A_432 : i32
      %lt3A_434 = arith.constant 2048 : i32
      %lt3A_435 = arith.cmpi slt, %and3A_427, %lt3A_434 : i32
      %and3A_436 = arith.andi %ge3A_433, %lt3A_435 : i1
      %or3A = arith.ori %and3A_431, %and3A_436 : i1
      %convert_element_type3A = arith.extui %or3A : i1 to i32
      %cond3A = arith.constant 0 : i32
      %cond3A_437 = arith.cmpi ne, %convert_element_type3A, %cond3A : i32
      scf.if %cond3A_437 {
        %get3A = arith.index_cast %scan3A_414 : i32 to index
        %get3A_438 = arith.constant 0 : index
        %get3A_439 = tpu.vector_load %arg17[%get3A, %get3A_438] {strides = array<i32>} : memref<128x128xi32, #tpu.memory_space<vmem>>, vector<1x16xi32>,
        %get3A_440 = vector.shape_cast %get3A_439 : vector<1x16xi32> to vector<16xi32>
        %ge3A_441 = arith.constant 196608 : i32
        %ge3A_442 = vector.broadcast %ge3A_441 : i32 to vector<16xi32>
        %ge3A_443 = arith.cmpi sge, %get3A_440, %ge3A_442 : vector<16xi32>
        %lt3A_444 = arith.constant 262144 : i32
        %lt3A_445 = vector.broadcast %lt3A_444 : i32 to vector<16xi32>
        %lt3A_446 = arith.cmpi slt, %get3A_440, %lt3A_445 : vector<16xi32>
        %and3A_447 = arith.andi %ge3A_443, %lt3A_446 : vector<16xi1>
        %sub3A_448 = arith.constant 196608 : i32
        %sub3A_449 = vector.broadcast %sub3A_448 : i32 to vector<16xi32>
        %sub3A_450 = arith.subi %get3A_440, %sub3A_449 : vector<16xi32>
        %select_n3A = arith.select %and3A_447, %sub3A_450, %add3A_134 : vector<16xi1>, vector<16xi32>
        %swap3A_451 = arith.constant 0 : i32
        %swap3A_452 = arith.index_cast %swap3A_451 : i32 to index
        %swap3A_453 = arith.constant 0 : index
        %swap3A_454 = tpu.vector_load %arg18[%swap3A_452, %swap3A_453] {strides = array<i32>} : memref<1x128xi32, #tpu.memory_space<vmem>>, vector<1x16xi32>,
        %swap3A_455 = vector.shape_cast %swap3A_454 : vector<1x16xi32> to vector<16xi32>
        %swap3A_456 = vector.shape_cast %select_n3A : vector<16xi32> to vector<1x16xi32>
        tpu.vector_store %arg18[%swap3A_452, %swap3A_453], %swap3A_456 {strides = array<i32>} : memref<1x128xi32, #tpu.memory_space<vmem>>, vector<1x16xi32>,
        %get3A_457 = arith.index_cast %scan3A_414 : i32 to index
        %get3A_458 = arith.constant 16 : index
        %get3A_459 = tpu.vector_load %arg17[%get3A_457, %get3A_458] {strides = array<i32>} : memref<128x128xi32, #tpu.memory_space<vmem>>, vector<1x16xi32>,
        %get3A_460 = vector.shape_cast %get3A_459 : vector<1x16xi32> to vector<16xi32>
        %ge3A_461 = arith.constant 196608 : i32
        %ge3A_462 = vector.broadcast %ge3A_461 : i32 to vector<16xi32>
        %ge3A_463 = arith.cmpi sge, %get3A_460, %ge3A_462 : vector<16xi32>
        %lt3A_464 = arith.constant 262144 : i32
        %lt3A_465 = vector.broadcast %lt3A_464 : i32 to vector<16xi32>
        %lt3A_466 = arith.cmpi slt, %get3A_460, %lt3A_465 : vector<16xi32>
        %and3A_467 = arith.andi %ge3A_463, %lt3A_466 : vector<16xi1>
        %sub3A_468 = arith.constant 196608 : i32
        %sub3A_469 = vector.broadcast %sub3A_468 : i32 to vector<16xi32>
        %sub3A_470 = arith.subi %get3A_460, %sub3A_469 : vector<16xi32>
        %select_n3A_471 = arith.select %and3A_467, %sub3A_470, %add3A_134 : vector<16xi1>, vector<16xi32>
        %swap3A_472 = arith.constant 0 : i32
        %swap3A_473 = arith.index_cast %swap3A_472 : i32 to index
        %swap3A_474 = arith.constant 16 : index
        %swap3A_475 = tpu.vector_load %arg18[%swap3A_473, %swap3A_474] {strides = array<i32>} : memref<1x128xi32, #tpu.memory_space<vmem>>, vector<1x16xi32>,
        %swap3A_476 = vector.shape_cast %swap3A_475 : vector<1x16xi32> to vector<16xi32>
        %swap3A_477 = vector.shape_cast %select_n3A_471 : vector<16xi32> to vector<1x16xi32>
        tpu.vector_store %arg18[%swap3A_473, %swap3A_474], %swap3A_477 {strides = array<i32>} : memref<1x128xi32, #tpu.memory_space<vmem>>, vector<1x16xi32>,
        %get3A_478 = arith.index_cast %scan3A_414 : i32 to index
        %get3A_479 = arith.constant 32 : index
        %get3A_480 = tpu.vector_load %arg17[%get3A_478, %get3A_479] {strides = array<i32>} : memref<128x128xi32, #tpu.memory_space<vmem>>, vector<1x16xi32>,
        %get3A_481 = vector.shape_cast %get3A_480 : vector<1x16xi32> to vector<16xi32>
        %ge3A_482 = arith.constant 196608 : i32
        %ge3A_483 = vector.broadcast %ge3A_482 : i32 to vector<16xi32>
        %ge3A_484 = arith.cmpi sge, %get3A_481, %ge3A_483 : vector<16xi32>
        %lt3A_485 = arith.constant 262144 : i32
        %lt3A_486 = vector.broadcast %lt3A_485 : i32 to vector<16xi32>
        %lt3A_487 = arith.cmpi slt, %get3A_481, %lt3A_486 : vector<16xi32>
        %and3A_488 = arith.andi %ge3A_484, %lt3A_487 : vector<16xi1>
        %sub3A_489 = arith.constant 196608 : i32
        %sub3A_490 = vector.broadcast %sub3A_489 : i32 to vector<16xi32>
        %sub3A_491 = arith.subi %get3A_481, %sub3A_490 : vector<16xi32>
        %select_n3A_492 = arith.select %and3A_488, %sub3A_491, %add3A_134 : vector<16xi1>, vector<16xi32>
        %swap3A_493 = arith.constant 0 : i32
        %swap3A_494 = arith.index_cast %swap3A_493 : i32 to index
        %swap3A_495 = arith.constant 32 : index
        %swap3A_496 = tpu.vector_load %arg18[%swap3A_494, %swap3A_495] {strides = array<i32>} : memref<1x128xi32, #tpu.memory_space<vmem>>, vector<1x16xi32>,
        %swap3A_497 = vector.shape_cast %swap3A_496 : vector<1x16xi32> to vector<16xi32>
        %swap3A_498 = vector.shape_cast %select_n3A_492 : vector<16xi32> to vector<1x16xi32>
        tpu.vector_store %arg18[%swap3A_494, %swap3A_495], %swap3A_498 {strides = array<i32>} : memref<1x128xi32, #tpu.memory_space<vmem>>, vector<1x16xi32>,
        %get3A_499 = arith.index_cast %scan3A_414 : i32 to index
        %get3A_500 = arith.constant 48 : index
        %get3A_501 = tpu.vector_load %arg17[%get3A_499, %get3A_500] {strides = array<i32>} : memref<128x128xi32, #tpu.memory_space<vmem>>, vector<1x16xi32>,
        %get3A_502 = vector.shape_cast %get3A_501 : vector<1x16xi32> to vector<16xi32>
        %ge3A_503 = arith.constant 196608 : i32
        %ge3A_504 = vector.broadcast %ge3A_503 : i32 to vector<16xi32>
        %ge3A_505 = arith.cmpi sge, %get3A_502, %ge3A_504 : vector<16xi32>
        %lt3A_506 = arith.constant 262144 : i32
        %lt3A_507 = vector.broadcast %lt3A_506 : i32 to vector<16xi32>
        %lt3A_508 = arith.cmpi slt, %get3A_502, %lt3A_507 : vector<16xi32>
        %and3A_509 = arith.andi %ge3A_505, %lt3A_508 : vector<16xi1>
        %sub3A_510 = arith.constant 196608 : i32
        %sub3A_511 = vector.broadcast %sub3A_510 : i32 to vector<16xi32>
        %sub3A_512 = arith.subi %get3A_502, %sub3A_511 : vector<16xi32>
        %select_n3A_513 = arith.select %and3A_509, %sub3A_512, %add3A_134 : vector<16xi1>, vector<16xi32>
        %swap3A_514 = arith.constant 0 : i32
        %swap3A_515 = arith.index_cast %swap3A_514 : i32 to index
        %swap3A_516 = arith.constant 48 : index
        %swap3A_517 = tpu.vector_load %arg18[%swap3A_515, %swap3A_516] {strides = array<i32>} : memref<1x128xi32, #tpu.memory_space<vmem>>, vector<1x16xi32>,
        %swap3A_518 = vector.shape_cast %swap3A_517 : vector<1x16xi32> to vector<16xi32>
        %swap3A_519 = vector.shape_cast %select_n3A_513 : vector<16xi32> to vector<1x16xi32>
        tpu.vector_store %arg18[%swap3A_515, %swap3A_516], %swap3A_519 {strides = array<i32>} : memref<1x128xi32, #tpu.memory_space<vmem>>, vector<1x16xi32>,
        %get3A_520 = arith.index_cast %scan3A_414 : i32 to index
        %get3A_521 = arith.constant 64 : index
        %get3A_522 = tpu.vector_load %arg17[%get3A_520, %get3A_521] {strides = array<i32>} : memref<128x128xi32, #tpu.memory_space<vmem>>, vector<1x16xi32>,
        %get3A_523 = vector.shape_cast %get3A_522 : vector<1x16xi32> to vector<16xi32>
        %ge3A_524 = arith.constant 196608 : i32
        %ge3A_525 = vector.broadcast %ge3A_524 : i32 to vector<16xi32>
        %ge3A_526 = arith.cmpi sge, %get3A_523, %ge3A_525 : vector<16xi32>
        %lt3A_527 = arith.constant 262144 : i32
        %lt3A_528 = vector.broadcast %lt3A_527 : i32 to vector<16xi32>
        %lt3A_529 = arith.cmpi slt, %get3A_523, %lt3A_528 : vector<16xi32>
        %and3A_530 = arith.andi %ge3A_526, %lt3A_529 : vector<16xi1>
        %sub3A_531 = arith.constant 196608 : i32
        %sub3A_532 = vector.broadcast %sub3A_531 : i32 to vector<16xi32>
        %sub3A_533 = arith.subi %get3A_523, %sub3A_532 : vector<16xi32>
        %select_n3A_534 = arith.select %and3A_530, %sub3A_533, %add3A_134 : vector<16xi1>, vector<16xi32>
        %swap3A_535 = arith.constant 0 : i32
        %swap3A_536 = arith.index_cast %swap3A_535 : i32 to index
        %swap3A_537 = arith.constant 64 : index
        %swap3A_538 = tpu.vector_load %arg18[%swap3A_536, %swap3A_537] {strides = array<i32>} : memref<1x128xi32, #tpu.memory_space<vmem>>, vector<1x16xi32>,
        %swap3A_539 = vector.shape_cast %swap3A_538 : vector<1x16xi32> to vector<16xi32>
        %swap3A_540 = vector.shape_cast %select_n3A_534 : vector<16xi32> to vector<1x16xi32>
        tpu.vector_store %arg18[%swap3A_536, %swap3A_537], %swap3A_540 {strides = array<i32>} : memref<1x128xi32, #tpu.memory_space<vmem>>, vector<1x16xi32>,
        %get3A_541 = arith.index_cast %scan3A_414 : i32 to index
        %get3A_542 = arith.constant 80 : index
        %get3A_543 = tpu.vector_load %arg17[%get3A_541, %get3A_542] {strides = array<i32>} : memref<128x128xi32, #tpu.memory_space<vmem>>, vector<1x16xi32>,
        %get3A_544 = vector.shape_cast %get3A_543 : vector<1x16xi32> to vector<16xi32>
        %ge3A_545 = arith.constant 196608 : i32
        %ge3A_546 = vector.broadcast %ge3A_545 : i32 to vector<16xi32>
        %ge3A_547 = arith.cmpi sge, %get3A_544, %ge3A_546 : vector<16xi32>
        %lt3A_548 = arith.constant 262144 : i32
        %lt3A_549 = vector.broadcast %lt3A_548 : i32 to vector<16xi32>
        %lt3A_550 = arith.cmpi slt, %get3A_544, %lt3A_549 : vector<16xi32>
        %and3A_551 = arith.andi %ge3A_547, %lt3A_550 : vector<16xi1>
        %sub3A_552 = arith.constant 196608 : i32
        %sub3A_553 = vector.broadcast %sub3A_552 : i32 to vector<16xi32>
        %sub3A_554 = arith.subi %get3A_544, %sub3A_553 : vector<16xi32>
        %select_n3A_555 = arith.select %and3A_551, %sub3A_554, %add3A_134 : vector<16xi1>, vector<16xi32>
        %swap3A_556 = arith.constant 0 : i32
        %swap3A_557 = arith.index_cast %swap3A_556 : i32 to index
        %swap3A_558 = arith.constant 80 : index
        %swap3A_559 = tpu.vector_load %arg18[%swap3A_557, %swap3A_558] {strides = array<i32>} : memref<1x128xi32, #tpu.memory_space<vmem>>, vector<1x16xi32>,
        %swap3A_560 = vector.shape_cast %swap3A_559 : vector<1x16xi32> to vector<16xi32>
        %swap3A_561 = vector.shape_cast %select_n3A_555 : vector<16xi32> to vector<1x16xi32>
        tpu.vector_store %arg18[%swap3A_557, %swap3A_558], %swap3A_561 {strides = array<i32>} : memref<1x128xi32, #tpu.memory_space<vmem>>, vector<1x16xi32>,
        %get3A_562 = arith.index_cast %scan3A_414 : i32 to index
        %get3A_563 = arith.constant 96 : index
        %get3A_564 = tpu.vector_load %arg17[%get3A_562, %get3A_563] {strides = array<i32>} : memref<128x128xi32, #tpu.memory_space<vmem>>, vector<1x16xi32>,
        %get3A_565 = vector.shape_cast %get3A_564 : vector<1x16xi32> to vector<16xi32>
        %ge3A_566 = arith.constant 196608 : i32
        %ge3A_567 = vector.broadcast %ge3A_566 : i32 to vector<16xi32>
        %ge3A_568 = arith.cmpi sge, %get3A_565, %ge3A_567 : vector<16xi32>
        %lt3A_569 = arith.constant 262144 : i32
        %lt3A_570 = vector.broadcast %lt3A_569 : i32 to vector<16xi32>
        %lt3A_571 = arith.cmpi slt, %get3A_565, %lt3A_570 : vector<16xi32>
        %and3A_572 = arith.andi %ge3A_568, %lt3A_571 : vector<16xi1>
        %sub3A_573 = arith.constant 196608 : i32
        %sub3A_574 = vector.broadcast %sub3A_573 : i32 to vector<16xi32>
        %sub3A_575 = arith.subi %get3A_565, %sub3A_574 : vector<16xi32>
        %select_n3A_576 = arith.select %and3A_572, %sub3A_575, %add3A_134 : vector<16xi1>, vector<16xi32>
        %swap3A_577 = arith.constant 0 : i32
        %swap3A_578 = arith.index_cast %swap3A_577 : i32 to index
        %swap3A_579 = arith.constant 96 : index
        %swap3A_580 = tpu.vector_load %arg18[%swap3A_578, %swap3A_579] {strides = array<i32>} : memref<1x128xi32, #tpu.memory_space<vmem>>, vector<1x16xi32>,
        %swap3A_581 = vector.shape_cast %swap3A_580 : vector<1x16xi32> to vector<16xi32>
        %swap3A_582 = vector.shape_cast %select_n3A_576 : vector<16xi32> to vector<1x16xi32>
        tpu.vector_store %arg18[%swap3A_578, %swap3A_579], %swap3A_582 {strides = array<i32>} : memref<1x128xi32, #tpu.memory_space<vmem>>, vector<1x16xi32>,
        %get3A_583 = arith.index_cast %scan3A_414 : i32 to index
        %get3A_584 = arith.constant 112 : index
        %get3A_585 = tpu.vector_load %arg17[%get3A_583, %get3A_584] {strides = array<i32>} : memref<128x128xi32, #tpu.memory_space<vmem>>, vector<1x16xi32>,
        %get3A_586 = vector.shape_cast %get3A_585 : vector<1x16xi32> to vector<16xi32>
        %ge3A_587 = arith.constant 196608 : i32
        %ge3A_588 = vector.broadcast %ge3A_587 : i32 to vector<16xi32>
        %ge3A_589 = arith.cmpi sge, %get3A_586, %ge3A_588 : vector<16xi32>
        %lt3A_590 = arith.constant 262144 : i32
        %lt3A_591 = vector.broadcast %lt3A_590 : i32 to vector<16xi32>
        %lt3A_592 = arith.cmpi slt, %get3A_586, %lt3A_591 : vector<16xi32>
        %and3A_593 = arith.andi %ge3A_589, %lt3A_592 : vector<16xi1>
        %sub3A_594 = arith.constant 196608 : i32
        %sub3A_595 = vector.broadcast %sub3A_594 : i32 to vector<16xi32>
        %sub3A_596 = arith.subi %get3A_586, %sub3A_595 : vector<16xi32>
        %select_n3A_597 = arith.select %and3A_593, %sub3A_596, %add3A_134 : vector<16xi1>, vector<16xi32>
        %swap3A_598 = arith.constant 0 : i32
        %swap3A_599 = arith.index_cast %swap3A_598 : i32 to index
        %swap3A_600 = arith.constant 112 : index
        %swap3A_601 = tpu.vector_load %arg18[%swap3A_599, %swap3A_600] {strides = array<i32>} : memref<1x128xi32, #tpu.memory_space<vmem>>, vector<1x16xi32>,
        %swap3A_602 = vector.shape_cast %swap3A_601 : vector<1x16xi32> to vector<16xi32>
        %swap3A_603 = vector.shape_cast %select_n3A_597 : vector<16xi32> to vector<1x16xi32>
        tpu.vector_store %arg18[%swap3A_599, %swap3A_600], %swap3A_603 {strides = array<i32>} : memref<1x128xi32, #tpu.memory_space<vmem>>, vector<1x16xi32>,
        %run_scoped3A = arith.constant 0 : i32
        "tpu.region"() ({
          %run_scoped3A_604 = tpu.sem_alloc : memref<!tpu.dma_semaphore, #tpu.memory_space<semaphore_mem>>
          %dma_start3A_605 = arith.constant 0 : i32
          %dma_start3A_606 = tpu.memref_slice %arg18[%run_scoped3A, %dma_start3A_605] : memref<1x128xi32, #tpu.memory_space<vmem>> -> memref<1x128xi32, #tpu.memory_space<vmem>>
          %dma_start3A_607 = tpu.memref_squeeze %dma_start3A_606 : memref<1x128xi32, #tpu.memory_space<vmem>> -> memref<128xi32, #tpu.memory_space<vmem>>
          %dma_start3A_608 = arith.constant 0 : i32
          %dma_start3A_609 = tpu.memref_slice %arg21[%dma_start3A_608] : memref<65792xf32, #tpu.memory_space<vmem_shared>> -> memref<65792xf32, #tpu.memory_space<vmem_shared>>
          tpu.enqueue_indirect_dma source(%arg19 : memref<128xf32, #tpu.memory_space<vmem>>) target(%dma_start3A_609 : memref<65792xf32, #tpu.memory_space<vmem_shared>>) offsets(%dma_start3A_607 : memref<128xi32, #tpu.memory_space<vmem>>) semaphore(%run_scoped3A_604 : memref<!tpu.dma_semaphore, #tpu.memory_space<semaphore_mem>>) {add = true}
          %dma_wait3A_610 = arith.constant 0 : i32
          %dma_wait3A_611 = tpu.memref_slice %arg18[%run_scoped3A, %dma_wait3A_610] : memref<1x128xi32, #tpu.memory_space<vmem>> -> memref<1x128xi32, #tpu.memory_space<vmem>>
          %dma_wait3A_612 = tpu.memref_squeeze %dma_wait3A_611 : memref<1x128xi32, #tpu.memory_space<vmem>> -> memref<128xi32, #tpu.memory_space<vmem>>
          %dma_wait3A_613 = arith.constant 0 : i32
          %dma_wait3A_614 = tpu.memref_slice %arg21[%dma_wait3A_613] : memref<65792xf32, #tpu.memory_space<vmem_shared>> -> memref<65792xf32, #tpu.memory_space<vmem_shared>>
          tpu.wait_indirect_dma semaphore(%run_scoped3A_604 : memref<!tpu.dma_semaphore, #tpu.memory_space<semaphore_mem>>) src(%arg19 : memref<128xf32, #tpu.memory_space<vmem>>) dst(%dma_wait3A_614 : memref<65792xf32, #tpu.memory_space<vmem_shared>>)
          tpu.yield
        }) : () -> ()
      } else {
      }
    }
    %scan3A_238 = arith.constant 128 : i32
    %barrier3A_239 = arith.constant 0 : index
    tpu.barrier barrier_id(%barrier3A_239)
    %mul3A_240 = arith.constant 32 : i32
    %mul3A_241 = arith.muli %arg1, %mul3A_240 : i32
    %mul3A_242 = arith.constant 128 : i32
    %mul3A_243 = arith.muli %mul3A_241, %mul3A_242 : i32
    %mul3A_244 = arith.constant 4096 : i32
    %mul3A_245 = arith.muli %arg0, %mul3A_244 : i32
    %add3A_246 = arith.constant 1536 : i32
    %add3A_247 = arith.addi %mul3A_245, %add3A_246 : i32
    %mul3A_248 = arith.constant 32 : i32
    %mul3A_249 = arith.muli %arg1, %mul3A_248 : i32
    %add3A_250 = arith.addi %add3A_247, %mul3A_249 : i32
    %mul3A_251 = arith.constant 128 : i32
    %mul3A_252 = arith.muli %add3A_250, %mul3A_251 : i32
    "tpu.region"() ({
      %run_scoped3A = tpu.sem_alloc : memref<!tpu.dma_semaphore, #tpu.memory_space<semaphore_mem>>
      %dma_start3A_414 = tpu.memref_slice %arg10[%mul3A_252] : memref<1048576xf32, #tpu.memory_space<hbm>> -> memref<4096xf32, #tpu.memory_space<hbm>>
      %dma_start3A_415 = tpu.memref_slice %arg21[%mul3A_243] : memref<65792xf32, #tpu.memory_space<vmem_shared>> -> memref<4096xf32, #tpu.memory_space<vmem_shared>>
      tpu.enqueue_dma source(%dma_start3A_415 : memref<4096xf32, #tpu.memory_space<vmem_shared>>) target(%dma_start3A_414 : memref<4096xf32, #tpu.memory_space<hbm>>) target_semaphore(%run_scoped3A : memref<!tpu.dma_semaphore, #tpu.memory_space<semaphore_mem>>)
      %dma_wait3A_416 = tpu.memref_slice %arg10[%mul3A_252] : memref<1048576xf32, #tpu.memory_space<hbm>> -> memref<4096xf32, #tpu.memory_space<hbm>>
      %dma_wait3A_417 = tpu.memref_slice %arg21[%mul3A_243] : memref<65792xf32, #tpu.memory_space<vmem_shared>> -> memref<4096xf32, #tpu.memory_space<vmem_shared>>
      tpu.wait_dma2 semaphore(%run_scoped3A : memref<!tpu.dma_semaphore, #tpu.memory_space<semaphore_mem>>) src(%dma_wait3A_417 : memref<4096xf32, #tpu.memory_space<vmem_shared>>) dst(%dma_wait3A_416 : memref<4096xf32, #tpu.memory_space<hbm>>)
      tpu.yield
    }) : () -> ()
    %barrier3A_253 = arith.constant 0 : index
    tpu.barrier barrier_id(%barrier3A_253)
    %mul3A_254 = arith.constant 4112 : i32
    %mul3A_255 = arith.muli %arg1, %mul3A_254 : i32
    %add3A_256 = arith.constant 0 : i32
    %add3A_257 = arith.addi %mul3A_255, %add3A_256 : i32
    "tpu.region"() ({
      %run_scoped3A = tpu.sem_alloc : memref<!tpu.dma_semaphore, #tpu.memory_space<semaphore_mem>>
      %dma_start3A_414 = arith.constant 0 : i32
      %dma_start3A_415 = tpu.memref_slice %arg20[%dma_start3A_414] : memref<4112xf32, #tpu.memory_space<vmem>> -> memref<2056xf32, #tpu.memory_space<vmem>>
      %dma_start3A_416 = tpu.memref_slice %arg21[%add3A_257] : memref<65792xf32, #tpu.memory_space<vmem_shared>> -> memref<2056xf32, #tpu.memory_space<vmem_shared>>
      %dma_start3A_417 = tpu.memref_slice %arg21[%add3A_257] : memref<65792xf32, #tpu.memory_space<vmem_shared>> -> memref<2056xf32, #tpu.memory_space<vmem_shared>>
      %dma_start3A_418 = arith.constant 0 : i32
      %dma_start3A_419 = tpu.memref_slice %arg20[%dma_start3A_418] : memref<4112xf32, #tpu.memory_space<vmem>> -> memref<2056xf32, #tpu.memory_space<vmem>>
      tpu.enqueue_dma source(%dma_start3A_419 : memref<2056xf32, #tpu.memory_space<vmem>>) target(%dma_start3A_417 : memref<2056xf32, #tpu.memory_space<vmem_shared>>) target_semaphore(%run_scoped3A : memref<!tpu.dma_semaphore, #tpu.memory_space<semaphore_mem>>)
      %dma_wait3A_420 = arith.constant 0 : i32
      %dma_wait3A_421 = tpu.memref_slice %arg20[%dma_wait3A_420] : memref<4112xf32, #tpu.memory_space<vmem>> -> memref<2056xf32, #tpu.memory_space<vmem>>
      %dma_wait3A_422 = tpu.memref_slice %arg21[%add3A_257] : memref<65792xf32, #tpu.memory_space<vmem_shared>> -> memref<2056xf32, #tpu.memory_space<vmem_shared>>
      %dma_wait3A_423 = tpu.memref_slice %arg21[%add3A_257] : memref<65792xf32, #tpu.memory_space<vmem_shared>> -> memref<2056xf32, #tpu.memory_space<vmem_shared>>
      %dma_wait3A_424 = arith.constant 0 : i32
      %dma_wait3A_425 = tpu.memref_slice %arg20[%dma_wait3A_424] : memref<4112xf32, #tpu.memory_space<vmem>> -> memref<2056xf32, #tpu.memory_space<vmem>>
      tpu.wait_dma2 semaphore(%run_scoped3A : memref<!tpu.dma_semaphore, #tpu.memory_space<semaphore_mem>>) src(%dma_wait3A_425 : memref<2056xf32, #tpu.memory_space<vmem>>) dst(%dma_wait3A_423 : memref<2056xf32, #tpu.memory_space<vmem_shared>>)
      tpu.yield
    }) : () -> ()
    %mul3A_258 = arith.constant 4112 : i32
    %mul3A_259 = arith.muli %arg1, %mul3A_258 : i32
    %add3A_260 = arith.constant 2056 : i32
    %add3A_261 = arith.addi %mul3A_259, %add3A_260 : i32
    "tpu.region"() ({
      %run_scoped3A = tpu.sem_alloc : memref<!tpu.dma_semaphore, #tpu.memory_space<semaphore_mem>>
      %dma_start3A_414 = arith.constant 2056 : i32
      %dma_start3A_415 = tpu.memref_slice %arg20[%dma_start3A_414] : memref<4112xf32, #tpu.memory_space<vmem>> -> memref<2056xf32, #tpu.memory_space<vmem>>
      %dma_start3A_416 = tpu.memref_slice %arg21[%add3A_261] : memref<65792xf32, #tpu.memory_space<vmem_shared>> -> memref<2056xf32, #tpu.memory_space<vmem_shared>>
      %dma_start3A_417 = tpu.memref_slice %arg21[%add3A_261] : memref<65792xf32, #tpu.memory_space<vmem_shared>> -> memref<2056xf32, #tpu.memory_space<vmem_shared>>
      %dma_start3A_418 = arith.constant 2056 : i32
      %dma_start3A_419 = tpu.memref_slice %arg20[%dma_start3A_418] : memref<4112xf32, #tpu.memory_space<vmem>> -> memref<2056xf32, #tpu.memory_space<vmem>>
      tpu.enqueue_dma source(%dma_start3A_419 : memref<2056xf32, #tpu.memory_space<vmem>>) target(%dma_start3A_417 : memref<2056xf32, #tpu.memory_space<vmem_shared>>) target_semaphore(%run_scoped3A : memref<!tpu.dma_semaphore, #tpu.memory_space<semaphore_mem>>)
      %dma_wait3A_420 = arith.constant 2056 : i32
      %dma_wait3A_421 = tpu.memref_slice %arg20[%dma_wait3A_420] : memref<4112xf32, #tpu.memory_space<vmem>> -> memref<2056xf32, #tpu.memory_space<vmem>>
      %dma_wait3A_422 = tpu.memref_slice %arg21[%add3A_261] : memref<65792xf32, #tpu.memory_space<vmem_shared>> -> memref<2056xf32, #tpu.memory_space<vmem_shared>>
      %dma_wait3A_423 = tpu.memref_slice %arg21[%add3A_261] : memref<65792xf32, #tpu.memory_space<vmem_shared>> -> memref<2056xf32, #tpu.memory_space<vmem_shared>>
      %dma_wait3A_424 = arith.constant 2056 : i32
      %dma_wait3A_425 = tpu.memref_slice %arg20[%dma_wait3A_424] : memref<4112xf32, #tpu.memory_space<vmem>> -> memref<2056xf32, #tpu.memory_space<vmem>>
      tpu.wait_dma2 semaphore(%run_scoped3A : memref<!tpu.dma_semaphore, #tpu.memory_space<semaphore_mem>>) src(%dma_wait3A_425 : memref<2056xf32, #tpu.memory_space<vmem>>) dst(%dma_wait3A_423 : memref<2056xf32, #tpu.memory_space<vmem_shared>>)
      tpu.yield
    }) : () -> ()
    %barrier3A_262 = arith.constant 0 : index
    tpu.barrier barrier_id(%barrier3A_262)
    %scan3A_263 = arith.constant 0 : i32
    %scan3A_264 = arith.constant 0 : i32
    %scan3A_265 = arith.constant 128 : i32
    %scan3A_266 = arith.addi %scan3A_264, %scan3A_265 : i32
    %scan3A_267 = arith.constant 1 : i32
    scf.for %scan3A_414 = %scan3A_264 to %scan3A_266 step %scan3A_267  : i32 {
      %mul3A_415 = arith.constant 256 : i32
      %mul3A_416 = arith.muli %arg1, %mul3A_415 : i32
      %mul3A_417 = arith.constant 2 : i32
      %mul3A_418 = arith.muli %mul3A_417, %scan3A_414 : i32
      %add3A_419 = arith.addi %mul3A_416, %mul3A_418 : i32
      %mul3A_420 = arith.constant 50 : i32
      %mul3A_421 = arith.muli %add3A_419, %mul3A_420 : i32
      %and3A = arith.constant 4095 : i32
      %and3A_422 = arith.andi %mul3A_421, %and3A : i32
      %add3A_423 = arith.constant 100 : i32
      %add3A_424 = arith.addi %mul3A_421, %add3A_423 : i32
      %sub3A = arith.constant 1 : i32
      %sub3A_425 = arith.subi %add3A_424, %sub3A : i32
      %and3A_426 = arith.constant 4095 : i32
      %and3A_427 = arith.andi %sub3A_425, %and3A_426 : i32
      %ge3A = arith.constant 2048 : i32
      %ge3A_428 = arith.cmpi sge, %and3A_422, %ge3A : i32
      %lt3A_429 = arith.constant 2560 : i32
      %lt3A_430 = arith.cmpi slt, %and3A_422, %lt3A_429 : i32
      %and3A_431 = arith.andi %ge3A_428, %lt3A_430 : i1
      %ge3A_432 = arith.constant 2048 : i32
      %ge3A_433 = arith.cmpi sge, %and3A_427, %ge3A_432 : i32
      %lt3A_434 = arith.constant 2560 : i32
      %lt3A_435 = arith.cmpi slt, %and3A_427, %lt3A_434 : i32
      %and3A_436 = arith.andi %ge3A_433, %lt3A_435 : i1
      %or3A = arith.ori %and3A_431, %and3A_436 : i1
      %convert_element_type3A = arith.extui %or3A : i1 to i32
      %cond3A = arith.constant 0 : i32
      %cond3A_437 = arith.cmpi ne, %convert_element_type3A, %cond3A : i32
      scf.if %cond3A_437 {
        %get3A = arith.index_cast %scan3A_414 : i32 to index
        %get3A_438 = arith.constant 0 : index
        %get3A_439 = tpu.vector_load %arg17[%get3A, %get3A_438] {strides = array<i32>} : memref<128x128xi32, #tpu.memory_space<vmem>>, vector<1x16xi32>,
        %get3A_440 = vector.shape_cast %get3A_439 : vector<1x16xi32> to vector<16xi32>
        %ge3A_441 = arith.constant 262144 : i32
        %ge3A_442 = vector.broadcast %ge3A_441 : i32 to vector<16xi32>
        %ge3A_443 = arith.cmpi sge, %get3A_440, %ge3A_442 : vector<16xi32>
        %lt3A_444 = arith.constant 327680 : i32
        %lt3A_445 = vector.broadcast %lt3A_444 : i32 to vector<16xi32>
        %lt3A_446 = arith.cmpi slt, %get3A_440, %lt3A_445 : vector<16xi32>
        %and3A_447 = arith.andi %ge3A_443, %lt3A_446 : vector<16xi1>
        %sub3A_448 = arith.constant 262144 : i32
        %sub3A_449 = vector.broadcast %sub3A_448 : i32 to vector<16xi32>
        %sub3A_450 = arith.subi %get3A_440, %sub3A_449 : vector<16xi32>
        %select_n3A = arith.select %and3A_447, %sub3A_450, %add3A_134 : vector<16xi1>, vector<16xi32>
        %swap3A_451 = arith.constant 0 : i32
        %swap3A_452 = arith.index_cast %swap3A_451 : i32 to index
        %swap3A_453 = arith.constant 0 : index
        %swap3A_454 = tpu.vector_load %arg18[%swap3A_452, %swap3A_453] {strides = array<i32>} : memref<1x128xi32, #tpu.memory_space<vmem>>, vector<1x16xi32>,
        %swap3A_455 = vector.shape_cast %swap3A_454 : vector<1x16xi32> to vector<16xi32>
        %swap3A_456 = vector.shape_cast %select_n3A : vector<16xi32> to vector<1x16xi32>
        tpu.vector_store %arg18[%swap3A_452, %swap3A_453], %swap3A_456 {strides = array<i32>} : memref<1x128xi32, #tpu.memory_space<vmem>>, vector<1x16xi32>,
        %get3A_457 = arith.index_cast %scan3A_414 : i32 to index
        %get3A_458 = arith.constant 16 : index
        %get3A_459 = tpu.vector_load %arg17[%get3A_457, %get3A_458] {strides = array<i32>} : memref<128x128xi32, #tpu.memory_space<vmem>>, vector<1x16xi32>,
        %get3A_460 = vector.shape_cast %get3A_459 : vector<1x16xi32> to vector<16xi32>
        %ge3A_461 = arith.constant 262144 : i32
        %ge3A_462 = vector.broadcast %ge3A_461 : i32 to vector<16xi32>
        %ge3A_463 = arith.cmpi sge, %get3A_460, %ge3A_462 : vector<16xi32>
        %lt3A_464 = arith.constant 327680 : i32
        %lt3A_465 = vector.broadcast %lt3A_464 : i32 to vector<16xi32>
        %lt3A_466 = arith.cmpi slt, %get3A_460, %lt3A_465 : vector<16xi32>
        %and3A_467 = arith.andi %ge3A_463, %lt3A_466 : vector<16xi1>
        %sub3A_468 = arith.constant 262144 : i32
        %sub3A_469 = vector.broadcast %sub3A_468 : i32 to vector<16xi32>
        %sub3A_470 = arith.subi %get3A_460, %sub3A_469 : vector<16xi32>
        %select_n3A_471 = arith.select %and3A_467, %sub3A_470, %add3A_134 : vector<16xi1>, vector<16xi32>
        %swap3A_472 = arith.constant 0 : i32
        %swap3A_473 = arith.index_cast %swap3A_472 : i32 to index
        %swap3A_474 = arith.constant 16 : index
        %swap3A_475 = tpu.vector_load %arg18[%swap3A_473, %swap3A_474] {strides = array<i32>} : memref<1x128xi32, #tpu.memory_space<vmem>>, vector<1x16xi32>,
        %swap3A_476 = vector.shape_cast %swap3A_475 : vector<1x16xi32> to vector<16xi32>
        %swap3A_477 = vector.shape_cast %select_n3A_471 : vector<16xi32> to vector<1x16xi32>
        tpu.vector_store %arg18[%swap3A_473, %swap3A_474], %swap3A_477 {strides = array<i32>} : memref<1x128xi32, #tpu.memory_space<vmem>>, vector<1x16xi32>,
        %get3A_478 = arith.index_cast %scan3A_414 : i32 to index
        %get3A_479 = arith.constant 32 : index
        %get3A_480 = tpu.vector_load %arg17[%get3A_478, %get3A_479] {strides = array<i32>} : memref<128x128xi32, #tpu.memory_space<vmem>>, vector<1x16xi32>,
        %get3A_481 = vector.shape_cast %get3A_480 : vector<1x16xi32> to vector<16xi32>
        %ge3A_482 = arith.constant 262144 : i32
        %ge3A_483 = vector.broadcast %ge3A_482 : i32 to vector<16xi32>
        %ge3A_484 = arith.cmpi sge, %get3A_481, %ge3A_483 : vector<16xi32>
        %lt3A_485 = arith.constant 327680 : i32
        %lt3A_486 = vector.broadcast %lt3A_485 : i32 to vector<16xi32>
        %lt3A_487 = arith.cmpi slt, %get3A_481, %lt3A_486 : vector<16xi32>
        %and3A_488 = arith.andi %ge3A_484, %lt3A_487 : vector<16xi1>
        %sub3A_489 = arith.constant 262144 : i32
        %sub3A_490 = vector.broadcast %sub3A_489 : i32 to vector<16xi32>
        %sub3A_491 = arith.subi %get3A_481, %sub3A_490 : vector<16xi32>
        %select_n3A_492 = arith.select %and3A_488, %sub3A_491, %add3A_134 : vector<16xi1>, vector<16xi32>
        %swap3A_493 = arith.constant 0 : i32
        %swap3A_494 = arith.index_cast %swap3A_493 : i32 to index
        %swap3A_495 = arith.constant 32 : index
        %swap3A_496 = tpu.vector_load %arg18[%swap3A_494, %swap3A_495] {strides = array<i32>} : memref<1x128xi32, #tpu.memory_space<vmem>>, vector<1x16xi32>,
        %swap3A_497 = vector.shape_cast %swap3A_496 : vector<1x16xi32> to vector<16xi32>
        %swap3A_498 = vector.shape_cast %select_n3A_492 : vector<16xi32> to vector<1x16xi32>
        tpu.vector_store %arg18[%swap3A_494, %swap3A_495], %swap3A_498 {strides = array<i32>} : memref<1x128xi32, #tpu.memory_space<vmem>>, vector<1x16xi32>,
        %get3A_499 = arith.index_cast %scan3A_414 : i32 to index
        %get3A_500 = arith.constant 48 : index
        %get3A_501 = tpu.vector_load %arg17[%get3A_499, %get3A_500] {strides = array<i32>} : memref<128x128xi32, #tpu.memory_space<vmem>>, vector<1x16xi32>,
        %get3A_502 = vector.shape_cast %get3A_501 : vector<1x16xi32> to vector<16xi32>
        %ge3A_503 = arith.constant 262144 : i32
        %ge3A_504 = vector.broadcast %ge3A_503 : i32 to vector<16xi32>
        %ge3A_505 = arith.cmpi sge, %get3A_502, %ge3A_504 : vector<16xi32>
        %lt3A_506 = arith.constant 327680 : i32
        %lt3A_507 = vector.broadcast %lt3A_506 : i32 to vector<16xi32>
        %lt3A_508 = arith.cmpi slt, %get3A_502, %lt3A_507 : vector<16xi32>
        %and3A_509 = arith.andi %ge3A_505, %lt3A_508 : vector<16xi1>
        %sub3A_510 = arith.constant 262144 : i32
        %sub3A_511 = vector.broadcast %sub3A_510 : i32 to vector<16xi32>
        %sub3A_512 = arith.subi %get3A_502, %sub3A_511 : vector<16xi32>
        %select_n3A_513 = arith.select %and3A_509, %sub3A_512, %add3A_134 : vector<16xi1>, vector<16xi32>
        %swap3A_514 = arith.constant 0 : i32
        %swap3A_515 = arith.index_cast %swap3A_514 : i32 to index
        %swap3A_516 = arith.constant 48 : index
        %swap3A_517 = tpu.vector_load %arg18[%swap3A_515, %swap3A_516] {strides = array<i32>} : memref<1x128xi32, #tpu.memory_space<vmem>>, vector<1x16xi32>,
        %swap3A_518 = vector.shape_cast %swap3A_517 : vector<1x16xi32> to vector<16xi32>
        %swap3A_519 = vector.shape_cast %select_n3A_513 : vector<16xi32> to vector<1x16xi32>
        tpu.vector_store %arg18[%swap3A_515, %swap3A_516], %swap3A_519 {strides = array<i32>} : memref<1x128xi32, #tpu.memory_space<vmem>>, vector<1x16xi32>,
        %get3A_520 = arith.index_cast %scan3A_414 : i32 to index
        %get3A_521 = arith.constant 64 : index
        %get3A_522 = tpu.vector_load %arg17[%get3A_520, %get3A_521] {strides = array<i32>} : memref<128x128xi32, #tpu.memory_space<vmem>>, vector<1x16xi32>,
        %get3A_523 = vector.shape_cast %get3A_522 : vector<1x16xi32> to vector<16xi32>
        %ge3A_524 = arith.constant 262144 : i32
        %ge3A_525 = vector.broadcast %ge3A_524 : i32 to vector<16xi32>
        %ge3A_526 = arith.cmpi sge, %get3A_523, %ge3A_525 : vector<16xi32>
        %lt3A_527 = arith.constant 327680 : i32
        %lt3A_528 = vector.broadcast %lt3A_527 : i32 to vector<16xi32>
        %lt3A_529 = arith.cmpi slt, %get3A_523, %lt3A_528 : vector<16xi32>
        %and3A_530 = arith.andi %ge3A_526, %lt3A_529 : vector<16xi1>
        %sub3A_531 = arith.constant 262144 : i32
        %sub3A_532 = vector.broadcast %sub3A_531 : i32 to vector<16xi32>
        %sub3A_533 = arith.subi %get3A_523, %sub3A_532 : vector<16xi32>
        %select_n3A_534 = arith.select %and3A_530, %sub3A_533, %add3A_134 : vector<16xi1>, vector<16xi32>
        %swap3A_535 = arith.constant 0 : i32
        %swap3A_536 = arith.index_cast %swap3A_535 : i32 to index
        %swap3A_537 = arith.constant 64 : index
        %swap3A_538 = tpu.vector_load %arg18[%swap3A_536, %swap3A_537] {strides = array<i32>} : memref<1x128xi32, #tpu.memory_space<vmem>>, vector<1x16xi32>,
        %swap3A_539 = vector.shape_cast %swap3A_538 : vector<1x16xi32> to vector<16xi32>
        %swap3A_540 = vector.shape_cast %select_n3A_534 : vector<16xi32> to vector<1x16xi32>
        tpu.vector_store %arg18[%swap3A_536, %swap3A_537], %swap3A_540 {strides = array<i32>} : memref<1x128xi32, #tpu.memory_space<vmem>>, vector<1x16xi32>,
        %get3A_541 = arith.index_cast %scan3A_414 : i32 to index
        %get3A_542 = arith.constant 80 : index
        %get3A_543 = tpu.vector_load %arg17[%get3A_541, %get3A_542] {strides = array<i32>} : memref<128x128xi32, #tpu.memory_space<vmem>>, vector<1x16xi32>,
        %get3A_544 = vector.shape_cast %get3A_543 : vector<1x16xi32> to vector<16xi32>
        %ge3A_545 = arith.constant 262144 : i32
        %ge3A_546 = vector.broadcast %ge3A_545 : i32 to vector<16xi32>
        %ge3A_547 = arith.cmpi sge, %get3A_544, %ge3A_546 : vector<16xi32>
        %lt3A_548 = arith.constant 327680 : i32
        %lt3A_549 = vector.broadcast %lt3A_548 : i32 to vector<16xi32>
        %lt3A_550 = arith.cmpi slt, %get3A_544, %lt3A_549 : vector<16xi32>
        %and3A_551 = arith.andi %ge3A_547, %lt3A_550 : vector<16xi1>
        %sub3A_552 = arith.constant 262144 : i32
        %sub3A_553 = vector.broadcast %sub3A_552 : i32 to vector<16xi32>
        %sub3A_554 = arith.subi %get3A_544, %sub3A_553 : vector<16xi32>
        %select_n3A_555 = arith.select %and3A_551, %sub3A_554, %add3A_134 : vector<16xi1>, vector<16xi32>
        %swap3A_556 = arith.constant 0 : i32
        %swap3A_557 = arith.index_cast %swap3A_556 : i32 to index
        %swap3A_558 = arith.constant 80 : index
        %swap3A_559 = tpu.vector_load %arg18[%swap3A_557, %swap3A_558] {strides = array<i32>} : memref<1x128xi32, #tpu.memory_space<vmem>>, vector<1x16xi32>,
        %swap3A_560 = vector.shape_cast %swap3A_559 : vector<1x16xi32> to vector<16xi32>
        %swap3A_561 = vector.shape_cast %select_n3A_555 : vector<16xi32> to vector<1x16xi32>
        tpu.vector_store %arg18[%swap3A_557, %swap3A_558], %swap3A_561 {strides = array<i32>} : memref<1x128xi32, #tpu.memory_space<vmem>>, vector<1x16xi32>,
        %get3A_562 = arith.index_cast %scan3A_414 : i32 to index
        %get3A_563 = arith.constant 96 : index
        %get3A_564 = tpu.vector_load %arg17[%get3A_562, %get3A_563] {strides = array<i32>} : memref<128x128xi32, #tpu.memory_space<vmem>>, vector<1x16xi32>,
        %get3A_565 = vector.shape_cast %get3A_564 : vector<1x16xi32> to vector<16xi32>
        %ge3A_566 = arith.constant 262144 : i32
        %ge3A_567 = vector.broadcast %ge3A_566 : i32 to vector<16xi32>
        %ge3A_568 = arith.cmpi sge, %get3A_565, %ge3A_567 : vector<16xi32>
        %lt3A_569 = arith.constant 327680 : i32
        %lt3A_570 = vector.broadcast %lt3A_569 : i32 to vector<16xi32>
        %lt3A_571 = arith.cmpi slt, %get3A_565, %lt3A_570 : vector<16xi32>
        %and3A_572 = arith.andi %ge3A_568, %lt3A_571 : vector<16xi1>
        %sub3A_573 = arith.constant 262144 : i32
        %sub3A_574 = vector.broadcast %sub3A_573 : i32 to vector<16xi32>
        %sub3A_575 = arith.subi %get3A_565, %sub3A_574 : vector<16xi32>
        %select_n3A_576 = arith.select %and3A_572, %sub3A_575, %add3A_134 : vector<16xi1>, vector<16xi32>
        %swap3A_577 = arith.constant 0 : i32
        %swap3A_578 = arith.index_cast %swap3A_577 : i32 to index
        %swap3A_579 = arith.constant 96 : index
        %swap3A_580 = tpu.vector_load %arg18[%swap3A_578, %swap3A_579] {strides = array<i32>} : memref<1x128xi32, #tpu.memory_space<vmem>>, vector<1x16xi32>,
        %swap3A_581 = vector.shape_cast %swap3A_580 : vector<1x16xi32> to vector<16xi32>
        %swap3A_582 = vector.shape_cast %select_n3A_576 : vector<16xi32> to vector<1x16xi32>
        tpu.vector_store %arg18[%swap3A_578, %swap3A_579], %swap3A_582 {strides = array<i32>} : memref<1x128xi32, #tpu.memory_space<vmem>>, vector<1x16xi32>,
        %get3A_583 = arith.index_cast %scan3A_414 : i32 to index
        %get3A_584 = arith.constant 112 : index
        %get3A_585 = tpu.vector_load %arg17[%get3A_583, %get3A_584] {strides = array<i32>} : memref<128x128xi32, #tpu.memory_space<vmem>>, vector<1x16xi32>,
        %get3A_586 = vector.shape_cast %get3A_585 : vector<1x16xi32> to vector<16xi32>
        %ge3A_587 = arith.constant 262144 : i32
        %ge3A_588 = vector.broadcast %ge3A_587 : i32 to vector<16xi32>
        %ge3A_589 = arith.cmpi sge, %get3A_586, %ge3A_588 : vector<16xi32>
        %lt3A_590 = arith.constant 327680 : i32
        %lt3A_591 = vector.broadcast %lt3A_590 : i32 to vector<16xi32>
        %lt3A_592 = arith.cmpi slt, %get3A_586, %lt3A_591 : vector<16xi32>
        %and3A_593 = arith.andi %ge3A_589, %lt3A_592 : vector<16xi1>
        %sub3A_594 = arith.constant 262144 : i32
        %sub3A_595 = vector.broadcast %sub3A_594 : i32 to vector<16xi32>
        %sub3A_596 = arith.subi %get3A_586, %sub3A_595 : vector<16xi32>
        %select_n3A_597 = arith.select %and3A_593, %sub3A_596, %add3A_134 : vector<16xi1>, vector<16xi32>
        %swap3A_598 = arith.constant 0 : i32
        %swap3A_599 = arith.index_cast %swap3A_598 : i32 to index
        %swap3A_600 = arith.constant 112 : index
        %swap3A_601 = tpu.vector_load %arg18[%swap3A_599, %swap3A_600] {strides = array<i32>} : memref<1x128xi32, #tpu.memory_space<vmem>>, vector<1x16xi32>,
        %swap3A_602 = vector.shape_cast %swap3A_601 : vector<1x16xi32> to vector<16xi32>
        %swap3A_603 = vector.shape_cast %select_n3A_597 : vector<16xi32> to vector<1x16xi32>
        tpu.vector_store %arg18[%swap3A_599, %swap3A_600], %swap3A_603 {strides = array<i32>} : memref<1x128xi32, #tpu.memory_space<vmem>>, vector<1x16xi32>,
        %run_scoped3A = arith.constant 0 : i32
        "tpu.region"() ({
          %run_scoped3A_604 = tpu.sem_alloc : memref<!tpu.dma_semaphore, #tpu.memory_space<semaphore_mem>>
          %dma_start3A_605 = arith.constant 0 : i32
          %dma_start3A_606 = tpu.memref_slice %arg18[%run_scoped3A, %dma_start3A_605] : memref<1x128xi32, #tpu.memory_space<vmem>> -> memref<1x128xi32, #tpu.memory_space<vmem>>
          %dma_start3A_607 = tpu.memref_squeeze %dma_start3A_606 : memref<1x128xi32, #tpu.memory_space<vmem>> -> memref<128xi32, #tpu.memory_space<vmem>>
          %dma_start3A_608 = arith.constant 0 : i32
          %dma_start3A_609 = tpu.memref_slice %arg21[%dma_start3A_608] : memref<65792xf32, #tpu.memory_space<vmem_shared>> -> memref<65792xf32, #tpu.memory_space<vmem_shared>>
          tpu.enqueue_indirect_dma source(%arg19 : memref<128xf32, #tpu.memory_space<vmem>>) target(%dma_start3A_609 : memref<65792xf32, #tpu.memory_space<vmem_shared>>) offsets(%dma_start3A_607 : memref<128xi32, #tpu.memory_space<vmem>>) semaphore(%run_scoped3A_604 : memref<!tpu.dma_semaphore, #tpu.memory_space<semaphore_mem>>) {add = true}
          %dma_wait3A_610 = arith.constant 0 : i32
          %dma_wait3A_611 = tpu.memref_slice %arg18[%run_scoped3A, %dma_wait3A_610] : memref<1x128xi32, #tpu.memory_space<vmem>> -> memref<1x128xi32, #tpu.memory_space<vmem>>
          %dma_wait3A_612 = tpu.memref_squeeze %dma_wait3A_611 : memref<1x128xi32, #tpu.memory_space<vmem>> -> memref<128xi32, #tpu.memory_space<vmem>>
          %dma_wait3A_613 = arith.constant 0 : i32
          %dma_wait3A_614 = tpu.memref_slice %arg21[%dma_wait3A_613] : memref<65792xf32, #tpu.memory_space<vmem_shared>> -> memref<65792xf32, #tpu.memory_space<vmem_shared>>
          tpu.wait_indirect_dma semaphore(%run_scoped3A_604 : memref<!tpu.dma_semaphore, #tpu.memory_space<semaphore_mem>>) src(%arg19 : memref<128xf32, #tpu.memory_space<vmem>>) dst(%dma_wait3A_614 : memref<65792xf32, #tpu.memory_space<vmem_shared>>)
          tpu.yield
        }) : () -> ()
      } else {
      }
    }
    %scan3A_268 = arith.constant 128 : i32
    %barrier3A_269 = arith.constant 0 : index
    tpu.barrier barrier_id(%barrier3A_269)
    %mul3A_270 = arith.constant 32 : i32
    %mul3A_271 = arith.muli %arg1, %mul3A_270 : i32
    %mul3A_272 = arith.constant 128 : i32
    %mul3A_273 = arith.muli %mul3A_271, %mul3A_272 : i32
    %mul3A_274 = arith.constant 4096 : i32
    %mul3A_275 = arith.muli %arg0, %mul3A_274 : i32
    %add3A_276 = arith.constant 2048 : i32
    %add3A_277 = arith.addi %mul3A_275, %add3A_276 : i32
    %mul3A_278 = arith.constant 32 : i32
    %mul3A_279 = arith.muli %arg1, %mul3A_278 : i32
    %add3A_280 = arith.addi %add3A_277, %mul3A_279 : i32
    %mul3A_281 = arith.constant 128 : i32
    %mul3A_282 = arith.muli %add3A_280, %mul3A_281 : i32
    "tpu.region"() ({
      %run_scoped3A = tpu.sem_alloc : memref<!tpu.dma_semaphore, #tpu.memory_space<semaphore_mem>>
      %dma_start3A_414 = tpu.memref_slice %arg10[%mul3A_282] : memref<1048576xf32, #tpu.memory_space<hbm>> -> memref<4096xf32, #tpu.memory_space<hbm>>
      %dma_start3A_415 = tpu.memref_slice %arg21[%mul3A_273] : memref<65792xf32, #tpu.memory_space<vmem_shared>> -> memref<4096xf32, #tpu.memory_space<vmem_shared>>
      tpu.enqueue_dma source(%dma_start3A_415 : memref<4096xf32, #tpu.memory_space<vmem_shared>>) target(%dma_start3A_414 : memref<4096xf32, #tpu.memory_space<hbm>>) target_semaphore(%run_scoped3A : memref<!tpu.dma_semaphore, #tpu.memory_space<semaphore_mem>>)
      %dma_wait3A_416 = tpu.memref_slice %arg10[%mul3A_282] : memref<1048576xf32, #tpu.memory_space<hbm>> -> memref<4096xf32, #tpu.memory_space<hbm>>
      %dma_wait3A_417 = tpu.memref_slice %arg21[%mul3A_273] : memref<65792xf32, #tpu.memory_space<vmem_shared>> -> memref<4096xf32, #tpu.memory_space<vmem_shared>>
      tpu.wait_dma2 semaphore(%run_scoped3A : memref<!tpu.dma_semaphore, #tpu.memory_space<semaphore_mem>>) src(%dma_wait3A_417 : memref<4096xf32, #tpu.memory_space<vmem_shared>>) dst(%dma_wait3A_416 : memref<4096xf32, #tpu.memory_space<hbm>>)
      tpu.yield
    }) : () -> ()
    %barrier3A_283 = arith.constant 0 : index
    tpu.barrier barrier_id(%barrier3A_283)
    %mul3A_284 = arith.constant 4112 : i32
    %mul3A_285 = arith.muli %arg1, %mul3A_284 : i32
    %add3A_286 = arith.constant 0 : i32
    %add3A_287 = arith.addi %mul3A_285, %add3A_286 : i32
    "tpu.region"() ({
      %run_scoped3A = tpu.sem_alloc : memref<!tpu.dma_semaphore, #tpu.memory_space<semaphore_mem>>
      %dma_start3A_414 = arith.constant 0 : i32
      %dma_start3A_415 = tpu.memref_slice %arg20[%dma_start3A_414] : memref<4112xf32, #tpu.memory_space<vmem>> -> memref<2056xf32, #tpu.memory_space<vmem>>
      %dma_start3A_416 = tpu.memref_slice %arg21[%add3A_287] : memref<65792xf32, #tpu.memory_space<vmem_shared>> -> memref<2056xf32, #tpu.memory_space<vmem_shared>>
      %dma_start3A_417 = tpu.memref_slice %arg21[%add3A_287] : memref<65792xf32, #tpu.memory_space<vmem_shared>> -> memref<2056xf32, #tpu.memory_space<vmem_shared>>
      %dma_start3A_418 = arith.constant 0 : i32
      %dma_start3A_419 = tpu.memref_slice %arg20[%dma_start3A_418] : memref<4112xf32, #tpu.memory_space<vmem>> -> memref<2056xf32, #tpu.memory_space<vmem>>
      tpu.enqueue_dma source(%dma_start3A_419 : memref<2056xf32, #tpu.memory_space<vmem>>) target(%dma_start3A_417 : memref<2056xf32, #tpu.memory_space<vmem_shared>>) target_semaphore(%run_scoped3A : memref<!tpu.dma_semaphore, #tpu.memory_space<semaphore_mem>>)
      %dma_wait3A_420 = arith.constant 0 : i32
      %dma_wait3A_421 = tpu.memref_slice %arg20[%dma_wait3A_420] : memref<4112xf32, #tpu.memory_space<vmem>> -> memref<2056xf32, #tpu.memory_space<vmem>>
      %dma_wait3A_422 = tpu.memref_slice %arg21[%add3A_287] : memref<65792xf32, #tpu.memory_space<vmem_shared>> -> memref<2056xf32, #tpu.memory_space<vmem_shared>>
      %dma_wait3A_423 = tpu.memref_slice %arg21[%add3A_287] : memref<65792xf32, #tpu.memory_space<vmem_shared>> -> memref<2056xf32, #tpu.memory_space<vmem_shared>>
      %dma_wait3A_424 = arith.constant 0 : i32
      %dma_wait3A_425 = tpu.memref_slice %arg20[%dma_wait3A_424] : memref<4112xf32, #tpu.memory_space<vmem>> -> memref<2056xf32, #tpu.memory_space<vmem>>
      tpu.wait_dma2 semaphore(%run_scoped3A : memref<!tpu.dma_semaphore, #tpu.memory_space<semaphore_mem>>) src(%dma_wait3A_425 : memref<2056xf32, #tpu.memory_space<vmem>>) dst(%dma_wait3A_423 : memref<2056xf32, #tpu.memory_space<vmem_shared>>)
      tpu.yield
    }) : () -> ()
    %mul3A_288 = arith.constant 4112 : i32
    %mul3A_289 = arith.muli %arg1, %mul3A_288 : i32
    %add3A_290 = arith.constant 2056 : i32
    %add3A_291 = arith.addi %mul3A_289, %add3A_290 : i32
    "tpu.region"() ({
      %run_scoped3A = tpu.sem_alloc : memref<!tpu.dma_semaphore, #tpu.memory_space<semaphore_mem>>
      %dma_start3A_414 = arith.constant 2056 : i32
      %dma_start3A_415 = tpu.memref_slice %arg20[%dma_start3A_414] : memref<4112xf32, #tpu.memory_space<vmem>> -> memref<2056xf32, #tpu.memory_space<vmem>>
      %dma_start3A_416 = tpu.memref_slice %arg21[%add3A_291] : memref<65792xf32, #tpu.memory_space<vmem_shared>> -> memref<2056xf32, #tpu.memory_space<vmem_shared>>
      %dma_start3A_417 = tpu.memref_slice %arg21[%add3A_291] : memref<65792xf32, #tpu.memory_space<vmem_shared>> -> memref<2056xf32, #tpu.memory_space<vmem_shared>>
      %dma_start3A_418 = arith.constant 2056 : i32
      %dma_start3A_419 = tpu.memref_slice %arg20[%dma_start3A_418] : memref<4112xf32, #tpu.memory_space<vmem>> -> memref<2056xf32, #tpu.memory_space<vmem>>
      tpu.enqueue_dma source(%dma_start3A_419 : memref<2056xf32, #tpu.memory_space<vmem>>) target(%dma_start3A_417 : memref<2056xf32, #tpu.memory_space<vmem_shared>>) target_semaphore(%run_scoped3A : memref<!tpu.dma_semaphore, #tpu.memory_space<semaphore_mem>>)
      %dma_wait3A_420 = arith.constant 2056 : i32
      %dma_wait3A_421 = tpu.memref_slice %arg20[%dma_wait3A_420] : memref<4112xf32, #tpu.memory_space<vmem>> -> memref<2056xf32, #tpu.memory_space<vmem>>
      %dma_wait3A_422 = tpu.memref_slice %arg21[%add3A_291] : memref<65792xf32, #tpu.memory_space<vmem_shared>> -> memref<2056xf32, #tpu.memory_space<vmem_shared>>
      %dma_wait3A_423 = tpu.memref_slice %arg21[%add3A_291] : memref<65792xf32, #tpu.memory_space<vmem_shared>> -> memref<2056xf32, #tpu.memory_space<vmem_shared>>
      %dma_wait3A_424 = arith.constant 2056 : i32
      %dma_wait3A_425 = tpu.memref_slice %arg20[%dma_wait3A_424] : memref<4112xf32, #tpu.memory_space<vmem>> -> memref<2056xf32, #tpu.memory_space<vmem>>
      tpu.wait_dma2 semaphore(%run_scoped3A : memref<!tpu.dma_semaphore, #tpu.memory_space<semaphore_mem>>) src(%dma_wait3A_425 : memref<2056xf32, #tpu.memory_space<vmem>>) dst(%dma_wait3A_423 : memref<2056xf32, #tpu.memory_space<vmem_shared>>)
      tpu.yield
    }) : () -> ()
    %barrier3A_292 = arith.constant 0 : index
    tpu.barrier barrier_id(%barrier3A_292)
    %scan3A_293 = arith.constant 0 : i32
    %scan3A_294 = arith.constant 0 : i32
    %scan3A_295 = arith.constant 128 : i32
    %scan3A_296 = arith.addi %scan3A_294, %scan3A_295 : i32
    %scan3A_297 = arith.constant 1 : i32
    scf.for %scan3A_414 = %scan3A_294 to %scan3A_296 step %scan3A_297  : i32 {
      %mul3A_415 = arith.constant 256 : i32
      %mul3A_416 = arith.muli %arg1, %mul3A_415 : i32
      %mul3A_417 = arith.constant 2 : i32
      %mul3A_418 = arith.muli %mul3A_417, %scan3A_414 : i32
      %add3A_419 = arith.addi %mul3A_416, %mul3A_418 : i32
      %mul3A_420 = arith.constant 50 : i32
      %mul3A_421 = arith.muli %add3A_419, %mul3A_420 : i32
      %and3A = arith.constant 4095 : i32
      %and3A_422 = arith.andi %mul3A_421, %and3A : i32
      %add3A_423 = arith.constant 100 : i32
      %add3A_424 = arith.addi %mul3A_421, %add3A_423 : i32
      %sub3A = arith.constant 1 : i32
      %sub3A_425 = arith.subi %add3A_424, %sub3A : i32
      %and3A_426 = arith.constant 4095 : i32
      %and3A_427 = arith.andi %sub3A_425, %and3A_426 : i32
      %ge3A = arith.constant 2560 : i32
      %ge3A_428 = arith.cmpi sge, %and3A_422, %ge3A : i32
      %lt3A_429 = arith.constant 3072 : i32
      %lt3A_430 = arith.cmpi slt, %and3A_422, %lt3A_429 : i32
      %and3A_431 = arith.andi %ge3A_428, %lt3A_430 : i1
      %ge3A_432 = arith.constant 2560 : i32
      %ge3A_433 = arith.cmpi sge, %and3A_427, %ge3A_432 : i32
      %lt3A_434 = arith.constant 3072 : i32
      %lt3A_435 = arith.cmpi slt, %and3A_427, %lt3A_434 : i32
      %and3A_436 = arith.andi %ge3A_433, %lt3A_435 : i1
      %or3A = arith.ori %and3A_431, %and3A_436 : i1
      %convert_element_type3A = arith.extui %or3A : i1 to i32
      %cond3A = arith.constant 0 : i32
      %cond3A_437 = arith.cmpi ne, %convert_element_type3A, %cond3A : i32
      scf.if %cond3A_437 {
        %get3A = arith.index_cast %scan3A_414 : i32 to index
        %get3A_438 = arith.constant 0 : index
        %get3A_439 = tpu.vector_load %arg17[%get3A, %get3A_438] {strides = array<i32>} : memref<128x128xi32, #tpu.memory_space<vmem>>, vector<1x16xi32>,
        %get3A_440 = vector.shape_cast %get3A_439 : vector<1x16xi32> to vector<16xi32>
        %ge3A_441 = arith.constant 327680 : i32
        %ge3A_442 = vector.broadcast %ge3A_441 : i32 to vector<16xi32>
        %ge3A_443 = arith.cmpi sge, %get3A_440, %ge3A_442 : vector<16xi32>
        %lt3A_444 = arith.constant 393216 : i32
        %lt3A_445 = vector.broadcast %lt3A_444 : i32 to vector<16xi32>
        %lt3A_446 = arith.cmpi slt, %get3A_440, %lt3A_445 : vector<16xi32>
        %and3A_447 = arith.andi %ge3A_443, %lt3A_446 : vector<16xi1>
        %sub3A_448 = arith.constant 327680 : i32
        %sub3A_449 = vector.broadcast %sub3A_448 : i32 to vector<16xi32>
        %sub3A_450 = arith.subi %get3A_440, %sub3A_449 : vector<16xi32>
        %select_n3A = arith.select %and3A_447, %sub3A_450, %add3A_134 : vector<16xi1>, vector<16xi32>
        %swap3A_451 = arith.constant 0 : i32
        %swap3A_452 = arith.index_cast %swap3A_451 : i32 to index
        %swap3A_453 = arith.constant 0 : index
        %swap3A_454 = tpu.vector_load %arg18[%swap3A_452, %swap3A_453] {strides = array<i32>} : memref<1x128xi32, #tpu.memory_space<vmem>>, vector<1x16xi32>,
        %swap3A_455 = vector.shape_cast %swap3A_454 : vector<1x16xi32> to vector<16xi32>
        %swap3A_456 = vector.shape_cast %select_n3A : vector<16xi32> to vector<1x16xi32>
        tpu.vector_store %arg18[%swap3A_452, %swap3A_453], %swap3A_456 {strides = array<i32>} : memref<1x128xi32, #tpu.memory_space<vmem>>, vector<1x16xi32>,
        %get3A_457 = arith.index_cast %scan3A_414 : i32 to index
        %get3A_458 = arith.constant 16 : index
        %get3A_459 = tpu.vector_load %arg17[%get3A_457, %get3A_458] {strides = array<i32>} : memref<128x128xi32, #tpu.memory_space<vmem>>, vector<1x16xi32>,
        %get3A_460 = vector.shape_cast %get3A_459 : vector<1x16xi32> to vector<16xi32>
        %ge3A_461 = arith.constant 327680 : i32
        %ge3A_462 = vector.broadcast %ge3A_461 : i32 to vector<16xi32>
        %ge3A_463 = arith.cmpi sge, %get3A_460, %ge3A_462 : vector<16xi32>
        %lt3A_464 = arith.constant 393216 : i32
        %lt3A_465 = vector.broadcast %lt3A_464 : i32 to vector<16xi32>
        %lt3A_466 = arith.cmpi slt, %get3A_460, %lt3A_465 : vector<16xi32>
        %and3A_467 = arith.andi %ge3A_463, %lt3A_466 : vector<16xi1>
        %sub3A_468 = arith.constant 327680 : i32
        %sub3A_469 = vector.broadcast %sub3A_468 : i32 to vector<16xi32>
        %sub3A_470 = arith.subi %get3A_460, %sub3A_469 : vector<16xi32>
        %select_n3A_471 = arith.select %and3A_467, %sub3A_470, %add3A_134 : vector<16xi1>, vector<16xi32>
        %swap3A_472 = arith.constant 0 : i32
        %swap3A_473 = arith.index_cast %swap3A_472 : i32 to index
        %swap3A_474 = arith.constant 16 : index
        %swap3A_475 = tpu.vector_load %arg18[%swap3A_473, %swap3A_474] {strides = array<i32>} : memref<1x128xi32, #tpu.memory_space<vmem>>, vector<1x16xi32>,
        %swap3A_476 = vector.shape_cast %swap3A_475 : vector<1x16xi32> to vector<16xi32>
        %swap3A_477 = vector.shape_cast %select_n3A_471 : vector<16xi32> to vector<1x16xi32>
        tpu.vector_store %arg18[%swap3A_473, %swap3A_474], %swap3A_477 {strides = array<i32>} : memref<1x128xi32, #tpu.memory_space<vmem>>, vector<1x16xi32>,
        %get3A_478 = arith.index_cast %scan3A_414 : i32 to index
        %get3A_479 = arith.constant 32 : index
        %get3A_480 = tpu.vector_load %arg17[%get3A_478, %get3A_479] {strides = array<i32>} : memref<128x128xi32, #tpu.memory_space<vmem>>, vector<1x16xi32>,
        %get3A_481 = vector.shape_cast %get3A_480 : vector<1x16xi32> to vector<16xi32>
        %ge3A_482 = arith.constant 327680 : i32
        %ge3A_483 = vector.broadcast %ge3A_482 : i32 to vector<16xi32>
        %ge3A_484 = arith.cmpi sge, %get3A_481, %ge3A_483 : vector<16xi32>
        %lt3A_485 = arith.constant 393216 : i32
        %lt3A_486 = vector.broadcast %lt3A_485 : i32 to vector<16xi32>
        %lt3A_487 = arith.cmpi slt, %get3A_481, %lt3A_486 : vector<16xi32>
        %and3A_488 = arith.andi %ge3A_484, %lt3A_487 : vector<16xi1>
        %sub3A_489 = arith.constant 327680 : i32
        %sub3A_490 = vector.broadcast %sub3A_489 : i32 to vector<16xi32>
        %sub3A_491 = arith.subi %get3A_481, %sub3A_490 : vector<16xi32>
        %select_n3A_492 = arith.select %and3A_488, %sub3A_491, %add3A_134 : vector<16xi1>, vector<16xi32>
        %swap3A_493 = arith.constant 0 : i32
        %swap3A_494 = arith.index_cast %swap3A_493 : i32 to index
        %swap3A_495 = arith.constant 32 : index
        %swap3A_496 = tpu.vector_load %arg18[%swap3A_494, %swap3A_495] {strides = array<i32>} : memref<1x128xi32, #tpu.memory_space<vmem>>, vector<1x16xi32>,
        %swap3A_497 = vector.shape_cast %swap3A_496 : vector<1x16xi32> to vector<16xi32>
        %swap3A_498 = vector.shape_cast %select_n3A_492 : vector<16xi32> to vector<1x16xi32>
        tpu.vector_store %arg18[%swap3A_494, %swap3A_495], %swap3A_498 {strides = array<i32>} : memref<1x128xi32, #tpu.memory_space<vmem>>, vector<1x16xi32>,
        %get3A_499 = arith.index_cast %scan3A_414 : i32 to index
        %get3A_500 = arith.constant 48 : index
        %get3A_501 = tpu.vector_load %arg17[%get3A_499, %get3A_500] {strides = array<i32>} : memref<128x128xi32, #tpu.memory_space<vmem>>, vector<1x16xi32>,
        %get3A_502 = vector.shape_cast %get3A_501 : vector<1x16xi32> to vector<16xi32>
        %ge3A_503 = arith.constant 327680 : i32
        %ge3A_504 = vector.broadcast %ge3A_503 : i32 to vector<16xi32>
        %ge3A_505 = arith.cmpi sge, %get3A_502, %ge3A_504 : vector<16xi32>
        %lt3A_506 = arith.constant 393216 : i32
        %lt3A_507 = vector.broadcast %lt3A_506 : i32 to vector<16xi32>
        %lt3A_508 = arith.cmpi slt, %get3A_502, %lt3A_507 : vector<16xi32>
        %and3A_509 = arith.andi %ge3A_505, %lt3A_508 : vector<16xi1>
        %sub3A_510 = arith.constant 327680 : i32
        %sub3A_511 = vector.broadcast %sub3A_510 : i32 to vector<16xi32>
        %sub3A_512 = arith.subi %get3A_502, %sub3A_511 : vector<16xi32>
        %select_n3A_513 = arith.select %and3A_509, %sub3A_512, %add3A_134 : vector<16xi1>, vector<16xi32>
        %swap3A_514 = arith.constant 0 : i32
        %swap3A_515 = arith.index_cast %swap3A_514 : i32 to index
        %swap3A_516 = arith.constant 48 : index
        %swap3A_517 = tpu.vector_load %arg18[%swap3A_515, %swap3A_516] {strides = array<i32>} : memref<1x128xi32, #tpu.memory_space<vmem>>, vector<1x16xi32>,
        %swap3A_518 = vector.shape_cast %swap3A_517 : vector<1x16xi32> to vector<16xi32>
        %swap3A_519 = vector.shape_cast %select_n3A_513 : vector<16xi32> to vector<1x16xi32>
        tpu.vector_store %arg18[%swap3A_515, %swap3A_516], %swap3A_519 {strides = array<i32>} : memref<1x128xi32, #tpu.memory_space<vmem>>, vector<1x16xi32>,
        %get3A_520 = arith.index_cast %scan3A_414 : i32 to index
        %get3A_521 = arith.constant 64 : index
        %get3A_522 = tpu.vector_load %arg17[%get3A_520, %get3A_521] {strides = array<i32>} : memref<128x128xi32, #tpu.memory_space<vmem>>, vector<1x16xi32>,
        %get3A_523 = vector.shape_cast %get3A_522 : vector<1x16xi32> to vector<16xi32>
        %ge3A_524 = arith.constant 327680 : i32
        %ge3A_525 = vector.broadcast %ge3A_524 : i32 to vector<16xi32>
        %ge3A_526 = arith.cmpi sge, %get3A_523, %ge3A_525 : vector<16xi32>
        %lt3A_527 = arith.constant 393216 : i32
        %lt3A_528 = vector.broadcast %lt3A_527 : i32 to vector<16xi32>
        %lt3A_529 = arith.cmpi slt, %get3A_523, %lt3A_528 : vector<16xi32>
        %and3A_530 = arith.andi %ge3A_526, %lt3A_529 : vector<16xi1>
        %sub3A_531 = arith.constant 327680 : i32
        %sub3A_532 = vector.broadcast %sub3A_531 : i32 to vector<16xi32>
        %sub3A_533 = arith.subi %get3A_523, %sub3A_532 : vector<16xi32>
        %select_n3A_534 = arith.select %and3A_530, %sub3A_533, %add3A_134 : vector<16xi1>, vector<16xi32>
        %swap3A_535 = arith.constant 0 : i32
        %swap3A_536 = arith.index_cast %swap3A_535 : i32 to index
        %swap3A_537 = arith.constant 64 : index
        %swap3A_538 = tpu.vector_load %arg18[%swap3A_536, %swap3A_537] {strides = array<i32>} : memref<1x128xi32, #tpu.memory_space<vmem>>, vector<1x16xi32>,
        %swap3A_539 = vector.shape_cast %swap3A_538 : vector<1x16xi32> to vector<16xi32>
        %swap3A_540 = vector.shape_cast %select_n3A_534 : vector<16xi32> to vector<1x16xi32>
        tpu.vector_store %arg18[%swap3A_536, %swap3A_537], %swap3A_540 {strides = array<i32>} : memref<1x128xi32, #tpu.memory_space<vmem>>, vector<1x16xi32>,
        %get3A_541 = arith.index_cast %scan3A_414 : i32 to index
        %get3A_542 = arith.constant 80 : index
        %get3A_543 = tpu.vector_load %arg17[%get3A_541, %get3A_542] {strides = array<i32>} : memref<128x128xi32, #tpu.memory_space<vmem>>, vector<1x16xi32>,
        %get3A_544 = vector.shape_cast %get3A_543 : vector<1x16xi32> to vector<16xi32>
        %ge3A_545 = arith.constant 327680 : i32
        %ge3A_546 = vector.broadcast %ge3A_545 : i32 to vector<16xi32>
        %ge3A_547 = arith.cmpi sge, %get3A_544, %ge3A_546 : vector<16xi32>
        %lt3A_548 = arith.constant 393216 : i32
        %lt3A_549 = vector.broadcast %lt3A_548 : i32 to vector<16xi32>
        %lt3A_550 = arith.cmpi slt, %get3A_544, %lt3A_549 : vector<16xi32>
        %and3A_551 = arith.andi %ge3A_547, %lt3A_550 : vector<16xi1>
        %sub3A_552 = arith.constant 327680 : i32
        %sub3A_553 = vector.broadcast %sub3A_552 : i32 to vector<16xi32>
        %sub3A_554 = arith.subi %get3A_544, %sub3A_553 : vector<16xi32>
        %select_n3A_555 = arith.select %and3A_551, %sub3A_554, %add3A_134 : vector<16xi1>, vector<16xi32>
        %swap3A_556 = arith.constant 0 : i32
        %swap3A_557 = arith.index_cast %swap3A_556 : i32 to index
        %swap3A_558 = arith.constant 80 : index
        %swap3A_559 = tpu.vector_load %arg18[%swap3A_557, %swap3A_558] {strides = array<i32>} : memref<1x128xi32, #tpu.memory_space<vmem>>, vector<1x16xi32>,
        %swap3A_560 = vector.shape_cast %swap3A_559 : vector<1x16xi32> to vector<16xi32>
        %swap3A_561 = vector.shape_cast %select_n3A_555 : vector<16xi32> to vector<1x16xi32>
        tpu.vector_store %arg18[%swap3A_557, %swap3A_558], %swap3A_561 {strides = array<i32>} : memref<1x128xi32, #tpu.memory_space<vmem>>, vector<1x16xi32>,
        %get3A_562 = arith.index_cast %scan3A_414 : i32 to index
        %get3A_563 = arith.constant 96 : index
        %get3A_564 = tpu.vector_load %arg17[%get3A_562, %get3A_563] {strides = array<i32>} : memref<128x128xi32, #tpu.memory_space<vmem>>, vector<1x16xi32>,
        %get3A_565 = vector.shape_cast %get3A_564 : vector<1x16xi32> to vector<16xi32>
        %ge3A_566 = arith.constant 327680 : i32
        %ge3A_567 = vector.broadcast %ge3A_566 : i32 to vector<16xi32>
        %ge3A_568 = arith.cmpi sge, %get3A_565, %ge3A_567 : vector<16xi32>
        %lt3A_569 = arith.constant 393216 : i32
        %lt3A_570 = vector.broadcast %lt3A_569 : i32 to vector<16xi32>
        %lt3A_571 = arith.cmpi slt, %get3A_565, %lt3A_570 : vector<16xi32>
        %and3A_572 = arith.andi %ge3A_568, %lt3A_571 : vector<16xi1>
        %sub3A_573 = arith.constant 327680 : i32
        %sub3A_574 = vector.broadcast %sub3A_573 : i32 to vector<16xi32>
        %sub3A_575 = arith.subi %get3A_565, %sub3A_574 : vector<16xi32>
        %select_n3A_576 = arith.select %and3A_572, %sub3A_575, %add3A_134 : vector<16xi1>, vector<16xi32>
        %swap3A_577 = arith.constant 0 : i32
        %swap3A_578 = arith.index_cast %swap3A_577 : i32 to index
        %swap3A_579 = arith.constant 96 : index
        %swap3A_580 = tpu.vector_load %arg18[%swap3A_578, %swap3A_579] {strides = array<i32>} : memref<1x128xi32, #tpu.memory_space<vmem>>, vector<1x16xi32>,
        %swap3A_581 = vector.shape_cast %swap3A_580 : vector<1x16xi32> to vector<16xi32>
        %swap3A_582 = vector.shape_cast %select_n3A_576 : vector<16xi32> to vector<1x16xi32>
        tpu.vector_store %arg18[%swap3A_578, %swap3A_579], %swap3A_582 {strides = array<i32>} : memref<1x128xi32, #tpu.memory_space<vmem>>, vector<1x16xi32>,
        %get3A_583 = arith.index_cast %scan3A_414 : i32 to index
        %get3A_584 = arith.constant 112 : index
        %get3A_585 = tpu.vector_load %arg17[%get3A_583, %get3A_584] {strides = array<i32>} : memref<128x128xi32, #tpu.memory_space<vmem>>, vector<1x16xi32>,
        %get3A_586 = vector.shape_cast %get3A_585 : vector<1x16xi32> to vector<16xi32>
        %ge3A_587 = arith.constant 327680 : i32
        %ge3A_588 = vector.broadcast %ge3A_587 : i32 to vector<16xi32>
        %ge3A_589 = arith.cmpi sge, %get3A_586, %ge3A_588 : vector<16xi32>
        %lt3A_590 = arith.constant 393216 : i32
        %lt3A_591 = vector.broadcast %lt3A_590 : i32 to vector<16xi32>
        %lt3A_592 = arith.cmpi slt, %get3A_586, %lt3A_591 : vector<16xi32>
        %and3A_593 = arith.andi %ge3A_589, %lt3A_592 : vector<16xi1>
        %sub3A_594 = arith.constant 327680 : i32
        %sub3A_595 = vector.broadcast %sub3A_594 : i32 to vector<16xi32>
        %sub3A_596 = arith.subi %get3A_586, %sub3A_595 : vector<16xi32>
        %select_n3A_597 = arith.select %and3A_593, %sub3A_596, %add3A_134 : vector<16xi1>, vector<16xi32>
        %swap3A_598 = arith.constant 0 : i32
        %swap3A_599 = arith.index_cast %swap3A_598 : i32 to index
        %swap3A_600 = arith.constant 112 : index
        %swap3A_601 = tpu.vector_load %arg18[%swap3A_599, %swap3A_600] {strides = array<i32>} : memref<1x128xi32, #tpu.memory_space<vmem>>, vector<1x16xi32>,
        %swap3A_602 = vector.shape_cast %swap3A_601 : vector<1x16xi32> to vector<16xi32>
        %swap3A_603 = vector.shape_cast %select_n3A_597 : vector<16xi32> to vector<1x16xi32>
        tpu.vector_store %arg18[%swap3A_599, %swap3A_600], %swap3A_603 {strides = array<i32>} : memref<1x128xi32, #tpu.memory_space<vmem>>, vector<1x16xi32>,
        %run_scoped3A = arith.constant 0 : i32
        "tpu.region"() ({
          %run_scoped3A_604 = tpu.sem_alloc : memref<!tpu.dma_semaphore, #tpu.memory_space<semaphore_mem>>
          %dma_start3A_605 = arith.constant 0 : i32
          %dma_start3A_606 = tpu.memref_slice %arg18[%run_scoped3A, %dma_start3A_605] : memref<1x128xi32, #tpu.memory_space<vmem>> -> memref<1x128xi32, #tpu.memory_space<vmem>>
          %dma_start3A_607 = tpu.memref_squeeze %dma_start3A_606 : memref<1x128xi32, #tpu.memory_space<vmem>> -> memref<128xi32, #tpu.memory_space<vmem>>
          %dma_start3A_608 = arith.constant 0 : i32
          %dma_start3A_609 = tpu.memref_slice %arg21[%dma_start3A_608] : memref<65792xf32, #tpu.memory_space<vmem_shared>> -> memref<65792xf32, #tpu.memory_space<vmem_shared>>
          tpu.enqueue_indirect_dma source(%arg19 : memref<128xf32, #tpu.memory_space<vmem>>) target(%dma_start3A_609 : memref<65792xf32, #tpu.memory_space<vmem_shared>>) offsets(%dma_start3A_607 : memref<128xi32, #tpu.memory_space<vmem>>) semaphore(%run_scoped3A_604 : memref<!tpu.dma_semaphore, #tpu.memory_space<semaphore_mem>>) {add = true}
          %dma_wait3A_610 = arith.constant 0 : i32
          %dma_wait3A_611 = tpu.memref_slice %arg18[%run_scoped3A, %dma_wait3A_610] : memref<1x128xi32, #tpu.memory_space<vmem>> -> memref<1x128xi32, #tpu.memory_space<vmem>>
          %dma_wait3A_612 = tpu.memref_squeeze %dma_wait3A_611 : memref<1x128xi32, #tpu.memory_space<vmem>> -> memref<128xi32, #tpu.memory_space<vmem>>
          %dma_wait3A_613 = arith.constant 0 : i32
          %dma_wait3A_614 = tpu.memref_slice %arg21[%dma_wait3A_613] : memref<65792xf32, #tpu.memory_space<vmem_shared>> -> memref<65792xf32, #tpu.memory_space<vmem_shared>>
          tpu.wait_indirect_dma semaphore(%run_scoped3A_604 : memref<!tpu.dma_semaphore, #tpu.memory_space<semaphore_mem>>) src(%arg19 : memref<128xf32, #tpu.memory_space<vmem>>) dst(%dma_wait3A_614 : memref<65792xf32, #tpu.memory_space<vmem_shared>>)
          tpu.yield
        }) : () -> ()
      } else {
      }
    }
    %scan3A_298 = arith.constant 128 : i32
    %barrier3A_299 = arith.constant 0 : index
    tpu.barrier barrier_id(%barrier3A_299)
    %mul3A_300 = arith.constant 32 : i32
    %mul3A_301 = arith.muli %arg1, %mul3A_300 : i32
    %mul3A_302 = arith.constant 128 : i32
    %mul3A_303 = arith.muli %mul3A_301, %mul3A_302 : i32
    %mul3A_304 = arith.constant 4096 : i32
    %mul3A_305 = arith.muli %arg0, %mul3A_304 : i32
    %add3A_306 = arith.constant 2560 : i32
    %add3A_307 = arith.addi %mul3A_305, %add3A_306 : i32
    %mul3A_308 = arith.constant 32 : i32
    %mul3A_309 = arith.muli %arg1, %mul3A_308 : i32
    %add3A_310 = arith.addi %add3A_307, %mul3A_309 : i32
    %mul3A_311 = arith.constant 128 : i32
    %mul3A_312 = arith.muli %add3A_310, %mul3A_311 : i32
    "tpu.region"() ({
      %run_scoped3A = tpu.sem_alloc : memref<!tpu.dma_semaphore, #tpu.memory_space<semaphore_mem>>
      %dma_start3A_414 = tpu.memref_slice %arg10[%mul3A_312] : memref<1048576xf32, #tpu.memory_space<hbm>> -> memref<4096xf32, #tpu.memory_space<hbm>>
      %dma_start3A_415 = tpu.memref_slice %arg21[%mul3A_303] : memref<65792xf32, #tpu.memory_space<vmem_shared>> -> memref<4096xf32, #tpu.memory_space<vmem_shared>>
      tpu.enqueue_dma source(%dma_start3A_415 : memref<4096xf32, #tpu.memory_space<vmem_shared>>) target(%dma_start3A_414 : memref<4096xf32, #tpu.memory_space<hbm>>) target_semaphore(%run_scoped3A : memref<!tpu.dma_semaphore, #tpu.memory_space<semaphore_mem>>)
      %dma_wait3A_416 = tpu.memref_slice %arg10[%mul3A_312] : memref<1048576xf32, #tpu.memory_space<hbm>> -> memref<4096xf32, #tpu.memory_space<hbm>>
      %dma_wait3A_417 = tpu.memref_slice %arg21[%mul3A_303] : memref<65792xf32, #tpu.memory_space<vmem_shared>> -> memref<4096xf32, #tpu.memory_space<vmem_shared>>
      tpu.wait_dma2 semaphore(%run_scoped3A : memref<!tpu.dma_semaphore, #tpu.memory_space<semaphore_mem>>) src(%dma_wait3A_417 : memref<4096xf32, #tpu.memory_space<vmem_shared>>) dst(%dma_wait3A_416 : memref<4096xf32, #tpu.memory_space<hbm>>)
      tpu.yield
    }) : () -> ()
    %barrier3A_313 = arith.constant 0 : index
    tpu.barrier barrier_id(%barrier3A_313)
    %mul3A_314 = arith.constant 4112 : i32
    %mul3A_315 = arith.muli %arg1, %mul3A_314 : i32
    %add3A_316 = arith.constant 0 : i32
    %add3A_317 = arith.addi %mul3A_315, %add3A_316 : i32
    "tpu.region"() ({
      %run_scoped3A = tpu.sem_alloc : memref<!tpu.dma_semaphore, #tpu.memory_space<semaphore_mem>>
      %dma_start3A_414 = arith.constant 0 : i32
      %dma_start3A_415 = tpu.memref_slice %arg20[%dma_start3A_414] : memref<4112xf32, #tpu.memory_space<vmem>> -> memref<2056xf32, #tpu.memory_space<vmem>>
      %dma_start3A_416 = tpu.memref_slice %arg21[%add3A_317] : memref<65792xf32, #tpu.memory_space<vmem_shared>> -> memref<2056xf32, #tpu.memory_space<vmem_shared>>
      %dma_start3A_417 = tpu.memref_slice %arg21[%add3A_317] : memref<65792xf32, #tpu.memory_space<vmem_shared>> -> memref<2056xf32, #tpu.memory_space<vmem_shared>>
      %dma_start3A_418 = arith.constant 0 : i32
      %dma_start3A_419 = tpu.memref_slice %arg20[%dma_start3A_418] : memref<4112xf32, #tpu.memory_space<vmem>> -> memref<2056xf32, #tpu.memory_space<vmem>>
      tpu.enqueue_dma source(%dma_start3A_419 : memref<2056xf32, #tpu.memory_space<vmem>>) target(%dma_start3A_417 : memref<2056xf32, #tpu.memory_space<vmem_shared>>) target_semaphore(%run_scoped3A : memref<!tpu.dma_semaphore, #tpu.memory_space<semaphore_mem>>)
      %dma_wait3A_420 = arith.constant 0 : i32
      %dma_wait3A_421 = tpu.memref_slice %arg20[%dma_wait3A_420] : memref<4112xf32, #tpu.memory_space<vmem>> -> memref<2056xf32, #tpu.memory_space<vmem>>
      %dma_wait3A_422 = tpu.memref_slice %arg21[%add3A_317] : memref<65792xf32, #tpu.memory_space<vmem_shared>> -> memref<2056xf32, #tpu.memory_space<vmem_shared>>
      %dma_wait3A_423 = tpu.memref_slice %arg21[%add3A_317] : memref<65792xf32, #tpu.memory_space<vmem_shared>> -> memref<2056xf32, #tpu.memory_space<vmem_shared>>
      %dma_wait3A_424 = arith.constant 0 : i32
      %dma_wait3A_425 = tpu.memref_slice %arg20[%dma_wait3A_424] : memref<4112xf32, #tpu.memory_space<vmem>> -> memref<2056xf32, #tpu.memory_space<vmem>>
      tpu.wait_dma2 semaphore(%run_scoped3A : memref<!tpu.dma_semaphore, #tpu.memory_space<semaphore_mem>>) src(%dma_wait3A_425 : memref<2056xf32, #tpu.memory_space<vmem>>) dst(%dma_wait3A_423 : memref<2056xf32, #tpu.memory_space<vmem_shared>>)
      tpu.yield
    }) : () -> ()
    %mul3A_318 = arith.constant 4112 : i32
    %mul3A_319 = arith.muli %arg1, %mul3A_318 : i32
    %add3A_320 = arith.constant 2056 : i32
    %add3A_321 = arith.addi %mul3A_319, %add3A_320 : i32
    "tpu.region"() ({
      %run_scoped3A = tpu.sem_alloc : memref<!tpu.dma_semaphore, #tpu.memory_space<semaphore_mem>>
      %dma_start3A_414 = arith.constant 2056 : i32
      %dma_start3A_415 = tpu.memref_slice %arg20[%dma_start3A_414] : memref<4112xf32, #tpu.memory_space<vmem>> -> memref<2056xf32, #tpu.memory_space<vmem>>
      %dma_start3A_416 = tpu.memref_slice %arg21[%add3A_321] : memref<65792xf32, #tpu.memory_space<vmem_shared>> -> memref<2056xf32, #tpu.memory_space<vmem_shared>>
      %dma_start3A_417 = tpu.memref_slice %arg21[%add3A_321] : memref<65792xf32, #tpu.memory_space<vmem_shared>> -> memref<2056xf32, #tpu.memory_space<vmem_shared>>
      %dma_start3A_418 = arith.constant 2056 : i32
      %dma_start3A_419 = tpu.memref_slice %arg20[%dma_start3A_418] : memref<4112xf32, #tpu.memory_space<vmem>> -> memref<2056xf32, #tpu.memory_space<vmem>>
      tpu.enqueue_dma source(%dma_start3A_419 : memref<2056xf32, #tpu.memory_space<vmem>>) target(%dma_start3A_417 : memref<2056xf32, #tpu.memory_space<vmem_shared>>) target_semaphore(%run_scoped3A : memref<!tpu.dma_semaphore, #tpu.memory_space<semaphore_mem>>)
      %dma_wait3A_420 = arith.constant 2056 : i32
      %dma_wait3A_421 = tpu.memref_slice %arg20[%dma_wait3A_420] : memref<4112xf32, #tpu.memory_space<vmem>> -> memref<2056xf32, #tpu.memory_space<vmem>>
      %dma_wait3A_422 = tpu.memref_slice %arg21[%add3A_321] : memref<65792xf32, #tpu.memory_space<vmem_shared>> -> memref<2056xf32, #tpu.memory_space<vmem_shared>>
      %dma_wait3A_423 = tpu.memref_slice %arg21[%add3A_321] : memref<65792xf32, #tpu.memory_space<vmem_shared>> -> memref<2056xf32, #tpu.memory_space<vmem_shared>>
      %dma_wait3A_424 = arith.constant 2056 : i32
      %dma_wait3A_425 = tpu.memref_slice %arg20[%dma_wait3A_424] : memref<4112xf32, #tpu.memory_space<vmem>> -> memref<2056xf32, #tpu.memory_space<vmem>>
      tpu.wait_dma2 semaphore(%run_scoped3A : memref<!tpu.dma_semaphore, #tpu.memory_space<semaphore_mem>>) src(%dma_wait3A_425 : memref<2056xf32, #tpu.memory_space<vmem>>) dst(%dma_wait3A_423 : memref<2056xf32, #tpu.memory_space<vmem_shared>>)
      tpu.yield
    }) : () -> ()
    %barrier3A_322 = arith.constant 0 : index
    tpu.barrier barrier_id(%barrier3A_322)
    %scan3A_323 = arith.constant 0 : i32
    %scan3A_324 = arith.constant 0 : i32
    %scan3A_325 = arith.constant 128 : i32
    %scan3A_326 = arith.addi %scan3A_324, %scan3A_325 : i32
    %scan3A_327 = arith.constant 1 : i32
    scf.for %scan3A_414 = %scan3A_324 to %scan3A_326 step %scan3A_327  : i32 {
      %mul3A_415 = arith.constant 256 : i32
      %mul3A_416 = arith.muli %arg1, %mul3A_415 : i32
      %mul3A_417 = arith.constant 2 : i32
      %mul3A_418 = arith.muli %mul3A_417, %scan3A_414 : i32
      %add3A_419 = arith.addi %mul3A_416, %mul3A_418 : i32
      %mul3A_420 = arith.constant 50 : i32
      %mul3A_421 = arith.muli %add3A_419, %mul3A_420 : i32
      %and3A = arith.constant 4095 : i32
      %and3A_422 = arith.andi %mul3A_421, %and3A : i32
      %add3A_423 = arith.constant 100 : i32
      %add3A_424 = arith.addi %mul3A_421, %add3A_423 : i32
      %sub3A = arith.constant 1 : i32
      %sub3A_425 = arith.subi %add3A_424, %sub3A : i32
      %and3A_426 = arith.constant 4095 : i32
      %and3A_427 = arith.andi %sub3A_425, %and3A_426 : i32
      %ge3A = arith.constant 3072 : i32
      %ge3A_428 = arith.cmpi sge, %and3A_422, %ge3A : i32
      %lt3A_429 = arith.constant 3584 : i32
      %lt3A_430 = arith.cmpi slt, %and3A_422, %lt3A_429 : i32
      %and3A_431 = arith.andi %ge3A_428, %lt3A_430 : i1
      %ge3A_432 = arith.constant 3072 : i32
      %ge3A_433 = arith.cmpi sge, %and3A_427, %ge3A_432 : i32
      %lt3A_434 = arith.constant 3584 : i32
      %lt3A_435 = arith.cmpi slt, %and3A_427, %lt3A_434 : i32
      %and3A_436 = arith.andi %ge3A_433, %lt3A_435 : i1
      %or3A = arith.ori %and3A_431, %and3A_436 : i1
      %convert_element_type3A = arith.extui %or3A : i1 to i32
      %cond3A = arith.constant 0 : i32
      %cond3A_437 = arith.cmpi ne, %convert_element_type3A, %cond3A : i32
      scf.if %cond3A_437 {
        %get3A = arith.index_cast %scan3A_414 : i32 to index
        %get3A_438 = arith.constant 0 : index
        %get3A_439 = tpu.vector_load %arg17[%get3A, %get3A_438] {strides = array<i32>} : memref<128x128xi32, #tpu.memory_space<vmem>>, vector<1x16xi32>,
        %get3A_440 = vector.shape_cast %get3A_439 : vector<1x16xi32> to vector<16xi32>
        %ge3A_441 = arith.constant 393216 : i32
        %ge3A_442 = vector.broadcast %ge3A_441 : i32 to vector<16xi32>
        %ge3A_443 = arith.cmpi sge, %get3A_440, %ge3A_442 : vector<16xi32>
        %lt3A_444 = arith.constant 458752 : i32
        %lt3A_445 = vector.broadcast %lt3A_444 : i32 to vector<16xi32>
        %lt3A_446 = arith.cmpi slt, %get3A_440, %lt3A_445 : vector<16xi32>
        %and3A_447 = arith.andi %ge3A_443, %lt3A_446 : vector<16xi1>
        %sub3A_448 = arith.constant 393216 : i32
        %sub3A_449 = vector.broadcast %sub3A_448 : i32 to vector<16xi32>
        %sub3A_450 = arith.subi %get3A_440, %sub3A_449 : vector<16xi32>
        %select_n3A = arith.select %and3A_447, %sub3A_450, %add3A_134 : vector<16xi1>, vector<16xi32>
        %swap3A_451 = arith.constant 0 : i32
        %swap3A_452 = arith.index_cast %swap3A_451 : i32 to index
        %swap3A_453 = arith.constant 0 : index
        %swap3A_454 = tpu.vector_load %arg18[%swap3A_452, %swap3A_453] {strides = array<i32>} : memref<1x128xi32, #tpu.memory_space<vmem>>, vector<1x16xi32>,
        %swap3A_455 = vector.shape_cast %swap3A_454 : vector<1x16xi32> to vector<16xi32>
        %swap3A_456 = vector.shape_cast %select_n3A : vector<16xi32> to vector<1x16xi32>
        tpu.vector_store %arg18[%swap3A_452, %swap3A_453], %swap3A_456 {strides = array<i32>} : memref<1x128xi32, #tpu.memory_space<vmem>>, vector<1x16xi32>,
        %get3A_457 = arith.index_cast %scan3A_414 : i32 to index
        %get3A_458 = arith.constant 16 : index
        %get3A_459 = tpu.vector_load %arg17[%get3A_457, %get3A_458] {strides = array<i32>} : memref<128x128xi32, #tpu.memory_space<vmem>>, vector<1x16xi32>,
        %get3A_460 = vector.shape_cast %get3A_459 : vector<1x16xi32> to vector<16xi32>
        %ge3A_461 = arith.constant 393216 : i32
        %ge3A_462 = vector.broadcast %ge3A_461 : i32 to vector<16xi32>
        %ge3A_463 = arith.cmpi sge, %get3A_460, %ge3A_462 : vector<16xi32>
        %lt3A_464 = arith.constant 458752 : i32
        %lt3A_465 = vector.broadcast %lt3A_464 : i32 to vector<16xi32>
        %lt3A_466 = arith.cmpi slt, %get3A_460, %lt3A_465 : vector<16xi32>
        %and3A_467 = arith.andi %ge3A_463, %lt3A_466 : vector<16xi1>
        %sub3A_468 = arith.constant 393216 : i32
        %sub3A_469 = vector.broadcast %sub3A_468 : i32 to vector<16xi32>
        %sub3A_470 = arith.subi %get3A_460, %sub3A_469 : vector<16xi32>
        %select_n3A_471 = arith.select %and3A_467, %sub3A_470, %add3A_134 : vector<16xi1>, vector<16xi32>
        %swap3A_472 = arith.constant 0 : i32
        %swap3A_473 = arith.index_cast %swap3A_472 : i32 to index
        %swap3A_474 = arith.constant 16 : index
        %swap3A_475 = tpu.vector_load %arg18[%swap3A_473, %swap3A_474] {strides = array<i32>} : memref<1x128xi32, #tpu.memory_space<vmem>>, vector<1x16xi32>,
        %swap3A_476 = vector.shape_cast %swap3A_475 : vector<1x16xi32> to vector<16xi32>
        %swap3A_477 = vector.shape_cast %select_n3A_471 : vector<16xi32> to vector<1x16xi32>
        tpu.vector_store %arg18[%swap3A_473, %swap3A_474], %swap3A_477 {strides = array<i32>} : memref<1x128xi32, #tpu.memory_space<vmem>>, vector<1x16xi32>,
        %get3A_478 = arith.index_cast %scan3A_414 : i32 to index
        %get3A_479 = arith.constant 32 : index
        %get3A_480 = tpu.vector_load %arg17[%get3A_478, %get3A_479] {strides = array<i32>} : memref<128x128xi32, #tpu.memory_space<vmem>>, vector<1x16xi32>,
        %get3A_481 = vector.shape_cast %get3A_480 : vector<1x16xi32> to vector<16xi32>
        %ge3A_482 = arith.constant 393216 : i32
        %ge3A_483 = vector.broadcast %ge3A_482 : i32 to vector<16xi32>
        %ge3A_484 = arith.cmpi sge, %get3A_481, %ge3A_483 : vector<16xi32>
        %lt3A_485 = arith.constant 458752 : i32
        %lt3A_486 = vector.broadcast %lt3A_485 : i32 to vector<16xi32>
        %lt3A_487 = arith.cmpi slt, %get3A_481, %lt3A_486 : vector<16xi32>
        %and3A_488 = arith.andi %ge3A_484, %lt3A_487 : vector<16xi1>
        %sub3A_489 = arith.constant 393216 : i32
        %sub3A_490 = vector.broadcast %sub3A_489 : i32 to vector<16xi32>
        %sub3A_491 = arith.subi %get3A_481, %sub3A_490 : vector<16xi32>
        %select_n3A_492 = arith.select %and3A_488, %sub3A_491, %add3A_134 : vector<16xi1>, vector<16xi32>
        %swap3A_493 = arith.constant 0 : i32
        %swap3A_494 = arith.index_cast %swap3A_493 : i32 to index
        %swap3A_495 = arith.constant 32 : index
        %swap3A_496 = tpu.vector_load %arg18[%swap3A_494, %swap3A_495] {strides = array<i32>} : memref<1x128xi32, #tpu.memory_space<vmem>>, vector<1x16xi32>,
        %swap3A_497 = vector.shape_cast %swap3A_496 : vector<1x16xi32> to vector<16xi32>
        %swap3A_498 = vector.shape_cast %select_n3A_492 : vector<16xi32> to vector<1x16xi32>
        tpu.vector_store %arg18[%swap3A_494, %swap3A_495], %swap3A_498 {strides = array<i32>} : memref<1x128xi32, #tpu.memory_space<vmem>>, vector<1x16xi32>,
        %get3A_499 = arith.index_cast %scan3A_414 : i32 to index
        %get3A_500 = arith.constant 48 : index
        %get3A_501 = tpu.vector_load %arg17[%get3A_499, %get3A_500] {strides = array<i32>} : memref<128x128xi32, #tpu.memory_space<vmem>>, vector<1x16xi32>,
        %get3A_502 = vector.shape_cast %get3A_501 : vector<1x16xi32> to vector<16xi32>
        %ge3A_503 = arith.constant 393216 : i32
        %ge3A_504 = vector.broadcast %ge3A_503 : i32 to vector<16xi32>
        %ge3A_505 = arith.cmpi sge, %get3A_502, %ge3A_504 : vector<16xi32>
        %lt3A_506 = arith.constant 458752 : i32
        %lt3A_507 = vector.broadcast %lt3A_506 : i32 to vector<16xi32>
        %lt3A_508 = arith.cmpi slt, %get3A_502, %lt3A_507 : vector<16xi32>
        %and3A_509 = arith.andi %ge3A_505, %lt3A_508 : vector<16xi1>
        %sub3A_510 = arith.constant 393216 : i32
        %sub3A_511 = vector.broadcast %sub3A_510 : i32 to vector<16xi32>
        %sub3A_512 = arith.subi %get3A_502, %sub3A_511 : vector<16xi32>
        %select_n3A_513 = arith.select %and3A_509, %sub3A_512, %add3A_134 : vector<16xi1>, vector<16xi32>
        %swap3A_514 = arith.constant 0 : i32
        %swap3A_515 = arith.index_cast %swap3A_514 : i32 to index
        %swap3A_516 = arith.constant 48 : index
        %swap3A_517 = tpu.vector_load %arg18[%swap3A_515, %swap3A_516] {strides = array<i32>} : memref<1x128xi32, #tpu.memory_space<vmem>>, vector<1x16xi32>,
        %swap3A_518 = vector.shape_cast %swap3A_517 : vector<1x16xi32> to vector<16xi32>
        %swap3A_519 = vector.shape_cast %select_n3A_513 : vector<16xi32> to vector<1x16xi32>
        tpu.vector_store %arg18[%swap3A_515, %swap3A_516], %swap3A_519 {strides = array<i32>} : memref<1x128xi32, #tpu.memory_space<vmem>>, vector<1x16xi32>,
        %get3A_520 = arith.index_cast %scan3A_414 : i32 to index
        %get3A_521 = arith.constant 64 : index
        %get3A_522 = tpu.vector_load %arg17[%get3A_520, %get3A_521] {strides = array<i32>} : memref<128x128xi32, #tpu.memory_space<vmem>>, vector<1x16xi32>,
        %get3A_523 = vector.shape_cast %get3A_522 : vector<1x16xi32> to vector<16xi32>
        %ge3A_524 = arith.constant 393216 : i32
        %ge3A_525 = vector.broadcast %ge3A_524 : i32 to vector<16xi32>
        %ge3A_526 = arith.cmpi sge, %get3A_523, %ge3A_525 : vector<16xi32>
        %lt3A_527 = arith.constant 458752 : i32
        %lt3A_528 = vector.broadcast %lt3A_527 : i32 to vector<16xi32>
        %lt3A_529 = arith.cmpi slt, %get3A_523, %lt3A_528 : vector<16xi32>
        %and3A_530 = arith.andi %ge3A_526, %lt3A_529 : vector<16xi1>
        %sub3A_531 = arith.constant 393216 : i32
        %sub3A_532 = vector.broadcast %sub3A_531 : i32 to vector<16xi32>
        %sub3A_533 = arith.subi %get3A_523, %sub3A_532 : vector<16xi32>
        %select_n3A_534 = arith.select %and3A_530, %sub3A_533, %add3A_134 : vector<16xi1>, vector<16xi32>
        %swap3A_535 = arith.constant 0 : i32
        %swap3A_536 = arith.index_cast %swap3A_535 : i32 to index
        %swap3A_537 = arith.constant 64 : index
        %swap3A_538 = tpu.vector_load %arg18[%swap3A_536, %swap3A_537] {strides = array<i32>} : memref<1x128xi32, #tpu.memory_space<vmem>>, vector<1x16xi32>,
        %swap3A_539 = vector.shape_cast %swap3A_538 : vector<1x16xi32> to vector<16xi32>
        %swap3A_540 = vector.shape_cast %select_n3A_534 : vector<16xi32> to vector<1x16xi32>
        tpu.vector_store %arg18[%swap3A_536, %swap3A_537], %swap3A_540 {strides = array<i32>} : memref<1x128xi32, #tpu.memory_space<vmem>>, vector<1x16xi32>,
        %get3A_541 = arith.index_cast %scan3A_414 : i32 to index
        %get3A_542 = arith.constant 80 : index
        %get3A_543 = tpu.vector_load %arg17[%get3A_541, %get3A_542] {strides = array<i32>} : memref<128x128xi32, #tpu.memory_space<vmem>>, vector<1x16xi32>,
        %get3A_544 = vector.shape_cast %get3A_543 : vector<1x16xi32> to vector<16xi32>
        %ge3A_545 = arith.constant 393216 : i32
        %ge3A_546 = vector.broadcast %ge3A_545 : i32 to vector<16xi32>
        %ge3A_547 = arith.cmpi sge, %get3A_544, %ge3A_546 : vector<16xi32>
        %lt3A_548 = arith.constant 458752 : i32
        %lt3A_549 = vector.broadcast %lt3A_548 : i32 to vector<16xi32>
        %lt3A_550 = arith.cmpi slt, %get3A_544, %lt3A_549 : vector<16xi32>
        %and3A_551 = arith.andi %ge3A_547, %lt3A_550 : vector<16xi1>
        %sub3A_552 = arith.constant 393216 : i32
        %sub3A_553 = vector.broadcast %sub3A_552 : i32 to vector<16xi32>
        %sub3A_554 = arith.subi %get3A_544, %sub3A_553 : vector<16xi32>
        %select_n3A_555 = arith.select %and3A_551, %sub3A_554, %add3A_134 : vector<16xi1>, vector<16xi32>
        %swap3A_556 = arith.constant 0 : i32
        %swap3A_557 = arith.index_cast %swap3A_556 : i32 to index
        %swap3A_558 = arith.constant 80 : index
        %swap3A_559 = tpu.vector_load %arg18[%swap3A_557, %swap3A_558] {strides = array<i32>} : memref<1x128xi32, #tpu.memory_space<vmem>>, vector<1x16xi32>,
        %swap3A_560 = vector.shape_cast %swap3A_559 : vector<1x16xi32> to vector<16xi32>
        %swap3A_561 = vector.shape_cast %select_n3A_555 : vector<16xi32> to vector<1x16xi32>
        tpu.vector_store %arg18[%swap3A_557, %swap3A_558], %swap3A_561 {strides = array<i32>} : memref<1x128xi32, #tpu.memory_space<vmem>>, vector<1x16xi32>,
        %get3A_562 = arith.index_cast %scan3A_414 : i32 to index
        %get3A_563 = arith.constant 96 : index
        %get3A_564 = tpu.vector_load %arg17[%get3A_562, %get3A_563] {strides = array<i32>} : memref<128x128xi32, #tpu.memory_space<vmem>>, vector<1x16xi32>,
        %get3A_565 = vector.shape_cast %get3A_564 : vector<1x16xi32> to vector<16xi32>
        %ge3A_566 = arith.constant 393216 : i32
        %ge3A_567 = vector.broadcast %ge3A_566 : i32 to vector<16xi32>
        %ge3A_568 = arith.cmpi sge, %get3A_565, %ge3A_567 : vector<16xi32>
        %lt3A_569 = arith.constant 458752 : i32
        %lt3A_570 = vector.broadcast %lt3A_569 : i32 to vector<16xi32>
        %lt3A_571 = arith.cmpi slt, %get3A_565, %lt3A_570 : vector<16xi32>
        %and3A_572 = arith.andi %ge3A_568, %lt3A_571 : vector<16xi1>
        %sub3A_573 = arith.constant 393216 : i32
        %sub3A_574 = vector.broadcast %sub3A_573 : i32 to vector<16xi32>
        %sub3A_575 = arith.subi %get3A_565, %sub3A_574 : vector<16xi32>
        %select_n3A_576 = arith.select %and3A_572, %sub3A_575, %add3A_134 : vector<16xi1>, vector<16xi32>
        %swap3A_577 = arith.constant 0 : i32
        %swap3A_578 = arith.index_cast %swap3A_577 : i32 to index
        %swap3A_579 = arith.constant 96 : index
        %swap3A_580 = tpu.vector_load %arg18[%swap3A_578, %swap3A_579] {strides = array<i32>} : memref<1x128xi32, #tpu.memory_space<vmem>>, vector<1x16xi32>,
        %swap3A_581 = vector.shape_cast %swap3A_580 : vector<1x16xi32> to vector<16xi32>
        %swap3A_582 = vector.shape_cast %select_n3A_576 : vector<16xi32> to vector<1x16xi32>
        tpu.vector_store %arg18[%swap3A_578, %swap3A_579], %swap3A_582 {strides = array<i32>} : memref<1x128xi32, #tpu.memory_space<vmem>>, vector<1x16xi32>,
        %get3A_583 = arith.index_cast %scan3A_414 : i32 to index
        %get3A_584 = arith.constant 112 : index
        %get3A_585 = tpu.vector_load %arg17[%get3A_583, %get3A_584] {strides = array<i32>} : memref<128x128xi32, #tpu.memory_space<vmem>>, vector<1x16xi32>,
        %get3A_586 = vector.shape_cast %get3A_585 : vector<1x16xi32> to vector<16xi32>
        %ge3A_587 = arith.constant 393216 : i32
        %ge3A_588 = vector.broadcast %ge3A_587 : i32 to vector<16xi32>
        %ge3A_589 = arith.cmpi sge, %get3A_586, %ge3A_588 : vector<16xi32>
        %lt3A_590 = arith.constant 458752 : i32
        %lt3A_591 = vector.broadcast %lt3A_590 : i32 to vector<16xi32>
        %lt3A_592 = arith.cmpi slt, %get3A_586, %lt3A_591 : vector<16xi32>
        %and3A_593 = arith.andi %ge3A_589, %lt3A_592 : vector<16xi1>
        %sub3A_594 = arith.constant 393216 : i32
        %sub3A_595 = vector.broadcast %sub3A_594 : i32 to vector<16xi32>
        %sub3A_596 = arith.subi %get3A_586, %sub3A_595 : vector<16xi32>
        %select_n3A_597 = arith.select %and3A_593, %sub3A_596, %add3A_134 : vector<16xi1>, vector<16xi32>
        %swap3A_598 = arith.constant 0 : i32
        %swap3A_599 = arith.index_cast %swap3A_598 : i32 to index
        %swap3A_600 = arith.constant 112 : index
        %swap3A_601 = tpu.vector_load %arg18[%swap3A_599, %swap3A_600] {strides = array<i32>} : memref<1x128xi32, #tpu.memory_space<vmem>>, vector<1x16xi32>,
        %swap3A_602 = vector.shape_cast %swap3A_601 : vector<1x16xi32> to vector<16xi32>
        %swap3A_603 = vector.shape_cast %select_n3A_597 : vector<16xi32> to vector<1x16xi32>
        tpu.vector_store %arg18[%swap3A_599, %swap3A_600], %swap3A_603 {strides = array<i32>} : memref<1x128xi32, #tpu.memory_space<vmem>>, vector<1x16xi32>,
        %run_scoped3A = arith.constant 0 : i32
        "tpu.region"() ({
          %run_scoped3A_604 = tpu.sem_alloc : memref<!tpu.dma_semaphore, #tpu.memory_space<semaphore_mem>>
          %dma_start3A_605 = arith.constant 0 : i32
          %dma_start3A_606 = tpu.memref_slice %arg18[%run_scoped3A, %dma_start3A_605] : memref<1x128xi32, #tpu.memory_space<vmem>> -> memref<1x128xi32, #tpu.memory_space<vmem>>
          %dma_start3A_607 = tpu.memref_squeeze %dma_start3A_606 : memref<1x128xi32, #tpu.memory_space<vmem>> -> memref<128xi32, #tpu.memory_space<vmem>>
          %dma_start3A_608 = arith.constant 0 : i32
          %dma_start3A_609 = tpu.memref_slice %arg21[%dma_start3A_608] : memref<65792xf32, #tpu.memory_space<vmem_shared>> -> memref<65792xf32, #tpu.memory_space<vmem_shared>>
          tpu.enqueue_indirect_dma source(%arg19 : memref<128xf32, #tpu.memory_space<vmem>>) target(%dma_start3A_609 : memref<65792xf32, #tpu.memory_space<vmem_shared>>) offsets(%dma_start3A_607 : memref<128xi32, #tpu.memory_space<vmem>>) semaphore(%run_scoped3A_604 : memref<!tpu.dma_semaphore, #tpu.memory_space<semaphore_mem>>) {add = true}
          %dma_wait3A_610 = arith.constant 0 : i32
          %dma_wait3A_611 = tpu.memref_slice %arg18[%run_scoped3A, %dma_wait3A_610] : memref<1x128xi32, #tpu.memory_space<vmem>> -> memref<1x128xi32, #tpu.memory_space<vmem>>
          %dma_wait3A_612 = tpu.memref_squeeze %dma_wait3A_611 : memref<1x128xi32, #tpu.memory_space<vmem>> -> memref<128xi32, #tpu.memory_space<vmem>>
          %dma_wait3A_613 = arith.constant 0 : i32
          %dma_wait3A_614 = tpu.memref_slice %arg21[%dma_wait3A_613] : memref<65792xf32, #tpu.memory_space<vmem_shared>> -> memref<65792xf32, #tpu.memory_space<vmem_shared>>
          tpu.wait_indirect_dma semaphore(%run_scoped3A_604 : memref<!tpu.dma_semaphore, #tpu.memory_space<semaphore_mem>>) src(%arg19 : memref<128xf32, #tpu.memory_space<vmem>>) dst(%dma_wait3A_614 : memref<65792xf32, #tpu.memory_space<vmem_shared>>)
          tpu.yield
        }) : () -> ()
      } else {
      }
    }
    %scan3A_328 = arith.constant 128 : i32
    %barrier3A_329 = arith.constant 0 : index
    tpu.barrier barrier_id(%barrier3A_329)
    %mul3A_330 = arith.constant 32 : i32
    %mul3A_331 = arith.muli %arg1, %mul3A_330 : i32
    %mul3A_332 = arith.constant 128 : i32
    %mul3A_333 = arith.muli %mul3A_331, %mul3A_332 : i32
    %mul3A_334 = arith.constant 4096 : i32
    %mul3A_335 = arith.muli %arg0, %mul3A_334 : i32
    %add3A_336 = arith.constant 3072 : i32
    %add3A_337 = arith.addi %mul3A_335, %add3A_336 : i32
    %mul3A_338 = arith.constant 32 : i32
    %mul3A_339 = arith.muli %arg1, %mul3A_338 : i32
    %add3A_340 = arith.addi %add3A_337, %mul3A_339 : i32
    %mul3A_341 = arith.constant 128 : i32
    %mul3A_342 = arith.muli %add3A_340, %mul3A_341 : i32
    "tpu.region"() ({
      %run_scoped3A = tpu.sem_alloc : memref<!tpu.dma_semaphore, #tpu.memory_space<semaphore_mem>>
      %dma_start3A_414 = tpu.memref_slice %arg10[%mul3A_342] : memref<1048576xf32, #tpu.memory_space<hbm>> -> memref<4096xf32, #tpu.memory_space<hbm>>
      %dma_start3A_415 = tpu.memref_slice %arg21[%mul3A_333] : memref<65792xf32, #tpu.memory_space<vmem_shared>> -> memref<4096xf32, #tpu.memory_space<vmem_shared>>
      tpu.enqueue_dma source(%dma_start3A_415 : memref<4096xf32, #tpu.memory_space<vmem_shared>>) target(%dma_start3A_414 : memref<4096xf32, #tpu.memory_space<hbm>>) target_semaphore(%run_scoped3A : memref<!tpu.dma_semaphore, #tpu.memory_space<semaphore_mem>>)
      %dma_wait3A_416 = tpu.memref_slice %arg10[%mul3A_342] : memref<1048576xf32, #tpu.memory_space<hbm>> -> memref<4096xf32, #tpu.memory_space<hbm>>
      %dma_wait3A_417 = tpu.memref_slice %arg21[%mul3A_333] : memref<65792xf32, #tpu.memory_space<vmem_shared>> -> memref<4096xf32, #tpu.memory_space<vmem_shared>>
      tpu.wait_dma2 semaphore(%run_scoped3A : memref<!tpu.dma_semaphore, #tpu.memory_space<semaphore_mem>>) src(%dma_wait3A_417 : memref<4096xf32, #tpu.memory_space<vmem_shared>>) dst(%dma_wait3A_416 : memref<4096xf32, #tpu.memory_space<hbm>>)
      tpu.yield
    }) : () -> ()
    %barrier3A_343 = arith.constant 0 : index
    tpu.barrier barrier_id(%barrier3A_343)
    %mul3A_344 = arith.constant 4112 : i32
    %mul3A_345 = arith.muli %arg1, %mul3A_344 : i32
    %add3A_346 = arith.constant 0 : i32
    %add3A_347 = arith.addi %mul3A_345, %add3A_346 : i32
    "tpu.region"() ({
      %run_scoped3A = tpu.sem_alloc : memref<!tpu.dma_semaphore, #tpu.memory_space<semaphore_mem>>
      %dma_start3A_414 = arith.constant 0 : i32
      %dma_start3A_415 = tpu.memref_slice %arg20[%dma_start3A_414] : memref<4112xf32, #tpu.memory_space<vmem>> -> memref<2056xf32, #tpu.memory_space<vmem>>
      %dma_start3A_416 = tpu.memref_slice %arg21[%add3A_347] : memref<65792xf32, #tpu.memory_space<vmem_shared>> -> memref<2056xf32, #tpu.memory_space<vmem_shared>>
      %dma_start3A_417 = tpu.memref_slice %arg21[%add3A_347] : memref<65792xf32, #tpu.memory_space<vmem_shared>> -> memref<2056xf32, #tpu.memory_space<vmem_shared>>
      %dma_start3A_418 = arith.constant 0 : i32
      %dma_start3A_419 = tpu.memref_slice %arg20[%dma_start3A_418] : memref<4112xf32, #tpu.memory_space<vmem>> -> memref<2056xf32, #tpu.memory_space<vmem>>
      tpu.enqueue_dma source(%dma_start3A_419 : memref<2056xf32, #tpu.memory_space<vmem>>) target(%dma_start3A_417 : memref<2056xf32, #tpu.memory_space<vmem_shared>>) target_semaphore(%run_scoped3A : memref<!tpu.dma_semaphore, #tpu.memory_space<semaphore_mem>>)
      %dma_wait3A_420 = arith.constant 0 : i32
      %dma_wait3A_421 = tpu.memref_slice %arg20[%dma_wait3A_420] : memref<4112xf32, #tpu.memory_space<vmem>> -> memref<2056xf32, #tpu.memory_space<vmem>>
      %dma_wait3A_422 = tpu.memref_slice %arg21[%add3A_347] : memref<65792xf32, #tpu.memory_space<vmem_shared>> -> memref<2056xf32, #tpu.memory_space<vmem_shared>>
      %dma_wait3A_423 = tpu.memref_slice %arg21[%add3A_347] : memref<65792xf32, #tpu.memory_space<vmem_shared>> -> memref<2056xf32, #tpu.memory_space<vmem_shared>>
      %dma_wait3A_424 = arith.constant 0 : i32
      %dma_wait3A_425 = tpu.memref_slice %arg20[%dma_wait3A_424] : memref<4112xf32, #tpu.memory_space<vmem>> -> memref<2056xf32, #tpu.memory_space<vmem>>
      tpu.wait_dma2 semaphore(%run_scoped3A : memref<!tpu.dma_semaphore, #tpu.memory_space<semaphore_mem>>) src(%dma_wait3A_425 : memref<2056xf32, #tpu.memory_space<vmem>>) dst(%dma_wait3A_423 : memref<2056xf32, #tpu.memory_space<vmem_shared>>)
      tpu.yield
    }) : () -> ()
    %mul3A_348 = arith.constant 4112 : i32
    %mul3A_349 = arith.muli %arg1, %mul3A_348 : i32
    %add3A_350 = arith.constant 2056 : i32
    %add3A_351 = arith.addi %mul3A_349, %add3A_350 : i32
    "tpu.region"() ({
      %run_scoped3A = tpu.sem_alloc : memref<!tpu.dma_semaphore, #tpu.memory_space<semaphore_mem>>
      %dma_start3A_414 = arith.constant 2056 : i32
      %dma_start3A_415 = tpu.memref_slice %arg20[%dma_start3A_414] : memref<4112xf32, #tpu.memory_space<vmem>> -> memref<2056xf32, #tpu.memory_space<vmem>>
      %dma_start3A_416 = tpu.memref_slice %arg21[%add3A_351] : memref<65792xf32, #tpu.memory_space<vmem_shared>> -> memref<2056xf32, #tpu.memory_space<vmem_shared>>
      %dma_start3A_417 = tpu.memref_slice %arg21[%add3A_351] : memref<65792xf32, #tpu.memory_space<vmem_shared>> -> memref<2056xf32, #tpu.memory_space<vmem_shared>>
      %dma_start3A_418 = arith.constant 2056 : i32
      %dma_start3A_419 = tpu.memref_slice %arg20[%dma_start3A_418] : memref<4112xf32, #tpu.memory_space<vmem>> -> memref<2056xf32, #tpu.memory_space<vmem>>
      tpu.enqueue_dma source(%dma_start3A_419 : memref<2056xf32, #tpu.memory_space<vmem>>) target(%dma_start3A_417 : memref<2056xf32, #tpu.memory_space<vmem_shared>>) target_semaphore(%run_scoped3A : memref<!tpu.dma_semaphore, #tpu.memory_space<semaphore_mem>>)
      %dma_wait3A_420 = arith.constant 2056 : i32
      %dma_wait3A_421 = tpu.memref_slice %arg20[%dma_wait3A_420] : memref<4112xf32, #tpu.memory_space<vmem>> -> memref<2056xf32, #tpu.memory_space<vmem>>
      %dma_wait3A_422 = tpu.memref_slice %arg21[%add3A_351] : memref<65792xf32, #tpu.memory_space<vmem_shared>> -> memref<2056xf32, #tpu.memory_space<vmem_shared>>
      %dma_wait3A_423 = tpu.memref_slice %arg21[%add3A_351] : memref<65792xf32, #tpu.memory_space<vmem_shared>> -> memref<2056xf32, #tpu.memory_space<vmem_shared>>
      %dma_wait3A_424 = arith.constant 2056 : i32
      %dma_wait3A_425 = tpu.memref_slice %arg20[%dma_wait3A_424] : memref<4112xf32, #tpu.memory_space<vmem>> -> memref<2056xf32, #tpu.memory_space<vmem>>
      tpu.wait_dma2 semaphore(%run_scoped3A : memref<!tpu.dma_semaphore, #tpu.memory_space<semaphore_mem>>) src(%dma_wait3A_425 : memref<2056xf32, #tpu.memory_space<vmem>>) dst(%dma_wait3A_423 : memref<2056xf32, #tpu.memory_space<vmem_shared>>)
      tpu.yield
    }) : () -> ()
    %barrier3A_352 = arith.constant 0 : index
    tpu.barrier barrier_id(%barrier3A_352)
    %scan3A_353 = arith.constant 0 : i32
    %scan3A_354 = arith.constant 0 : i32
    %scan3A_355 = arith.constant 128 : i32
    %scan3A_356 = arith.addi %scan3A_354, %scan3A_355 : i32
    %scan3A_357 = arith.constant 1 : i32
    scf.for %scan3A_414 = %scan3A_354 to %scan3A_356 step %scan3A_357  : i32 {
      %mul3A_415 = arith.constant 256 : i32
      %mul3A_416 = arith.muli %arg1, %mul3A_415 : i32
      %mul3A_417 = arith.constant 2 : i32
      %mul3A_418 = arith.muli %mul3A_417, %scan3A_414 : i32
      %add3A_419 = arith.addi %mul3A_416, %mul3A_418 : i32
      %mul3A_420 = arith.constant 50 : i32
      %mul3A_421 = arith.muli %add3A_419, %mul3A_420 : i32
      %and3A = arith.constant 4095 : i32
      %and3A_422 = arith.andi %mul3A_421, %and3A : i32
      %add3A_423 = arith.constant 100 : i32
      %add3A_424 = arith.addi %mul3A_421, %add3A_423 : i32
      %sub3A = arith.constant 1 : i32
      %sub3A_425 = arith.subi %add3A_424, %sub3A : i32
      %and3A_426 = arith.constant 4095 : i32
      %and3A_427 = arith.andi %sub3A_425, %and3A_426 : i32
      %ge3A = arith.constant 3584 : i32
      %ge3A_428 = arith.cmpi sge, %and3A_422, %ge3A : i32
      %lt3A_429 = arith.constant 4096 : i32
      %lt3A_430 = arith.cmpi slt, %and3A_422, %lt3A_429 : i32
      %and3A_431 = arith.andi %ge3A_428, %lt3A_430 : i1
      %ge3A_432 = arith.constant 3584 : i32
      %ge3A_433 = arith.cmpi sge, %and3A_427, %ge3A_432 : i32
      %lt3A_434 = arith.constant 4096 : i32
      %lt3A_435 = arith.cmpi slt, %and3A_427, %lt3A_434 : i32
      %and3A_436 = arith.andi %ge3A_433, %lt3A_435 : i1
      %or3A = arith.ori %and3A_431, %and3A_436 : i1
      %convert_element_type3A = arith.extui %or3A : i1 to i32
      %cond3A = arith.constant 0 : i32
      %cond3A_437 = arith.cmpi ne, %convert_element_type3A, %cond3A : i32
      scf.if %cond3A_437 {
        %get3A = arith.index_cast %scan3A_414 : i32 to index
        %get3A_438 = arith.constant 0 : index
        %get3A_439 = tpu.vector_load %arg17[%get3A, %get3A_438] {strides = array<i32>} : memref<128x128xi32, #tpu.memory_space<vmem>>, vector<1x16xi32>,
        %get3A_440 = vector.shape_cast %get3A_439 : vector<1x16xi32> to vector<16xi32>
        %ge3A_441 = arith.constant 458752 : i32
        %ge3A_442 = vector.broadcast %ge3A_441 : i32 to vector<16xi32>
        %ge3A_443 = arith.cmpi sge, %get3A_440, %ge3A_442 : vector<16xi32>
        %lt3A_444 = arith.constant 524288 : i32
        %lt3A_445 = vector.broadcast %lt3A_444 : i32 to vector<16xi32>
        %lt3A_446 = arith.cmpi slt, %get3A_440, %lt3A_445 : vector<16xi32>
        %and3A_447 = arith.andi %ge3A_443, %lt3A_446 : vector<16xi1>
        %sub3A_448 = arith.constant 458752 : i32
        %sub3A_449 = vector.broadcast %sub3A_448 : i32 to vector<16xi32>
        %sub3A_450 = arith.subi %get3A_440, %sub3A_449 : vector<16xi32>
        %select_n3A = arith.select %and3A_447, %sub3A_450, %add3A_134 : vector<16xi1>, vector<16xi32>
        %swap3A_451 = arith.constant 0 : i32
        %swap3A_452 = arith.index_cast %swap3A_451 : i32 to index
        %swap3A_453 = arith.constant 0 : index
        %swap3A_454 = tpu.vector_load %arg18[%swap3A_452, %swap3A_453] {strides = array<i32>} : memref<1x128xi32, #tpu.memory_space<vmem>>, vector<1x16xi32>,
        %swap3A_455 = vector.shape_cast %swap3A_454 : vector<1x16xi32> to vector<16xi32>
        %swap3A_456 = vector.shape_cast %select_n3A : vector<16xi32> to vector<1x16xi32>
        tpu.vector_store %arg18[%swap3A_452, %swap3A_453], %swap3A_456 {strides = array<i32>} : memref<1x128xi32, #tpu.memory_space<vmem>>, vector<1x16xi32>,
        %get3A_457 = arith.index_cast %scan3A_414 : i32 to index
        %get3A_458 = arith.constant 16 : index
        %get3A_459 = tpu.vector_load %arg17[%get3A_457, %get3A_458] {strides = array<i32>} : memref<128x128xi32, #tpu.memory_space<vmem>>, vector<1x16xi32>,
        %get3A_460 = vector.shape_cast %get3A_459 : vector<1x16xi32> to vector<16xi32>
        %ge3A_461 = arith.constant 458752 : i32
        %ge3A_462 = vector.broadcast %ge3A_461 : i32 to vector<16xi32>
        %ge3A_463 = arith.cmpi sge, %get3A_460, %ge3A_462 : vector<16xi32>
        %lt3A_464 = arith.constant 524288 : i32
        %lt3A_465 = vector.broadcast %lt3A_464 : i32 to vector<16xi32>
        %lt3A_466 = arith.cmpi slt, %get3A_460, %lt3A_465 : vector<16xi32>
        %and3A_467 = arith.andi %ge3A_463, %lt3A_466 : vector<16xi1>
        %sub3A_468 = arith.constant 458752 : i32
        %sub3A_469 = vector.broadcast %sub3A_468 : i32 to vector<16xi32>
        %sub3A_470 = arith.subi %get3A_460, %sub3A_469 : vector<16xi32>
        %select_n3A_471 = arith.select %and3A_467, %sub3A_470, %add3A_134 : vector<16xi1>, vector<16xi32>
        %swap3A_472 = arith.constant 0 : i32
        %swap3A_473 = arith.index_cast %swap3A_472 : i32 to index
        %swap3A_474 = arith.constant 16 : index
        %swap3A_475 = tpu.vector_load %arg18[%swap3A_473, %swap3A_474] {strides = array<i32>} : memref<1x128xi32, #tpu.memory_space<vmem>>, vector<1x16xi32>,
        %swap3A_476 = vector.shape_cast %swap3A_475 : vector<1x16xi32> to vector<16xi32>
        %swap3A_477 = vector.shape_cast %select_n3A_471 : vector<16xi32> to vector<1x16xi32>
        tpu.vector_store %arg18[%swap3A_473, %swap3A_474], %swap3A_477 {strides = array<i32>} : memref<1x128xi32, #tpu.memory_space<vmem>>, vector<1x16xi32>,
        %get3A_478 = arith.index_cast %scan3A_414 : i32 to index
        %get3A_479 = arith.constant 32 : index
        %get3A_480 = tpu.vector_load %arg17[%get3A_478, %get3A_479] {strides = array<i32>} : memref<128x128xi32, #tpu.memory_space<vmem>>, vector<1x16xi32>,
        %get3A_481 = vector.shape_cast %get3A_480 : vector<1x16xi32> to vector<16xi32>
        %ge3A_482 = arith.constant 458752 : i32
        %ge3A_483 = vector.broadcast %ge3A_482 : i32 to vector<16xi32>
        %ge3A_484 = arith.cmpi sge, %get3A_481, %ge3A_483 : vector<16xi32>
        %lt3A_485 = arith.constant 524288 : i32
        %lt3A_486 = vector.broadcast %lt3A_485 : i32 to vector<16xi32>
        %lt3A_487 = arith.cmpi slt, %get3A_481, %lt3A_486 : vector<16xi32>
        %and3A_488 = arith.andi %ge3A_484, %lt3A_487 : vector<16xi1>
        %sub3A_489 = arith.constant 458752 : i32
        %sub3A_490 = vector.broadcast %sub3A_489 : i32 to vector<16xi32>
        %sub3A_491 = arith.subi %get3A_481, %sub3A_490 : vector<16xi32>
        %select_n3A_492 = arith.select %and3A_488, %sub3A_491, %add3A_134 : vector<16xi1>, vector<16xi32>
        %swap3A_493 = arith.constant 0 : i32
        %swap3A_494 = arith.index_cast %swap3A_493 : i32 to index
        %swap3A_495 = arith.constant 32 : index
        %swap3A_496 = tpu.vector_load %arg18[%swap3A_494, %swap3A_495] {strides = array<i32>} : memref<1x128xi32, #tpu.memory_space<vmem>>, vector<1x16xi32>,
        %swap3A_497 = vector.shape_cast %swap3A_496 : vector<1x16xi32> to vector<16xi32>
        %swap3A_498 = vector.shape_cast %select_n3A_492 : vector<16xi32> to vector<1x16xi32>
        tpu.vector_store %arg18[%swap3A_494, %swap3A_495], %swap3A_498 {strides = array<i32>} : memref<1x128xi32, #tpu.memory_space<vmem>>, vector<1x16xi32>,
        %get3A_499 = arith.index_cast %scan3A_414 : i32 to index
        %get3A_500 = arith.constant 48 : index
        %get3A_501 = tpu.vector_load %arg17[%get3A_499, %get3A_500] {strides = array<i32>} : memref<128x128xi32, #tpu.memory_space<vmem>>, vector<1x16xi32>,
        %get3A_502 = vector.shape_cast %get3A_501 : vector<1x16xi32> to vector<16xi32>
        %ge3A_503 = arith.constant 458752 : i32
        %ge3A_504 = vector.broadcast %ge3A_503 : i32 to vector<16xi32>
        %ge3A_505 = arith.cmpi sge, %get3A_502, %ge3A_504 : vector<16xi32>
        %lt3A_506 = arith.constant 524288 : i32
        %lt3A_507 = vector.broadcast %lt3A_506 : i32 to vector<16xi32>
        %lt3A_508 = arith.cmpi slt, %get3A_502, %lt3A_507 : vector<16xi32>
        %and3A_509 = arith.andi %ge3A_505, %lt3A_508 : vector<16xi1>
        %sub3A_510 = arith.constant 458752 : i32
        %sub3A_511 = vector.broadcast %sub3A_510 : i32 to vector<16xi32>
        %sub3A_512 = arith.subi %get3A_502, %sub3A_511 : vector<16xi32>
        %select_n3A_513 = arith.select %and3A_509, %sub3A_512, %add3A_134 : vector<16xi1>, vector<16xi32>
        %swap3A_514 = arith.constant 0 : i32
        %swap3A_515 = arith.index_cast %swap3A_514 : i32 to index
        %swap3A_516 = arith.constant 48 : index
        %swap3A_517 = tpu.vector_load %arg18[%swap3A_515, %swap3A_516] {strides = array<i32>} : memref<1x128xi32, #tpu.memory_space<vmem>>, vector<1x16xi32>,
        %swap3A_518 = vector.shape_cast %swap3A_517 : vector<1x16xi32> to vector<16xi32>
        %swap3A_519 = vector.shape_cast %select_n3A_513 : vector<16xi32> to vector<1x16xi32>
        tpu.vector_store %arg18[%swap3A_515, %swap3A_516], %swap3A_519 {strides = array<i32>} : memref<1x128xi32, #tpu.memory_space<vmem>>, vector<1x16xi32>,
        %get3A_520 = arith.index_cast %scan3A_414 : i32 to index
        %get3A_521 = arith.constant 64 : index
        %get3A_522 = tpu.vector_load %arg17[%get3A_520, %get3A_521] {strides = array<i32>} : memref<128x128xi32, #tpu.memory_space<vmem>>, vector<1x16xi32>,
        %get3A_523 = vector.shape_cast %get3A_522 : vector<1x16xi32> to vector<16xi32>
        %ge3A_524 = arith.constant 458752 : i32
        %ge3A_525 = vector.broadcast %ge3A_524 : i32 to vector<16xi32>
        %ge3A_526 = arith.cmpi sge, %get3A_523, %ge3A_525 : vector<16xi32>
        %lt3A_527 = arith.constant 524288 : i32
        %lt3A_528 = vector.broadcast %lt3A_527 : i32 to vector<16xi32>
        %lt3A_529 = arith.cmpi slt, %get3A_523, %lt3A_528 : vector<16xi32>
        %and3A_530 = arith.andi %ge3A_526, %lt3A_529 : vector<16xi1>
        %sub3A_531 = arith.constant 458752 : i32
        %sub3A_532 = vector.broadcast %sub3A_531 : i32 to vector<16xi32>
        %sub3A_533 = arith.subi %get3A_523, %sub3A_532 : vector<16xi32>
        %select_n3A_534 = arith.select %and3A_530, %sub3A_533, %add3A_134 : vector<16xi1>, vector<16xi32>
        %swap3A_535 = arith.constant 0 : i32
        %swap3A_536 = arith.index_cast %swap3A_535 : i32 to index
        %swap3A_537 = arith.constant 64 : index
        %swap3A_538 = tpu.vector_load %arg18[%swap3A_536, %swap3A_537] {strides = array<i32>} : memref<1x128xi32, #tpu.memory_space<vmem>>, vector<1x16xi32>,
        %swap3A_539 = vector.shape_cast %swap3A_538 : vector<1x16xi32> to vector<16xi32>
        %swap3A_540 = vector.shape_cast %select_n3A_534 : vector<16xi32> to vector<1x16xi32>
        tpu.vector_store %arg18[%swap3A_536, %swap3A_537], %swap3A_540 {strides = array<i32>} : memref<1x128xi32, #tpu.memory_space<vmem>>, vector<1x16xi32>,
        %get3A_541 = arith.index_cast %scan3A_414 : i32 to index
        %get3A_542 = arith.constant 80 : index
        %get3A_543 = tpu.vector_load %arg17[%get3A_541, %get3A_542] {strides = array<i32>} : memref<128x128xi32, #tpu.memory_space<vmem>>, vector<1x16xi32>,
        %get3A_544 = vector.shape_cast %get3A_543 : vector<1x16xi32> to vector<16xi32>
        %ge3A_545 = arith.constant 458752 : i32
        %ge3A_546 = vector.broadcast %ge3A_545 : i32 to vector<16xi32>
        %ge3A_547 = arith.cmpi sge, %get3A_544, %ge3A_546 : vector<16xi32>
        %lt3A_548 = arith.constant 524288 : i32
        %lt3A_549 = vector.broadcast %lt3A_548 : i32 to vector<16xi32>
        %lt3A_550 = arith.cmpi slt, %get3A_544, %lt3A_549 : vector<16xi32>
        %and3A_551 = arith.andi %ge3A_547, %lt3A_550 : vector<16xi1>
        %sub3A_552 = arith.constant 458752 : i32
        %sub3A_553 = vector.broadcast %sub3A_552 : i32 to vector<16xi32>
        %sub3A_554 = arith.subi %get3A_544, %sub3A_553 : vector<16xi32>
        %select_n3A_555 = arith.select %and3A_551, %sub3A_554, %add3A_134 : vector<16xi1>, vector<16xi32>
        %swap3A_556 = arith.constant 0 : i32
        %swap3A_557 = arith.index_cast %swap3A_556 : i32 to index
        %swap3A_558 = arith.constant 80 : index
        %swap3A_559 = tpu.vector_load %arg18[%swap3A_557, %swap3A_558] {strides = array<i32>} : memref<1x128xi32, #tpu.memory_space<vmem>>, vector<1x16xi32>,
        %swap3A_560 = vector.shape_cast %swap3A_559 : vector<1x16xi32> to vector<16xi32>
        %swap3A_561 = vector.shape_cast %select_n3A_555 : vector<16xi32> to vector<1x16xi32>
        tpu.vector_store %arg18[%swap3A_557, %swap3A_558], %swap3A_561 {strides = array<i32>} : memref<1x128xi32, #tpu.memory_space<vmem>>, vector<1x16xi32>,
        %get3A_562 = arith.index_cast %scan3A_414 : i32 to index
        %get3A_563 = arith.constant 96 : index
        %get3A_564 = tpu.vector_load %arg17[%get3A_562, %get3A_563] {strides = array<i32>} : memref<128x128xi32, #tpu.memory_space<vmem>>, vector<1x16xi32>,
        %get3A_565 = vector.shape_cast %get3A_564 : vector<1x16xi32> to vector<16xi32>
        %ge3A_566 = arith.constant 458752 : i32
        %ge3A_567 = vector.broadcast %ge3A_566 : i32 to vector<16xi32>
        %ge3A_568 = arith.cmpi sge, %get3A_565, %ge3A_567 : vector<16xi32>
        %lt3A_569 = arith.constant 524288 : i32
        %lt3A_570 = vector.broadcast %lt3A_569 : i32 to vector<16xi32>
        %lt3A_571 = arith.cmpi slt, %get3A_565, %lt3A_570 : vector<16xi32>
        %and3A_572 = arith.andi %ge3A_568, %lt3A_571 : vector<16xi1>
        %sub3A_573 = arith.constant 458752 : i32
        %sub3A_574 = vector.broadcast %sub3A_573 : i32 to vector<16xi32>
        %sub3A_575 = arith.subi %get3A_565, %sub3A_574 : vector<16xi32>
        %select_n3A_576 = arith.select %and3A_572, %sub3A_575, %add3A_134 : vector<16xi1>, vector<16xi32>
        %swap3A_577 = arith.constant 0 : i32
        %swap3A_578 = arith.index_cast %swap3A_577 : i32 to index
        %swap3A_579 = arith.constant 96 : index
        %swap3A_580 = tpu.vector_load %arg18[%swap3A_578, %swap3A_579] {strides = array<i32>} : memref<1x128xi32, #tpu.memory_space<vmem>>, vector<1x16xi32>,
        %swap3A_581 = vector.shape_cast %swap3A_580 : vector<1x16xi32> to vector<16xi32>
        %swap3A_582 = vector.shape_cast %select_n3A_576 : vector<16xi32> to vector<1x16xi32>
        tpu.vector_store %arg18[%swap3A_578, %swap3A_579], %swap3A_582 {strides = array<i32>} : memref<1x128xi32, #tpu.memory_space<vmem>>, vector<1x16xi32>,
        %get3A_583 = arith.index_cast %scan3A_414 : i32 to index
        %get3A_584 = arith.constant 112 : index
        %get3A_585 = tpu.vector_load %arg17[%get3A_583, %get3A_584] {strides = array<i32>} : memref<128x128xi32, #tpu.memory_space<vmem>>, vector<1x16xi32>,
        %get3A_586 = vector.shape_cast %get3A_585 : vector<1x16xi32> to vector<16xi32>
        %ge3A_587 = arith.constant 458752 : i32
        %ge3A_588 = vector.broadcast %ge3A_587 : i32 to vector<16xi32>
        %ge3A_589 = arith.cmpi sge, %get3A_586, %ge3A_588 : vector<16xi32>
        %lt3A_590 = arith.constant 524288 : i32
        %lt3A_591 = vector.broadcast %lt3A_590 : i32 to vector<16xi32>
        %lt3A_592 = arith.cmpi slt, %get3A_586, %lt3A_591 : vector<16xi32>
        %and3A_593 = arith.andi %ge3A_589, %lt3A_592 : vector<16xi1>
        %sub3A_594 = arith.constant 458752 : i32
        %sub3A_595 = vector.broadcast %sub3A_594 : i32 to vector<16xi32>
        %sub3A_596 = arith.subi %get3A_586, %sub3A_595 : vector<16xi32>
        %select_n3A_597 = arith.select %and3A_593, %sub3A_596, %add3A_134 : vector<16xi1>, vector<16xi32>
        %swap3A_598 = arith.constant 0 : i32
        %swap3A_599 = arith.index_cast %swap3A_598 : i32 to index
        %swap3A_600 = arith.constant 112 : index
        %swap3A_601 = tpu.vector_load %arg18[%swap3A_599, %swap3A_600] {strides = array<i32>} : memref<1x128xi32, #tpu.memory_space<vmem>>, vector<1x16xi32>,
        %swap3A_602 = vector.shape_cast %swap3A_601 : vector<1x16xi32> to vector<16xi32>
        %swap3A_603 = vector.shape_cast %select_n3A_597 : vector<16xi32> to vector<1x16xi32>
        tpu.vector_store %arg18[%swap3A_599, %swap3A_600], %swap3A_603 {strides = array<i32>} : memref<1x128xi32, #tpu.memory_space<vmem>>, vector<1x16xi32>,
        %run_scoped3A = arith.constant 0 : i32
        "tpu.region"() ({
          %run_scoped3A_604 = tpu.sem_alloc : memref<!tpu.dma_semaphore, #tpu.memory_space<semaphore_mem>>
          %dma_start3A_605 = arith.constant 0 : i32
          %dma_start3A_606 = tpu.memref_slice %arg18[%run_scoped3A, %dma_start3A_605] : memref<1x128xi32, #tpu.memory_space<vmem>> -> memref<1x128xi32, #tpu.memory_space<vmem>>
          %dma_start3A_607 = tpu.memref_squeeze %dma_start3A_606 : memref<1x128xi32, #tpu.memory_space<vmem>> -> memref<128xi32, #tpu.memory_space<vmem>>
          %dma_start3A_608 = arith.constant 0 : i32
          %dma_start3A_609 = tpu.memref_slice %arg21[%dma_start3A_608] : memref<65792xf32, #tpu.memory_space<vmem_shared>> -> memref<65792xf32, #tpu.memory_space<vmem_shared>>
          tpu.enqueue_indirect_dma source(%arg19 : memref<128xf32, #tpu.memory_space<vmem>>) target(%dma_start3A_609 : memref<65792xf32, #tpu.memory_space<vmem_shared>>) offsets(%dma_start3A_607 : memref<128xi32, #tpu.memory_space<vmem>>) semaphore(%run_scoped3A_604 : memref<!tpu.dma_semaphore, #tpu.memory_space<semaphore_mem>>) {add = true}
          %dma_wait3A_610 = arith.constant 0 : i32
          %dma_wait3A_611 = tpu.memref_slice %arg18[%run_scoped3A, %dma_wait3A_610] : memref<1x128xi32, #tpu.memory_space<vmem>> -> memref<1x128xi32, #tpu.memory_space<vmem>>
          %dma_wait3A_612 = tpu.memref_squeeze %dma_wait3A_611 : memref<1x128xi32, #tpu.memory_space<vmem>> -> memref<128xi32, #tpu.memory_space<vmem>>
          %dma_wait3A_613 = arith.constant 0 : i32
          %dma_wait3A_614 = tpu.memref_slice %arg21[%dma_wait3A_613] : memref<65792xf32, #tpu.memory_space<vmem_shared>> -> memref<65792xf32, #tpu.memory_space<vmem_shared>>
          tpu.wait_indirect_dma semaphore(%run_scoped3A_604 : memref<!tpu.dma_semaphore, #tpu.memory_space<semaphore_mem>>) src(%arg19 : memref<128xf32, #tpu.memory_space<vmem>>) dst(%dma_wait3A_614 : memref<65792xf32, #tpu.memory_space<vmem_shared>>)
          tpu.yield
        }) : () -> ()
      } else {
      }
    }
    %scan3A_358 = arith.constant 128 : i32
    %barrier3A_359 = arith.constant 0 : index
    tpu.barrier barrier_id(%barrier3A_359)
    %mul3A_360 = arith.constant 32 : i32
    %mul3A_361 = arith.muli %arg1, %mul3A_360 : i32
    %mul3A_362 = arith.constant 128 : i32
    %mul3A_363 = arith.muli %mul3A_361, %mul3A_362 : i32
    %mul3A_364 = arith.constant 4096 : i32
    %mul3A_365 = arith.muli %arg0, %mul3A_364 : i32
    %add3A_366 = arith.constant 3584 : i32
    %add3A_367 = arith.addi %mul3A_365, %add3A_366 : i32
    %mul3A_368 = arith.constant 32 : i32
    %mul3A_369 = arith.muli %arg1, %mul3A_368 : i32
    %add3A_370 = arith.addi %add3A_367, %mul3A_369 : i32
    %mul3A_371 = arith.constant 128 : i32
    %mul3A_372 = arith.muli %add3A_370, %mul3A_371 : i32
    "tpu.region"() ({
      %run_scoped3A = tpu.sem_alloc : memref<!tpu.dma_semaphore, #tpu.memory_space<semaphore_mem>>
      %dma_start3A_414 = tpu.memref_slice %arg10[%mul3A_372] : memref<1048576xf32, #tpu.memory_space<hbm>> -> memref<4096xf32, #tpu.memory_space<hbm>>
      %dma_start3A_415 = tpu.memref_slice %arg21[%mul3A_363] : memref<65792xf32, #tpu.memory_space<vmem_shared>> -> memref<4096xf32, #tpu.memory_space<vmem_shared>>
      tpu.enqueue_dma source(%dma_start3A_415 : memref<4096xf32, #tpu.memory_space<vmem_shared>>) target(%dma_start3A_414 : memref<4096xf32, #tpu.memory_space<hbm>>) target_semaphore(%run_scoped3A : memref<!tpu.dma_semaphore, #tpu.memory_space<semaphore_mem>>)
      %dma_wait3A_416 = tpu.memref_slice %arg10[%mul3A_372] : memref<1048576xf32, #tpu.memory_space<hbm>> -> memref<4096xf32, #tpu.memory_space<hbm>>
      %dma_wait3A_417 = tpu.memref_slice %arg21[%mul3A_363] : memref<65792xf32, #tpu.memory_space<vmem_shared>> -> memref<4096xf32, #tpu.memory_space<vmem_shared>>
      tpu.wait_dma2 semaphore(%run_scoped3A : memref<!tpu.dma_semaphore, #tpu.memory_space<semaphore_mem>>) src(%dma_wait3A_417 : memref<4096xf32, #tpu.memory_space<vmem_shared>>) dst(%dma_wait3A_416 : memref<4096xf32, #tpu.memory_space<hbm>>)
      tpu.yield
    }) : () -> ()
    %barrier3A_373 = arith.constant 0 : index
    tpu.barrier barrier_id(%barrier3A_373)
    %dma_wait3A_374 = arith.constant 0 : i32
    %dma_wait3A_375 = arith.constant 0 : i32
    %dma_wait3A_376 = arith.constant 0 : i32
    %dma_wait3A_377 = tpu.memref_slice %arg14[%dma_wait3A_375, %dma_wait3A_376] : memref<256x128xf32, #tpu.memory_space<vmem>> -> memref<128x128xf32, #tpu.memory_space<vmem>>
    %dma_wait3A_378 = arith.constant 0 : i32
    %dma_wait3A_379 = tpu.memref_slice %arg11[%dma_wait3A_374, %dma_wait3A_378] : memref<2x128xi32, #tpu.memory_space<vmem>> -> memref<1x128xi32, #tpu.memory_space<vmem>>
    %dma_wait3A_380 = tpu.memref_squeeze %dma_wait3A_379 : memref<1x128xi32, #tpu.memory_space<vmem>> -> memref<128xi32, #tpu.memory_space<vmem>>
    %dma_wait3A_381 = arith.constant 0 : i32
    %dma_wait3A_382 = arith.constant 0 : i32
    %dma_wait3A_383 = tpu.memref_slice %arg5[%dma_wait3A_381, %dma_wait3A_382] : memref<50000x128xf32, #tpu.memory_space<hbm>> -> memref<50000x128xf32, #tpu.memory_space<hbm>>
    tpu.wait_indirect_dma semaphore(%arg22 : memref<!tpu.dma_semaphore, #tpu.memory_space<semaphore_mem>>) src(%dma_wait3A_383 : memref<50000x128xf32, #tpu.memory_space<hbm>>) dst(%dma_wait3A_377 : memref<128x128xf32, #tpu.memory_space<vmem>>)
    %dma_wait3A_384 = arith.constant 1 : i32
    %dma_wait3A_385 = arith.constant 128 : i32
    %dma_wait3A_386 = arith.constant 0 : i32
    %dma_wait3A_387 = tpu.memref_slice %arg14[%dma_wait3A_385, %dma_wait3A_386] : memref<256x128xf32, #tpu.memory_space<vmem>> -> memref<128x128xf32, #tpu.memory_space<vmem>>
    %dma_wait3A_388 = arith.constant 0 : i32
    %dma_wait3A_389 = tpu.memref_slice %arg11[%dma_wait3A_384, %dma_wait3A_388] : memref<2x128xi32, #tpu.memory_space<vmem>> -> memref<1x128xi32, #tpu.memory_space<vmem>>
    %dma_wait3A_390 = tpu.memref_squeeze %dma_wait3A_389 : memref<1x128xi32, #tpu.memory_space<vmem>> -> memref<128xi32, #tpu.memory_space<vmem>>
    %dma_wait3A_391 = arith.constant 0 : i32
    %dma_wait3A_392 = arith.constant 0 : i32
    %dma_wait3A_393 = tpu.memref_slice %arg5[%dma_wait3A_391, %dma_wait3A_392] : memref<50000x128xf32, #tpu.memory_space<hbm>> -> memref<50000x128xf32, #tpu.memory_space<hbm>>
    tpu.wait_indirect_dma semaphore(%arg22 : memref<!tpu.dma_semaphore, #tpu.memory_space<semaphore_mem>>) src(%dma_wait3A_393 : memref<50000x128xf32, #tpu.memory_space<hbm>>) dst(%dma_wait3A_387 : memref<128x128xf32, #tpu.memory_space<vmem>>)
    %dma_wait3A_394 = arith.constant 0 : i32
    %dma_wait3A_395 = arith.constant 0 : i32
    %dma_wait3A_396 = arith.constant 0 : i32
    %dma_wait3A_397 = tpu.memref_slice %arg15[%dma_wait3A_395, %dma_wait3A_396] : memref<256x128xf32, #tpu.memory_space<vmem>> -> memref<128x128xf32, #tpu.memory_space<vmem>>
    %dma_wait3A_398 = arith.constant 0 : i32
    %dma_wait3A_399 = tpu.memref_slice %arg12[%dma_wait3A_394, %dma_wait3A_398] : memref<2x128xi32, #tpu.memory_space<vmem>> -> memref<1x128xi32, #tpu.memory_space<vmem>>
    %dma_wait3A_400 = tpu.memref_squeeze %dma_wait3A_399 : memref<1x128xi32, #tpu.memory_space<vmem>> -> memref<128xi32, #tpu.memory_space<vmem>>
    %dma_wait3A_401 = arith.constant 0 : i32
    %dma_wait3A_402 = arith.constant 0 : i32
    %dma_wait3A_403 = tpu.memref_slice %arg6[%dma_wait3A_401, %dma_wait3A_402] : memref<500x128xf32, #tpu.memory_space<hbm>> -> memref<500x128xf32, #tpu.memory_space<hbm>>
    tpu.wait_indirect_dma semaphore(%arg22 : memref<!tpu.dma_semaphore, #tpu.memory_space<semaphore_mem>>) src(%dma_wait3A_403 : memref<500x128xf32, #tpu.memory_space<hbm>>) dst(%dma_wait3A_397 : memref<128x128xf32, #tpu.memory_space<vmem>>)
    %dma_wait3A_404 = arith.constant 1 : i32
    %dma_wait3A_405 = arith.constant 128 : i32
    %dma_wait3A_406 = arith.constant 0 : i32
    %dma_wait3A_407 = tpu.memref_slice %arg15[%dma_wait3A_405, %dma_wait3A_406] : memref<256x128xf32, #tpu.memory_space<vmem>> -> memref<128x128xf32, #tpu.memory_space<vmem>>
    %dma_wait3A_408 = arith.constant 0 : i32
    %dma_wait3A_409 = tpu.memref_slice %arg12[%dma_wait3A_404, %dma_wait3A_408] : memref<2x128xi32, #tpu.memory_space<vmem>> -> memref<1x128xi32, #tpu.memory_space<vmem>>
    %dma_wait3A_410 = tpu.memref_squeeze %dma_wait3A_409 : memref<1x128xi32, #tpu.memory_space<vmem>> -> memref<128xi32, #tpu.memory_space<vmem>>
    %dma_wait3A_411 = arith.constant 0 : i32
    %dma_wait3A_412 = arith.constant 0 : i32
    %dma_wait3A_413 = tpu.memref_slice %arg6[%dma_wait3A_411, %dma_wait3A_412] : memref<500x128xf32, #tpu.memory_space<hbm>> -> memref<500x128xf32, #tpu.memory_space<hbm>>
    tpu.wait_indirect_dma semaphore(%arg22 : memref<!tpu.dma_semaphore, #tpu.memory_space<semaphore_mem>>) src(%dma_wait3A_413 : memref<500x128xf32, #tpu.memory_space<hbm>>) dst(%dma_wait3A_407 : memref<128x128xf32, #tpu.memory_space<vmem>>)
    "tpu.region"() ({
      %run_scoped3A = tpu.sem_alloc : memref<!tpu.dma_semaphore, #tpu.memory_space<semaphore_mem>>
      %dma_start3A_414 = arith.constant 0 : i32
      %dma_start3A_415 = tpu.memref_slice %arg8[%mul3A_4, %dma_start3A_414] : memref<8192x128xf32, #tpu.memory_space<hbm>> -> memref<256x128xf32, #tpu.memory_space<hbm>>
      %dma_start3A_416 = arith.constant 0 : i32
      %dma_start3A_417 = tpu.memref_slice %arg8[%mul3A_4, %dma_start3A_416] : memref<8192x128xf32, #tpu.memory_space<hbm>> -> memref<256x128xf32, #tpu.memory_space<hbm>>
      tpu.enqueue_dma source(%arg14 : memref<256x128xf32, #tpu.memory_space<vmem>>) target(%dma_start3A_417 : memref<256x128xf32, #tpu.memory_space<hbm>>) target_semaphore(%run_scoped3A : memref<!tpu.dma_semaphore, #tpu.memory_space<semaphore_mem>>)
      %dma_wait3A_418 = arith.constant 0 : i32
      %dma_wait3A_419 = tpu.memref_slice %arg8[%mul3A_4, %dma_wait3A_418] : memref<8192x128xf32, #tpu.memory_space<hbm>> -> memref<256x128xf32, #tpu.memory_space<hbm>>
      %dma_wait3A_420 = arith.constant 0 : i32
      %dma_wait3A_421 = tpu.memref_slice %arg8[%mul3A_4, %dma_wait3A_420] : memref<8192x128xf32, #tpu.memory_space<hbm>> -> memref<256x128xf32, #tpu.memory_space<hbm>>
      tpu.wait_dma2 semaphore(%run_scoped3A : memref<!tpu.dma_semaphore, #tpu.memory_space<semaphore_mem>>) src(%arg14 : memref<256x128xf32, #tpu.memory_space<vmem>>) dst(%dma_wait3A_421 : memref<256x128xf32, #tpu.memory_space<hbm>>)
      tpu.yield
    }) : () -> ()
    "tpu.region"() ({
      %run_scoped3A = tpu.sem_alloc : memref<!tpu.dma_semaphore, #tpu.memory_space<semaphore_mem>>
      %dma_start3A_414 = arith.constant 0 : i32
      %dma_start3A_415 = tpu.memref_slice %arg9[%mul3A_4, %dma_start3A_414] : memref<8192x128xf32, #tpu.memory_space<hbm>> -> memref<256x128xf32, #tpu.memory_space<hbm>>
      %dma_start3A_416 = arith.constant 0 : i32
      %dma_start3A_417 = tpu.memref_slice %arg9[%mul3A_4, %dma_start3A_416] : memref<8192x128xf32, #tpu.memory_space<hbm>> -> memref<256x128xf32, #tpu.memory_space<hbm>>
      tpu.enqueue_dma source(%arg15 : memref<256x128xf32, #tpu.memory_space<vmem>>) target(%dma_start3A_417 : memref<256x128xf32, #tpu.memory_space<hbm>>) target_semaphore(%run_scoped3A : memref<!tpu.dma_semaphore, #tpu.memory_space<semaphore_mem>>)
      %dma_wait3A_418 = arith.constant 0 : i32
      %dma_wait3A_419 = tpu.memref_slice %arg9[%mul3A_4, %dma_wait3A_418] : memref<8192x128xf32, #tpu.memory_space<hbm>> -> memref<256x128xf32, #tpu.memory_space<hbm>>
      %dma_wait3A_420 = arith.constant 0 : i32
      %dma_wait3A_421 = tpu.memref_slice %arg9[%mul3A_4, %dma_wait3A_420] : memref<8192x128xf32, #tpu.memory_space<hbm>> -> memref<256x128xf32, #tpu.memory_space<hbm>>
      tpu.wait_dma2 semaphore(%run_scoped3A : memref<!tpu.dma_semaphore, #tpu.memory_space<semaphore_mem>>) src(%arg15 : memref<256x128xf32, #tpu.memory_space<vmem>>) dst(%dma_wait3A_421 : memref<256x128xf32, #tpu.memory_space<hbm>>)
      tpu.yield
    }) : () -> ()
    return
  }
}

module attributes {stable_mosaic.version = 14 : i64} {
  func.func @_tc_body(%arg0: memref<8192x128xf32, #tpu.memory_space<vmem>>, %arg1: memref<8192x128xf32, #tpu.memory_space<vmem>>, %arg2: memref<8192x128xf32, #tpu.memory_space<vmem>>, %arg3: memref<128x64xf32, #tpu.memory_space<vmem>>, %arg4: memref<8192x1xi32, #tpu.memory_space<vmem>>, %arg5: memref<8192x1xi32, #tpu.memory_space<vmem>>, %arg6: memref<4096x1xf32, #tpu.memory_space<vmem>>) attributes {dimension_semantics = [], scalar_prefetch = 0 : i64, scratch_operands = 0 : i64, tpu.core_type = #tpu.core_type<tc>} {
    %get3A = arith.constant 0 : index
    %get3A_0 = arith.constant 0 : index
    %get3A_1 = vector.load %arg0[%get3A, %get3A_0] : memref<8192x128xf32, #tpu.memory_space<vmem>>, vector<8192x128xf32>
    %get3A_2 = arith.constant 0 : index
    %get3A_3 = arith.constant 0 : index
    %get3A_4 = vector.load %arg1[%get3A_2, %get3A_3] : memref<8192x128xf32, #tpu.memory_space<vmem>>, vector<8192x128xf32>
    %get3A_5 = arith.constant 0 : index
    %get3A_6 = arith.constant 0 : index
    %get3A_7 = vector.load %arg4[%get3A_5, %get3A_6] : memref<8192x1xi32, #tpu.memory_space<vmem>>, vector<8192x1xi32>
    %eq3A = arith.constant 0 : i32
    %eq3A_8 = vector.broadcast %eq3A : i32 to vector<8192x1xi32>
    %eq3A_9 = arith.cmpi eq, %get3A_7, %eq3A_8 : vector<8192x1xi32>
    %slice3A = vector.extract_strided_slice %get3A_1 {offsets = [0, 0], sizes = [8192, 64], strides = [1, 1]} : vector<8192x128xf32> to vector<8192x64xf32>
    %slice3A_10 = vector.extract_strided_slice %get3A_1 {offsets = [0, 64], sizes = [8192, 64], strides = [1, 1]} : vector<8192x128xf32> to vector<8192x64xf32>
    %broadcast_in_dim3A = vector.shape_cast %eq3A_9 : vector<8192x1xi1> to vector<8192x1xi1>
    %broadcast_in_dim3A_11 = vector.broadcast %broadcast_in_dim3A : vector<8192x1xi1> to vector<8192x64xi1>
    %select_n3A = arith.select %broadcast_in_dim3A_11, %slice3A, %slice3A_10 : vector<8192x64xi1>, vector<8192x64xf32>
    %get3A_12 = arith.constant 0 : index
    %get3A_13 = arith.constant 0 : index
    %get3A_14 = vector.load %arg5[%get3A_12, %get3A_13] : memref<8192x1xi32, #tpu.memory_space<vmem>>, vector<8192x1xi32>
    %eq3A_15 = arith.constant 0 : i32
    %eq3A_16 = vector.broadcast %eq3A_15 : i32 to vector<8192x1xi32>
    %eq3A_17 = arith.cmpi eq, %get3A_14, %eq3A_16 : vector<8192x1xi32>
    %slice3A_18 = vector.extract_strided_slice %get3A_4 {offsets = [0, 0], sizes = [8192, 64], strides = [1, 1]} : vector<8192x128xf32> to vector<8192x64xf32>
    %slice3A_19 = vector.extract_strided_slice %get3A_4 {offsets = [0, 64], sizes = [8192, 64], strides = [1, 1]} : vector<8192x128xf32> to vector<8192x64xf32>
    %broadcast_in_dim3A_20 = vector.shape_cast %eq3A_17 : vector<8192x1xi1> to vector<8192x1xi1>
    %broadcast_in_dim3A_21 = vector.broadcast %broadcast_in_dim3A_20 : vector<8192x1xi1> to vector<8192x64xi1>
    %select_n3A_22 = arith.select %broadcast_in_dim3A_21, %slice3A_18, %slice3A_19 : vector<8192x64xi1>, vector<8192x64xf32>
    %mul3A = arith.mulf %select_n3A, %select_n3A : vector<8192x64xf32>
    %reduce_sum3A = arith.constant dense<0.000000e+00> : vector<8192xf32>
    %reduce_sum3A_23 = vector.multi_reduction <add>, %mul3A, %reduce_sum3A [1] : vector<8192x64xf32> to vector<8192xf32>
    %broadcast_in_dim3A_24 = vector.shape_cast %reduce_sum3A_23 : vector<8192xf32> to vector<8192x1xf32>
    %rsqrt3A = math.rsqrt %broadcast_in_dim3A_24 : vector<8192x1xf32>
    %get3A_25 = arith.constant 0 : index
    %get3A_26 = arith.constant 0 : index
    %get3A_27 = vector.load %arg2[%get3A_25, %get3A_26] : memref<8192x128xf32, #tpu.memory_space<vmem>>, vector<8192x128xf32>
    %get3A_28 = arith.constant 0 : index
    %get3A_29 = arith.constant 0 : index
    %get3A_30 = vector.load %arg3[%get3A_28, %get3A_29] : memref<128x64xf32, #tpu.memory_space<vmem>>, vector<128x64xf32>
    %dot_general3A = arith.constant dense<0.000000e+00> : vector<8192x64xf32>
    %dot_general3A_31 = tpu.matmul %get3A_27, %get3A_30, %dot_general3A {dimension_numbers = #tpu.dot_dimension_numbers<[1], [0], [0], [1], [0, 0, 1, 1], [], []>, transpose_lhs_hint = false} : vector<8192x128xf32>, vector<128x64xf32>, vector<8192x64xf32> -> vector<8192x64xf32>
    %mul3A_32 = vector.broadcast %rsqrt3A : vector<8192x1xf32> to vector<8192x64xf32>
    %mul3A_33 = arith.mulf %select_n3A, %mul3A_32 : vector<8192x64xf32>
    %add3A = arith.addf %mul3A_33, %select_n3A_22 : vector<8192x64xf32>
    %sub3A = arith.subf %add3A, %dot_general3A_31 : vector<8192x64xf32>
    %abs3A = math.absf %sub3A : vector<8192x64xf32>
    %reduce_sum3A_34 = arith.constant dense<0.000000e+00> : vector<8192xf32>
    %reduce_sum3A_35 = vector.multi_reduction <add>, %abs3A, %reduce_sum3A_34 [1] : vector<8192x64xf32> to vector<8192xf32>
    %broadcast_in_dim3A_36 = vector.shape_cast %reduce_sum3A_35 : vector<8192xf32> to vector<8192x1xf32>
    %slice3A_37 = vector.extract_strided_slice %broadcast_in_dim3A_36 {offsets = [0, 0], sizes = [4096, 1], strides = [1, 1]} : vector<8192x1xf32> to vector<4096x1xf32>
    %slice3A_38 = vector.extract_strided_slice %broadcast_in_dim3A_36 {offsets = [4096, 0], sizes = [4096, 1], strides = [1, 1]} : vector<8192x1xf32> to vector<4096x1xf32>
    %sub3A_39 = arith.subf %slice3A_37, %slice3A_38 : vector<4096x1xf32>
    %add3A_40 = arith.constant 1.000000e+00 : f32
    %add3A_41 = vector.broadcast %add3A_40 : f32 to vector<4096x1xf32>
    %add3A_42 = arith.addf %sub3A_39, %add3A_41 : vector<4096x1xf32>
    %max3A = arith.constant 0.000000e+00 : f32
    %max3A_43 = vector.broadcast %max3A : f32 to vector<4096x1xf32>
    %max3A_44 = arith.maximumf %add3A_42, %max3A_43 : vector<4096x1xf32>
    %swap3A = arith.constant 0 : index
    %swap3A_45 = arith.constant 0 : index
    %swap3A_46 = vector.load %arg6[%swap3A, %swap3A_45] : memref<4096x1xf32, #tpu.memory_space<vmem>>, vector<4096x1xf32>
    tpu.vector_store %arg6[%swap3A, %swap3A_45], %max3A_44 {strides = array<i32>} : memref<4096x1xf32, #tpu.memory_space<vmem>>, vector<4096x1xf32>,
    return
  }
}

</mosaic_0001>

<sc_bundles>
// kernel: kernel.4.cloned.1.call-start
scs
__scs_entry_jumppad:
0x0: {  	(pc) =	sbr.rel $0x88, $3  }
0x1: {  	(tag) =	ssettag $0x0;
	lr =	simm.s32 $0x1  }
0x2: {  	[smem:$0x3F9B] =	sst lr;
	_ =	strace $0xD0000000  }
0x3: {  	_ = 	snop  }
0x4: {  	_ = 	snop  }
0x5: {  	_ = 	snop  }
0x6: {  	_ = 	snop  }
0x7: {  	_ = 	snop  }
__scs_overlays_trampoline_lowered:
0x8: {  	[smem:$0x3FAA] =	sst s0  }
0x9: {  	[smem:$0x3FAB] =	sst s1  }
0xa: {  	[smem:$0x3FAC] =	sst s2  }
0xb: {  	[smem:$0x3FAD] =	sst s3  }
0xc: {  	[smem:$0x3FAE] =	sst s4  }
0xd: {  	[smem:$0x3FAF] =	sst s5  }
0xe: {  	[smem:$0x3FB0] =	sst s6  }
0xf: {  	[smem:$0x3FB1] =	sst s7  }
0x10: {  	[smem:$0x3FB2] =	sst s8  }
0x11: {  	[smem:$0x3FB3] =	sst s9;
	s0 =	simm.s32 @!p0 $0x0  }
0x12: {  	s1 =	sld [smem:$0x3F99];
	s0 =	simm.s32 @p0 $0x1  }
0x13: {  	[smem:$0x3FB4] =	sst s0;
	s0 =	simm.s32 @!p1 $0x0  }
0x14: {  	s2 =	sld [smem:$0x3F98];
	s0 =	simm.s32 @p1 $0x1  }
0x15: {  	[smem:$0x3FB5] =	sst s0;
	s0 =	simm.s32 @!p2 $0x0  }
0x16: {  	s3 =	sld [smem:$0x3FDB];
	s0 =	simm.s32 @p2 $0x1  }
0x17: {  	s4 =	simm.s32 $0x1BF5;
	[smem:$0x3FB7] =	sst s0  }
0x18: {  	s0 =	sld [smem:$0x3F9A];
	_ =	swait.ge [sflag:s4], $0x0  }
0x19: {  	s7 =	sld [smem:$0x3F9B]  }
0x1a: {  	s8 =	sadd.s32 $0xFFFFE003, lr  }
0x1b: {  	s9 =	sadd.s32 $0xFFFFFEF7, lr;
	s5 =	simm.s32 $0xFFFFFFFF;
	p2 =	slt.u32 s8, $0xFFFFF086  }
0x1c: {  	p1 =	slt.u32 s9, $0xF7A;
	s5 =	simm.s32 @!p2 $0x0  }
0x1d: {  	s5 =	simm.s32 @p1 $0x1;
	p0 =	seq.s32 s7, s2  }
0x1e: {  	s7 =	smul.u32 @!p0 $0xF7A, s2;
	p2 =	seq.s32 @!p0 s5, $0x0  }
0x1f: {  	s9 =	smul.u32 $0xF7A, s1;
	s8 =	simm.s32 @!p0 $0x1BF5;
	p2 =	por !p2, p0  }
0x20: {  	[sflag:s8] =	ssyncset.s32 @!p0 $0xFFFFF086;
	s6 =	sadd.s32 @!p0 s3, s7;
	s7 =	simm.s32 @!p0 $0x108  }
0x21: {  	s3 =	sadd.s32 s3, s9;
	s6 =	sadd.s32 @!p0 $0x88, s6;
	s7 =	simm.s32 @p2 $0x1082  }
0x22: {  	[simem:s7], [sflag:s8] =	dma.local @!p0 [hbm:s6], $0xF7A  }
0x23: {  	s9 =	sor.u32 $0xD0000000, s2;
	s6 =	simm.s32 $0x108;
	_ =	swait.ge @!p0 [sflag:s8], $0x0  }
0x24: {  	s3 =	sadd.s32 $0x88, s3;
	s6 =	simm.s32 @!p1 $0x1082;
	[sflag:s4] =	ssyncset.s32 $0xFFFFF086  }
0x25: {  	[simem:s6], [sflag:s4] =	dma.local [hbm:s3], $0xF7A  }
0x26: {  	[smem:$0x3F9B] =	sst s1;
	(tag) =	ssettag s2;
	_ =	strace s9  }
0x27: {  	s1 =	sld [smem:$0x3FAB]  }
0x28: {  	s2 =	sld [smem:$0x3FAC]  }
0x29: {  	s4 =	sld [smem:$0x3FAE]  }
0x2a: {  	p0 =	seq.s32 s5, $0x0;
	s5 =	sld [smem:$0x3FAF]  }
0x2b: {  	s6 =	sld [smem:$0x3FB0]  }
0x2c: {  	s7 =	sld [smem:$0x3FB1]  }
0x2d: {  	s3 =	simm.s32 $0x108;
	s8 =	sld [smem:$0x3FB2]  }
0x2e: {  	s3 =	simm.s32 @!p0 $0x1082;
	s9 =	sld [smem:$0x3FB3]  }
0x2f: {  	lr =	sadd.s32 s0, s3;
	s0 =	sld [smem:$0x3FAA]  }
0x30: {  	s3 =	sld [smem:$0x3FAD]  }
0x31: {  	[smem:$0x3FB6] =	sst s10  }
0x32: {  	s10 =	sld [smem:$0x3FB4];
	_ =	sdelay $0x3  }
0x33: {  	p0 =	seq.s32 s10, $0x1;
	s10 =	sld [smem:$0x3FB6];
	_ =	sdelay $0x3  }
0x34: {  	[smem:$0x3FB6] =	sst s10  }
0x35: {  	s10 =	sld [smem:$0x3FB5];
	_ =	sdelay $0x3  }
0x36: {  	p1 =	seq.s32 s10, $0x1;
	s10 =	sld [smem:$0x3FB6];
	_ =	sdelay $0x3  }
0x37: {  	[smem:$0x3FB6] =	sst s10  }
0x38: {  	s10 =	sld [smem:$0x3FB7]  }
0x39: {  	_ = 	snop;
	(pc) =	sbr.ind lr, $3  }
0x3a: {  	_ = 	snop  }
0x3b: {  	_ = 	snop  }
0x3c: {  	p2 =	seq.s32 s10, $0x1;
	s10 =	sld [smem:$0x3FB6]  }
0x3d: {  	_ =	shalt  }
0x3e: {  	_ =	shalt  }
0x3f: {  	_ =	shalt  }
0x40: {  	_ =	shalt  }
0x41: {  	_ =	shalt  }
0x42: {  	_ =	shalt  }
0x43: {  	_ =	shalt  }
0x44: {  	_ =	shalt  }
0x45: {  	_ =	shalt  }
0x46: {  	_ =	shalt  }
0x47: {  	_ =	shalt  }
0x48: {  	_ =	shalt  }
0x49: {  	_ =	shalt  }
0x4a: {  	_ =	shalt  }
0x4b: {  	_ =	shalt  }
0x4c: {  	_ =	shalt  }
0x4d: {  	_ =	shalt  }
0x4e: {  	_ =	shalt  }
0x4f: {  	_ =	shalt  }
0x50: {  	_ =	shalt  }
0x51: {  	_ =	shalt  }
0x52: {  	_ =	shalt  }
0x53: {  	_ =	shalt  }
0x54: {  	_ =	shalt  }
0x55: {  	_ =	shalt  }
0x56: {  	_ =	shalt  }
0x57: {  	_ =	shalt  }
0x58: {  	_ =	shalt  }
0x59: {  	_ =	shalt  }
0x5a: {  	_ =	shalt  }
0x5b: {  	_ =	shalt  }
0x5c: {  	_ =	shalt  }
0x5d: {  	_ =	shalt  }
0x5e: {  	_ =	shalt  }
0x5f: {  	_ =	shalt  }
0x60: {  	_ =	shalt  }
0x61: {  	_ =	shalt  }
0x62: {  	_ =	shalt  }
0x63: {  	_ =	shalt  }
0x64: {  	_ =	shalt  }
0x65: {  	_ =	shalt  }
0x66: {  	_ =	shalt  }
0x67: {  	_ =	shalt  }
0x68: {  	_ =	shalt  }
0x69: {  	_ =	shalt  }
0x6a: {  	_ =	shalt  }
0x6b: {  	_ =	shalt  }
0x6c: {  	_ =	shalt  }
0x6d: {  	_ =	shalt  }
0x6e: {  	_ =	shalt  }
0x6f: {  	_ =	shalt  }
0x70: {  	_ =	shalt  }
0x71: {  	_ =	shalt  }
0x72: {  	_ =	shalt  }
0x73: {  	_ =	shalt  }
0x74: {  	_ =	shalt  }
0x75: {  	_ =	shalt  }
0x76: {  	_ =	shalt  }
0x77: {  	_ =	shalt  }
0x78: {  	_ =	shalt  }
0x79: {  	_ =	shalt  }
0x7a: {  	_ =	shalt  }
0x7b: {  	_ =	shalt  }
0x7c: {  	_ =	shalt  }
0x7d: {  	_ =	shalt  }
0x7e: {  	_ =	shalt  }
0x7f: {  	_ =	shalt  }
0x80: {  	_ =	shalt  }
0x81: {  	_ =	shalt  }
0x82: {  	_ =	shalt  }
0x83: {  	_ =	shalt  }
0x84: {  	_ =	shalt  }
0x85: {  	_ =	shalt  }
0x86: {  	_ =	shalt  }
0x87: {  	_ =	shalt  }
.Lfunc_end0:
.L_simem_size_0:
called_computation_lowered:
.L_overlay_start_0:
0x88: {  	s2 =	sld [smem:$0x3FD9]  }
0x89: {  	s3 =	sld [smem:$0x3FFE];
	_ =	sdelay $0x1  }
0x8a: {  	s1 =	srdreg.scid  }
0x8b: {  	s0 =	sand.u32 $0x1, s1  }
0x8c: {  	s16 =	sshll.u32 s0, $0xA;
	s2 =	sadd.s32 s3, s2  }
0x8d: {  	s2 =	sadd.s32 s2, s16  }
0x8e: {  	[smem:$0x3FC2] =	sst s2  }
0x8f: {  	_ = 	snop  }
0x90: {  	(tm) =	ssettm $0x1  }
0x91: {  	s17 =	sld [smem:$0x3FFB];
	_ =	sdelay $0x3  }
0x92: {  	_ =	strace s17  }
0x93: {  	s2 =	sld [smem:$0x3FFC];
	_ =	sdelay $0x3  }
0x94: {  	_ =	strace s2  }
0x95: {  	s2 =	sld [smem:$0x3FFD];
	_ =	sdelay $0x3  }
0x96: {  	_ =	strace s2  }
0x97: {  	_ =	strace $0x8FFFFFFF  }
0x98: {  	s18 =	sld [smem:$0x3FDB];
	_ =	sdelay $0x1  }
0x99: {  	s19 =	simm.s32 $_scs_section_size  }
0x9a: {  	s4 =	simm.s32 $_size__tile_overlayer_lowered;
	s5 =	simm.s32 $_tile_overlayer_lowered  }
0x9b: {  	s22 =	simm.s32 $0x1BFF;
	s21 =	sshll.u32 s5, $0x1;
	s2 =	sadd.s32 s19, s18  }
0x9c: {  	s6 =	simm.s32 $0x0;
	s20 =	sshll.u32 s4, $0x1;
	s4 =	sadd.s32 s21, s2  }
0x9d: {  	[timem:s6], [sflag:s22] =	dma.local [hbm:s4], s20  }
0x9e: {  	_ =	swait.ge [sflag:s22], s20  }
0x9f: {  	s3 =	ssub.s32 $0x0, s20;
	[sflag:s22] =	ssyncset.done $0x0  }
0xa0: {  	[sflag:s22] =	ssyncadd.s32 s3;
	_ =	sdelay $0x1  }
0xa1: {  	s23 =	simm.s32 $0x1B8B  }
0xa2: {  	_ =	swait.ge [sflag:s23], $0x1  }
0xa3: {  	[sflag:s23] =	ssyncset.done $0x0  }
0xa4: {  	s25 =	simm.s32 $0x1B8E;
	s24 =	sld [smem:$0x3FFE];
	[sflag:s23] =	ssyncadd.s32 $0xFFFFFFFF  }
0xa5: {  	s26 =	simm.s32 $execute0_lowered;
	[smem:$0x3FD2] =	sst s25  }
0xa6: {  	s4 =	sshll.u32 s26, $0x1;
	_ =	strace $0x80000046;
	[dreg:$0x1] =	wrdreg $0xFFFFFFFF  }
0xa7: {  	s28 =	simm.s32 $_size_execute0_lowered;
	s2 =	sadd.s32 s2, s4;
	[dreg:$0x0] =	wrdreg $0x0  }
0xa8: {  	s4 =	sshll.u32 s28, $0x1;
	[dreg:$0x2] =	wrdreg s2  }
0xa9: {  	[dreg:$0x3] =	wrdreg s4  }
0xaa: {  	[dreg:$0x4] =	wrdreg $0xC0  }
0xab: {  	_ =	task [dreg:s6], $0x5FFFF  }
0xac: {  	[dreg:$0x1] =	wrdreg $0xFFFFFFFF  }
0xad: {  	[dreg:$0x0] =	wrdreg $0x60  }
0xae: {  	[dreg:$0x2] =	wrdreg s24  }
0xaf: {  	[dreg:$0x3] =	wrdreg $0x1D4100  }
0xb0: {  	[dreg:$0x4] =	wrdreg $0x9  }
0xb1: {  	_ =	task.clear_ibuf [dreg:s6], $0x5FFFF;
	_ =	strace $0x90000046  }
0xb2: {  	s29 =	simm.s32 $0x9;
	_ =	strace $0x80000048  }
0xb3: {  	_ =	swait.ge [sflag:s29], $0x1  }
0xb4: {  	[sflag:s29] =	ssyncadd.s32 $0xFFFFFFFF  }
0xb5: {  	_ =	strace $0x90000048  }
0xb6: {  	_ =	sfence  }
0xb7: {  	s30 =	sld [smem:$0x0];
	_ =	sdelay $0x2  }
0xb8: {  	s31 =	sshll.u32 s1, $0xD;
	s1 =	sshrl.u32 s1, $0x2  }
0xb9: {  	s3 =	sand.u32 $0x4000, s31;
	s1 =	sadd.s32 s1, s30  }
0xba: {  	s0 =	sor.u32 s3, s0;
	s1 =	sshll.u32 s1, $0x11  }
0xbb: {  	s0 =	sor.u32 s1, s0  }
0xbc: {  	s0 =	sadd.s32 $0x8F2B, s0  }
0xbd: {  	[sflag:s0] =	ssyncadd.remote.s32 $0x1  }
0xbe: {  	_ =	sfence.sel $0xFFFF  }
0xbf: {  	[dreg:$0x0] =	wrdreg $0xFFFFFFFF;
	(pc) =	sbr.abs _section_cstart, $3  }
0xc0: {  	[dreg:$0x1] =	wrdreg $0xFFFFFFFF  }
0xc1: {  	_ =	task.clear_ibuf [dreg:s6], $0x2FFFF;
	_ =	strace $0x9FFFFFFF  }
0xc2: {  	(tm) =	ssettm $0x7FFFFFFF  }
0xc3: {  	_ =	shalt  }
tec
execute0_lowered:
.L_overlay_start_1:
0x0: {  	(tag) =	ssettag $0x1  }
0x1: {  	s0 =	rddreg [dreg:$0x0]  }
0x2: {  	s1 =	rddreg [dreg:$0x1]  }
0x3: {  	s2 =	srdreg.scid;
	s3 =	simm.s32 $0x0;
	s12 =	stileid.u32  }
0x4: {  	s30 =	simm.s32 $0x80;
	s31 =	simm.s32 $0x8300;
	s13 =	simm.s32 $0x1  }
0x5: {  	s14 =	simm.s32 $0x0;
	s2 =	sand.u32 $0x1, s2;
	[smem:$0x7FF] =	sst s3  }
0x6: {  	s5 =	sadd.s32 $0x1C9400, s0;
	s10 =	sshll.u32 s12, $0x9;
	s4 =	sshll.u32 s2, $0x4  }
0x7: {  	s11 =	smul.u32 $0x4040, s12;
	s6 =	sadd.s32 $0x413400, s0;
	s7 =	sor.u32 s12, s4  }
0x8: {  	s29 =	sshll.u32 s12, $0xC;
	s9 =	sshll.u32 s2, $0x10;
	s4 =	sshll.u32 s7, $0x5  }
0x9: {  	_ =	strace $0x80000047;
	s9 =	sor.u32 s10, s9;
	s8 =	sadd.s32 s4, s0  }
0xa: {  	s7 =	sshll.u32 s7, $0xC;
	s4 =	sadd.s32 $0x34FE00, s0;
	s18 =	sadd.s32 $0x2E00, s8  }
0xb: {  	s7 =	sadd.s32 s7, s0;
	s19 =	sadd.s32 $0x2A00, s8;
	[dreg:$0x3] =	wrdreg s18  }
0xc: {  	s0 =	sadd.s32 s9, s0;
	s8 =	sadd.s32 $0x2600, s8;
	[dreg:$0x4] =	wrdreg s19  }
0xd: {  	s2 =	ssub.s32 $0x2, s2;
	s20 =	sadd.s32 $0x20B400, s0;
	[dreg:$0x5] =	wrdreg s8  }
0xe: {  	s17 =	sshrl.u32 s11, $0x2;
	s21 =	sadd.s32 $0x20D400, s0;
	[dreg:$0x6] =	wrdreg s20  }
0xf: {  	s23 =	sshrl.u32 s2, $0x1;
	s22 =	sadd.s32 $0x20F400, s0;
	[dreg:$0x7] =	wrdreg s21  }
0x10: {  	s10 =	simm.s32 $0x1C300;
	s24 =	sadd.s32 $0x211400, s0;
	[dreg:$0x8] =	wrdreg s22  }
0x11: {  	s2 =	ssub.s32 s2, s23;
	s25 =	sadd.s32 $0x213400, s0;
	[dreg:$0x9] =	wrdreg s24  }
0x12: {  	s9 =	sadd.s32 s17, s1;
	s26 =	sadd.s32 $0x215400, s0;
	[dreg:$0xa] =	wrdreg s25  }
0x13: {  	s17 =	smul.u32 $0x3200, s12;
	s28 =	sadd.s32 $0x217400, s0;
	[dreg:$0xb] =	wrdreg s26  }
0x14: {  	s12 =	simm.s32 $0x1C380;
	s0 =	sadd.s32 $0x219400, s0;
	[dreg:$0xc] =	wrdreg s28  }
0x15: {  	v6 =	vlaneseq.u32;
	s11 =	sadd.s32 $0x808, s9;
	s23 =	sadd.s32 $0x1EB400, s7;
	[dreg:$0xd] =	wrdreg s0  }
0x16: {  	v1 =	vimm.f32 $0.0e+00;
	v0 =	vmul.u32 $0x80, v6;
	s21 =	sadd.s32 s29, s1;
	s22 =	sadd.s32 $0x1CB400, s7;
	s24 =	smax.u32 s2, $0x1  }
0x17: {  	v2 =	vimm.f32 $1.000000000e+00;
	vm0 =	vmmov $0x3;
	v5 =	vor.u32 $0x30, v6;
	s25 =	ssub.s32 $0xF9C, s17;
	s26 =	simm.s32 $0x3;
	s0 =	simm.s32 $0x300  }
0x18: {  	v6 =	vor.u32 $0x10000, v6;
	v3 =	vor.u32 $0x1000, v0;
	v4 =	vor.u32 $0x800, v0;
	s2 =	simm.s32 $0x2;
	s7 =	simm.s32 $0x1C400;
	s8 =	simm.s32 $0x1CC08  }
.LBB2_1:
0x19: {  	s15 =	rddreg [dreg:$0x3]  }
0x1a: {  	[tilespmem:s3], [sflag:$0x3] =	stream.linear.gather [hbm4b:s15+s3], $0x100, $0x38;
	[tilespmem:$0x1E420] =	vst v63  }
0x1b: {  	_ =	swait.ge [sflag:s26], $0x100  }
0x1c: {  	[sflag:s26] =	ssyncset.done $0x0  }
0x1d: {  	s16 =	simm.s32 $0x100;
	s20 =	rddreg [dreg:$0x4];
	[sflag:s26] =	ssyncadd.s32 $0xFFFFFF00  }
0x1e: {  	[tilespmem:s16], [sflag:$0x3] =	stream.linear.gather [hbm4b:s20+s3], $0x100, $0x38;
	[tilespmem:$0x1E420] =	vst v63  }
0x1f: {  	_ =	swait.ge [sflag:s26], $0x100  }
0x20: {  	[sflag:s26] =	ssyncset.done $0x0  }
0x21: {  	s18 =	simm.s32 $0x200;
	s28 =	rddreg [dreg:$0x5];
	[sflag:s26] =	ssyncadd.s32 $0xFFFFFF00  }
0x22: {  	[tilespmem:s18], [sflag:$0x3] =	stream.linear.gather [hbm4b:s28+s3], $0x100, $0x38;
	[tilespmem:$0x1E420] =	vst v63  }
0x23: {  	_ =	swait.ge [sflag:s26], $0x100  }
0x24: {  	[sflag:s26] =	ssyncset.done $0x0  }
0x25: {  	s29 =	simm.s32 $0x10300;
	[sflag:s26] =	ssyncadd.s32 $0xFFFFFF00  }
0x26: {  	[tilespmem:s29], [sflag:$0x2] =	stream.indirect.gather [hbm4b:s6+s30], $0x80, s18, s30, $0xb8;
	[tilespmem:$0x1E420] =	vst v63  }
0x27: {  	s19 =	simm.s32 $0x14300;
	s18 =	simm.s32 $0x280  }
0x28: {  	[tilespmem:s19], [sflag:$0x2] =	stream.indirect.gather [hbm4b:s6+s30], $0x80, s18, s30, $0xb8;
	[tilespmem:$0x1E420] =	vst v63  }
0x29: {  	_ = 	snop  }
0x2a: {  	[tilespmem:s0], [sflag:$0x1] =	stream.indirect.gather [hbm4b:s4+s30], $0x80, s3, s30, $0xb8;
	[tilespmem:$0x1E420] =	vst v63  }
0x2b: {  	s20 =	simm.s32 $0x4300  }
0x2c: {  	[tilespmem:s20], [sflag:$0x1] =	stream.indirect.gather [hbm4b:s4+s30], $0x80, s30, s30, $0xb8;
	[tilespmem:$0x1E420] =	vst v63  }
0x2d: {  	s15 =	simm.s32 $0x40  }
0x2e: {  	[tilespmem:s31], [sflag:$0x1] =	stream.indirect.gather [hbm4b:s5+s30], $0x80, s16, s30, $0xb8;
	[tilespmem:$0x1E420] =	vst v63  }
0x2f: {  	s28 =	simm.s32 $0x180;
	s29 =	simm.s32 $0xC300;
	s16 =	simm.s32 $0x0  }
0x30: {  	[tilespmem:s29], [sflag:$0x1] =	stream.indirect.gather [hbm4b:s5+s30], $0x80, s28, s30, $0xb8;
	[tilespmem:$0x1E420] =	vst v63  }
.LBB2_2:
0x31: {  	p0 =	sne.s32 s15, $0x4000;
	[tilespmem:s16+$0x1C400] =	vst v1;
	s16 =	smov.u32 s15;
	s15 =	sadd.s32 $0x40, s15  }
.Ltmp0:
0x32: {  	(pc) =	sbr.rel @p0 .LBB2_2-.Ltmp0, $2  }
0x33: {  	_ =	sdelay $0x2  }
0x34: {  	s16 =	sshra.s32 s16, $0x2  }
0x35: {  	[tilespmem:s16+$0x1C400] =	vst v1  }
0x36: {  	[tilespmem:$0x1C380] =	vst v2  }
0x37: {  	[tilespmem:$0x1C390] =	vst v2  }
0x38: {  	[tilespmem:$0x1C3A0] =	vst v2  }
0x39: {  	[tilespmem:$0x1C3B0] =	vst v2  }
0x3a: {  	[tilespmem:$0x1C3C0] =	vst v2  }
0x3b: {  	[tilespmem:$0x1C3D0] =	vst v2  }
0x3c: {  	[tilespmem:$0x1C3E0] =	vst v2  }
0x3d: {  	[tilespmem:$0x1C3F0] =	vst v2  }
0x3e: {  	_ =	swait.ge [sflag:s2], $0x4000  }
0x3f: {  	[sflag:s2] =	ssyncset.done $0x0  }
0x40: {  	[sflag:s2] =	ssyncadd.s32 $0xFFFFC000  }
0x41: {  	_ =	swait.ge [sflag:s2], $0x4000  }
0x42: {  	[sflag:s2] =	ssyncset.done $0x0  }
0x43: {  	s15 =	simm.s32 $0x10320;
	[sflag:s2] =	ssyncadd.s32 $0xFFFFC000  }
0x44: {  	v7 =	vld [tilespmem:s15+$0xFFFFFFE0];
	_ =	sdelay $0x3  }
0x45: {  	v8 =	vmov s17  }
0x46: {  	v8 =	vshll.u32 v8, $0x7;
	vm1 =	vgt.s32 v7, $0x0  }
0x47: {  	v9 =	vadd.s32 v0, v8;
	v7 =	vnsel vm1, $0x0, v7  }
0x48: {  	s29 =	simm.s32 $0x0;
	v9 =	vand.u32 $0x7FF80, v9;
	v7 =	vmin.u32 v7, $0x7F  }
0x49: {  	s16 =	sand.u32 $0x3FC0, s29;
	v7 =	vor.u32 v9, v7  }
0x4a: {  	[tilespmem:s16+$0x18300] =	vst v7  }
0x4b: {  	v7 =	vld [tilespmem:s15+$0xFFFFFFF0];
	_ =	sdelay $0x4  }
0x4c: {  	vm1 =	vgt.s32 v7, $0x0  }
0x4d: {  	v63 =	vadd.s32 v4, v8;
	v7 =	vnsel vm1, $0x0, v7  }
0x4e: {  	v9 =	vand.u32 $0x7FF80, v63;
	v7 =	vmin.u32 v7, $0x7F  }
0x4f: {  	s16 =	sadd.s32 $0x18300, s16;
	v7 =	vor.u32 v9, v7  }
0x50: {  	[tilespmem:s16+$0x10] =	vst v7  }
0x51: {  	v7 =	vld [tilespmem:s15+$0x0];
	_ =	sdelay $0x4  }
0x52: {  	vm1 =	vgt.s32 v7, $0x0  }
0x53: {  	v8 =	vadd.s32 v3, v8;
	v7 =	vnsel vm1, $0x0, v7  }
0x54: {  	v8 =	vand.u32 $0x7FF80, v8;
	v7 =	vmin.u32 v7, $0x7F  }
0x55: {  	v7 =	vor.u32 v8, v7  }
0x56: {  	[tilespmem:s16+$0x20] =	vst v7  }
0x57: {  	v7 =	vld [tilespmem:s15+$0x10];
	_ =	sdelay $0x4  }
0x58: {  	v8 =	vadd.s32 s17, v5;
	vm1 =	vgt.s32 v7, $0x0  }
0x59: {  	v8 =	vshll.u32 v8, $0x7;
	v7 =	vnsel vm1, $0x0, v7  }
0x5a: {  	v8 =	vand.u32 $0x7FF80, v8;
	v7 =	vmin.u32 v7, $0x7F  }
0x5b: {  	v7 =	vor.u32 v8, v7  }
0x5c: {  	s28 =	simm.s32 $0x40;
	s20 =	smov.u32 s17;
	v7 =	vnsel vm0, $0x1000000, v7  }
.LBB2_4:
0x5d: {  	p0 =	sne.s32 s28, $0x3FC0;
	[tilespmem:s16+$0x30] =	vst v7;
	s20 =	sadd.s32 $0x32, s20;
	s15 =	sadd.s32 $0x80, s15  }
0x5e: {  	s16 =	smov.u32 s28;
	s28 =	sadd.s32 $0x40, s28;
	v7 =	vld [tilespmem:s15+$0xFFFFFFE0];
	_ =	sdelay $0x3  }
0x5f: {  	v8 =	vmov s20  }
0x60: {  	v8 =	vshll.u32 v8, $0x7;
	vm1 =	vgt.s32 v7, $0x0  }
0x61: {  	v9 =	vadd.s32 v0, v8;
	v10 =	vadd.s32 v4, v8;
	v7 =	vnsel vm1, $0x0, v7  }
0x62: {  	v8 =	vadd.s32 v3, v8;
	v9 =	vand.u32 $0x7FF80, v9;
	v7 =	vmin.u32 v7, $0x7F  }
0x63: {  	s16 =	sand.u32 $0x3FC0, s16;
	v7 =	vor.u32 v9, v7  }
0x64: {  	[tilespmem:s16+$0x18300] =	vst v7  }
0x65: {  	v7 =	vld [tilespmem:s15+$0xFFFFFFF0];
	_ =	sdelay $0x4  }
0x66: {  	vm1 =	vgt.s32 v7, $0x0  }
0x67: {  	v7 =	vnsel vm1, $0x0, v7  }
0x68: {  	v9 =	vand.u32 $0x7FF80, v10;
	v7 =	vmin.u32 v7, $0x7F  }
0x69: {  	s16 =	sadd.s32 $0x18300, s16;
	v7 =	vor.u32 v9, v7  }
0x6a: {  	[tilespmem:s16+$0x10] =	vst v7  }
0x6b: {  	v7 =	vld [tilespmem:s15+$0x0];
	_ =	sdelay $0x4  }
0x6c: {  	vm1 =	vgt.s32 v7, $0x0  }
0x6d: {  	v7 =	vnsel vm1, $0x0, v7  }
0x6e: {  	v8 =	vand.u32 $0x7FF80, v8;
	v7 =	vmin.u32 v7, $0x7F  }
0x6f: {  	v7 =	vor.u32 v8, v7  }
0x70: {  	[tilespmem:s16+$0x20] =	vst v7  }
0x71: {  	v7 =	vld [tilespmem:s15+$0x10];
	_ =	sdelay $0x4  }
.Ltmp1:
0x72: {  	v8 =	vadd.s32 s20, v5;
	vm1 =	vgt.s32 v7, $0x0;
	(pc) =	sbr.rel @p0 .LBB2_4-.Ltmp1, $4  }
0x73: {  	v8 =	vshll.u32 v8, $0x7;
	v7 =	vnsel vm1, $0x0, v7  }
0x74: {  	v8 =	vand.u32 $0x7FF80, v8;
	v7 =	vmin.u32 v7, $0x7F  }
0x75: {  	v7 =	vor.u32 v8, v7  }
0x76: {  	v7 =	vnsel vm0, $0x1000000, v7  }
0x77: {  	[tilespmem:s16+$0x30] =	vst v7  }
0x78: {  	[spmem:s9] =	stream.linear.scatter [tilespmem:s7], [sflag:$0x3], $0x808, $0x38;
	[tilespmem:$0x1E420] =	vst v63  }
0x79: {  	_ =	swait.ge [sflag:s26], $0x808  }
0x7a: {  	[sflag:s26] =	ssyncset.done $0x0  }
0x7b: {  	[sflag:s26] =	ssyncadd.s32 $0xFFFFF7F8  }
0x7c: {  	[spmem:s11] =	stream.linear.scatter [tilespmem:s8], [sflag:$0x3], $0x808, $0x38;
	[tilespmem:$0x1E420] =	vst v63  }
0x7d: {  	_ =	swait.ge [sflag:s26], $0x808  }
0x7e: {  	[sflag:s26] =	ssyncset.done $0x0  }
0x7f: {  	[sflag:s26] =	ssyncadd.s32 $0xFFFFF7F8  }
0x80: {  	s15 =	simm.s32 $0x0;
	s16 =	simm.s32 $0x18340;
	[bflag:$0x0] =	sbarrier.arrive $0xFFFF  }
.LBB2_6:
0x81: {  	s20 =	sadd.s32 s15, s17  }
0x82: {  	s28 =	sand.u32 $0xE00, s20;
	s20 =	sadd.s32 $0x60, s20  }
0x83: {  	s20 =	sand.u32 $0xE00, s20;
	p0 =	seq.s32 s28, $0x0  }
0x84: {  	p1 =	sne.s32 @!p0 s20, $0x0  }
0x85: {  	p0 =	por p0, !p1  }
0x86: {  	v7 =	vld @p0 [tilespmem:s16+$0xFFFFFFC0];
	_ =	sdelay $0x4  }
0x87: {  	vm1 =	vlt.u32 @p0 v7, $0x10000  }
0x88: {  	v7 =	vsel @p0 vm1, v7, v6  }
0x89: {  	[tilespmem:$0x1C300] =	vst @p0 v7  }
0x8a: {  	v7 =	vld @p0 [tilespmem:s16+$0xFFFFFFD0];
	_ =	sdelay $0x4  }
0x8b: {  	vm1 =	vlt.u32 @p0 v7, $0x10000  }
0x8c: {  	v7 =	vsel @p0 vm1, v7, v6  }
0x8d: {  	[tilespmem:$0x1C310] =	vst @p0 v7  }
0x8e: {  	v7 =	vld @p0 [tilespmem:s16+$0xFFFFFFE0];
	_ =	sdelay $0x4  }
0x8f: {  	vm1 =	vlt.u32 @p0 v7, $0x10000  }
0x90: {  	v7 =	vsel @p0 vm1, v7, v6  }
0x91: {  	[tilespmem:$0x1C320] =	vst @p0 v7  }
0x92: {  	v7 =	vld @p0 [tilespmem:s16+$0xFFFFFFF0];
	_ =	sdelay $0x4  }
0x93: {  	vm1 =	vlt.u32 @p0 v7, $0x10000  }
0x94: {  	v7 =	vsel @p0 vm1, v7, v6  }
0x95: {  	[tilespmem:$0x1C330] =	vst @p0 v7  }
0x96: {  	v7 =	vld @p0 [tilespmem:s16+$0x0];
	_ =	sdelay $0x4  }
0x97: {  	vm1 =	vlt.u32 @p0 v7, $0x10000  }
0x98: {  	v7 =	vsel @p0 vm1, v7, v6  }
0x99: {  	[tilespmem:$0x1C340] =	vst @p0 v7  }
0x9a: {  	v7 =	vld @p0 [tilespmem:s16+$0x10];
	_ =	sdelay $0x4  }
0x9b: {  	vm1 =	vlt.u32 @p0 v7, $0x10000  }
0x9c: {  	v7 =	vsel @p0 vm1, v7, v6  }
0x9d: {  	[tilespmem:$0x1C350] =	vst @p0 v7  }
0x9e: {  	v7 =	vld @p0 [tilespmem:s16+$0x20];
	_ =	sdelay $0x4  }
0x9f: {  	vm1 =	vlt.u32 @p0 v7, $0x10000  }
0xa0: {  	v7 =	vsel @p0 vm1, v7, v6  }
0xa1: {  	[tilespmem:$0x1C360] =	vst @p0 v7  }
0xa2: {  	v7 =	vld @p0 [tilespmem:s16+$0x30];
	_ =	sdelay $0x4  }
0xa3: {  	vm1 =	vlt.u32 @p0 v7, $0x10000  }
0xa4: {  	v7 =	vsel @p0 vm1, v7, v6  }
0xa5: {  	[tilespmem:$0x1C370] =	vst @p0 v7  }
0xa6: {  	[spmem:s1] =	stream.indirect.scatter.add.f32 @p0 [tilespmem:s12], [sflag:$0x3], $0x1, s10, s30, $0xb8;
	[tilespmem:$0x1E420] =	vst v63  }
0xa7: {  	_ =	swait.ge @p0 [sflag:s26], $0x80  }
0xa8: {  	s15 =	sadd.s32 $0x64, s15;
	[sflag:s26] =	ssyncset.done @p0 $0x0  }
0xa9: {  	[sflag:s26] =	ssyncadd.s32 @p0 $0xFFFFFF80;
	p0 =	sne.s32 s15, $0x3200  }
.Ltmp2:
0xaa: {  	_ = 	snop;
	(pc) =	sbr.rel @p0 .LBB2_6-.Ltmp2, $2  }
0xab: {  	_ =	sdelay $0x2  }
0xac: {  	s16 =	sadd.s32 $0x80, s16  }
0xad: {  	s15 =	stileid.u32  }
0xae: {  	[bflag:$0x0] =	sbarrier.arrive $0xFFFF;
	s15 =	sshll.u32 s15, $0x6  }
0xaf: {  	s16 =	rddreg [dreg:$0x6];
	s28 =	sor.u32 $0x1C03, s15;
	s15 =	sshrl.u32 s21, $0x3  }
0xb0: {  	[hbm:s16], [sflag:s28] =	dma.local [spmem:s15], $0x200  }
0xb1: {  	_ =	swait.ge [sflag:s26], $0x200  }
0xb2: {  	[sflag:s26] =	ssyncset.done $0x0  }
0xb3: {  	[sflag:s26] =	ssyncadd.s32 $0xFFFFFE00  }
0xb4: {  	[bflag:$0x0] =	sbarrier.arrive $0xFFFF  }
0xb5: {  	[spmem:s9] =	stream.linear.scatter [tilespmem:s7], [sflag:$0x3], $0x808, $0x38;
	[tilespmem:$0x1E420] =	vst v63  }
0xb6: {  	_ =	swait.ge [sflag:s26], $0x808  }
0xb7: {  	[sflag:s26] =	ssyncset.done $0x0  }
0xb8: {  	[sflag:s26] =	ssyncadd.s32 $0xFFFFF7F8  }
0xb9: {  	[spmem:s11] =	stream.linear.scatter [tilespmem:s8], [sflag:$0x3], $0x808, $0x38;
	[tilespmem:$0x1E420] =	vst v63  }
0xba: {  	_ =	swait.ge [sflag:s26], $0x808  }
0xbb: {  	[sflag:s26] =	ssyncset.done $0x0  }
0xbc: {  	[sflag:s26] =	ssyncadd.s32 $0xFFFFF7F8  }
0xbd: {  	s20 =	simm.s32 $0x0;
	s16 =	simm.s32 $0x18340;
	[bflag:$0x0] =	sbarrier.arrive $0xFFFF  }
.LBB2_8:
0xbe: {  	s29 =	sadd.s32 s20, s17  }
0xbf: {  	s18 =	sadd.s32 $0x60, s29;
	s29 =	sand.u32 $0xE00, s29  }
0xc0: {  	p0 =	seq.s32 s29, $0x200;
	s18 =	sand.u32 $0xE00, s18  }
0xc1: {  	p1 =	sne.s32 @!p0 s18, $0x200  }
0xc2: {  	p0 =	por p0, !p1  }
0xc3: {  	v7 =	vld @p0 [tilespmem:s16+$0xFFFFFFC0];
	_ =	sdelay $0x4  }
0xc4: {  	v8 =	vand.u32 @p0 $0xFFFF0000, v7  }
0xc5: {  	v7 =	vadd.s32 @p0 $0xFFFF0000, v7;
	vm1 =	veq.s32 @p0 v8, $0x10000  }
0xc6: {  	v7 =	vsel @p0 vm1, v7, v6  }
0xc7: {  	[tilespmem:$0x1C300] =	vst @p0 v7  }
0xc8: {  	v7 =	vld @p0 [tilespmem:s16+$0xFFFFFFD0];
	_ =	sdelay $0x4  }
0xc9: {  	v8 =	vand.u32 @p0 $0xFFFF0000, v7  }
0xca: {  	v7 =	vadd.s32 @p0 $0xFFFF0000, v7;
	vm1 =	veq.s32 @p0 v8, $0x10000  }
0xcb: {  	v7 =	vsel @p0 vm1, v7, v6  }
0xcc: {  	[tilespmem:$0x1C310] =	vst @p0 v7  }
0xcd: {  	v7 =	vld @p0 [tilespmem:s16+$0xFFFFFFE0];
	_ =	sdelay $0x4  }
0xce: {  	v8 =	vand.u32 @p0 $0xFFFF0000, v7  }
0xcf: {  	v7 =	vadd.s32 @p0 $0xFFFF0000, v7;
	vm1 =	veq.s32 @p0 v8, $0x10000  }
0xd0: {  	v7 =	vsel @p0 vm1, v7, v6  }
0xd1: {  	[tilespmem:$0x1C320] =	vst @p0 v7  }
0xd2: {  	v7 =	vld @p0 [tilespmem:s16+$0xFFFFFFF0];
	_ =	sdelay $0x4  }
0xd3: {  	v8 =	vand.u32 @p0 $0xFFFF0000, v7  }
0xd4: {  	v7 =	vadd.s32 @p0 $0xFFFF0000, v7;
	vm1 =	veq.s32 @p0 v8, $0x10000  }
0xd5: {  	v7 =	vsel @p0 vm1, v7, v6  }
0xd6: {  	[tilespmem:$0x1C330] =	vst @p0 v7  }
0xd7: {  	v7 =	vld @p0 [tilespmem:s16+$0x0];
	_ =	sdelay $0x4  }
0xd8: {  	v8 =	vand.u32 @p0 $0xFFFF0000, v7  }
0xd9: {  	v7 =	vadd.s32 @p0 $0xFFFF0000, v7;
	vm1 =	veq.s32 @p0 v8, $0x10000  }
0xda: {  	v7 =	vsel @p0 vm1, v7, v6  }
0xdb: {  	[tilespmem:$0x1C340] =	vst @p0 v7  }
0xdc: {  	v7 =	vld @p0 [tilespmem:s16+$0x10];
	_ =	sdelay $0x4  }
0xdd: {  	v8 =	vand.u32 @p0 $0xFFFF0000, v7  }
0xde: {  	v7 =	vadd.s32 @p0 $0xFFFF0000, v7;
	vm1 =	veq.s32 @p0 v8, $0x10000  }
0xdf: {  	v7 =	vsel @p0 vm1, v7, v6  }
0xe0: {  	[tilespmem:$0x1C350] =	vst @p0 v7  }
0xe1: {  	v7 =	vld @p0 [tilespmem:s16+$0x20];
	_ =	sdelay $0x4  }
0xe2: {  	v8 =	vand.u32 @p0 $0xFFFF0000, v7  }
0xe3: {  	v7 =	vadd.s32 @p0 $0xFFFF0000, v7;
	vm1 =	veq.s32 @p0 v8, $0x10000  }
0xe4: {  	v7 =	vsel @p0 vm1, v7, v6  }
0xe5: {  	[tilespmem:$0x1C360] =	vst @p0 v7  }
0xe6: {  	v7 =	vld @p0 [tilespmem:s16+$0x30];
	_ =	sdelay $0x4  }
0xe7: {  	v8 =	vand.u32 @p0 $0xFFFF0000, v7  }
0xe8: {  	v7 =	vadd.s32 @p0 $0xFFFF0000, v7;
	vm1 =	veq.s32 @p0 v8, $0x10000  }
0xe9: {  	v7 =	vsel @p0 vm1, v7, v6  }
0xea: {  	[tilespmem:$0x1C370] =	vst @p0 v7  }
0xeb: {  	[spmem:s1] =	stream.indirect.scatter.add.f32 @p0 [tilespmem:s12], [sflag:$0x3], $0x1, s10, s30, $0xb8;
	[tilespmem:$0x1E420] =	vst v63  }
0xec: {  	_ =	swait.ge @p0 [sflag:s26], $0x80  }
0xed: {  	s20 =	sadd.s32 $0x64, s20;
	[sflag:s26] =	ssyncset.done @p0 $0x0  }
0xee: {  	[sflag:s26] =	ssyncadd.s32 @p0 $0xFFFFFF80;
	p0 =	sne.s32 s20, $0x3200  }
.Ltmp3:
0xef: {  	_ = 	snop;
	(pc) =	sbr.rel @p0 .LBB2_8-.Ltmp3, $2  }
0xf0: {  	_ =	sdelay $0x2  }
0xf1: {  	s16 =	sadd.s32 $0x80, s16  }
0xf2: {  	[bflag:$0x0] =	sbarrier.arrive $0xFFFF  }
0xf3: {  	s16 =	rddreg [dreg:$0x7]  }
0xf4: {  	[hbm:s16], [sflag:s28] =	dma.local [spmem:s15], $0x200  }
0xf5: {  	_ =	swait.ge [sflag:s26], $0x200  }
0xf6: {  	[sflag:s26] =	ssyncset.done $0x0  }
0xf7: {  	[sflag:s26] =	ssyncadd.s32 $0xFFFFFE00  }
0xf8: {  	[bflag:$0x0] =	sbarrier.arrive $0xFFFF  }
0xf9: {  	[spmem:s9] =	stream.linear.scatter [tilespmem:s7], [sflag:$0x3], $0x808, $0x38;
	[tilespmem:$0x1E420] =	vst v63  }
0xfa: {  	_ =	swait.ge [sflag:s26], $0x808  }
0xfb: {  	[sflag:s26] =	ssyncset.done $0x0  }
0xfc: {  	[sflag:s26] =	ssyncadd.s32 $0xFFFFF7F8  }
0xfd: {  	[spmem:s11] =	stream.linear.scatter [tilespmem:s8], [sflag:$0x3], $0x808, $0x38;
	[tilespmem:$0x1E420] =	vst v63  }
0xfe: {  	_ =	swait.ge [sflag:s26], $0x808  }
0xff: {  	[sflag:s26] =	ssyncset.done $0x0  }
0x100: {  	[sflag:s26] =	ssyncadd.s32 $0xFFFFF7F8  }
0x101: {  	s20 =	simm.s32 $0x0;
	s16 =	simm.s32 $0x18340;
	[bflag:$0x0] =	sbarrier.arrive $0xFFFF  }
.LBB2_10:
0x102: {  	s18 =	sadd.s32 s20, s17  }
0x103: {  	s29 =	sand.u32 $0xE00, s18;
	s18 =	sadd.s32 $0x60, s18  }
0x104: {  	s18 =	sand.u32 $0xE00, s18;
	p0 =	seq.s32 s29, $0x400  }
0x105: {  	p1 =	sne.s32 @!p0 s18, $0x400  }
0x106: {  	p0 =	por p0, !p1  }
0x107: {  	v7 =	vld @p0 [tilespmem:s16+$0xFFFFFFC0];
	_ =	sdelay $0x4  }
0x108: {  	v8 =	vand.u32 @p0 $0xFFFF0000, v7  }
0x109: {  	v7 =	vadd.s32 @p0 $0xFFFE0000, v7;
	vm1 =	veq.s32 @p0 v8, $0x20000  }
0x10a: {  	v7 =	vsel @p0 vm1, v7, v6  }
0x10b: {  	[tilespmem:$0x1C300] =	vst @p0 v7  }
0x10c: {  	v7 =	vld @p0 [tilespmem:s16+$0xFFFFFFD0];
	_ =	sdelay $0x4  }
0x10d: {  	v8 =	vand.u32 @p0 $0xFFFF0000, v7  }
0x10e: {  	v7 =	vadd.s32 @p0 $0xFFFE0000, v7;
	vm1 =	veq.s32 @p0 v8, $0x20000  }
0x10f: {  	v7 =	vsel @p0 vm1, v7, v6  }
0x110: {  	[tilespmem:$0x1C310] =	vst @p0 v7  }
0x111: {  	v7 =	vld @p0 [tilespmem:s16+$0xFFFFFFE0];
	_ =	sdelay $0x4  }
0x112: {  	v8 =	vand.u32 @p0 $0xFFFF0000, v7  }
0x113: {  	v7 =	vadd.s32 @p0 $0xFFFE0000, v7;
	vm1 =	veq.s32 @p0 v8, $0x20000  }
0x114: {  	v7 =	vsel @p0 vm1, v7, v6  }
0x115: {  	[tilespmem:$0x1C320] =	vst @p0 v7  }
0x116: {  	v7 =	vld @p0 [tilespmem:s16+$0xFFFFFFF0];
	_ =	sdelay $0x4  }
0x117: {  	v8 =	vand.u32 @p0 $0xFFFF0000, v7  }
0x118: {  	v7 =	vadd.s32 @p0 $0xFFFE0000, v7;
	vm1 =	veq.s32 @p0 v8, $0x20000  }
0x119: {  	v7 =	vsel @p0 vm1, v7, v6  }
0x11a: {  	[tilespmem:$0x1C330] =	vst @p0 v7  }
0x11b: {  	v7 =	vld @p0 [tilespmem:s16+$0x0];
	_ =	sdelay $0x4  }
0x11c: {  	v8 =	vand.u32 @p0 $0xFFFF0000, v7  }
0x11d: {  	v7 =	vadd.s32 @p0 $0xFFFE0000, v7;
	vm1 =	veq.s32 @p0 v8, $0x20000  }
0x11e: {  	v7 =	vsel @p0 vm1, v7, v6  }
0x11f: {  	[tilespmem:$0x1C340] =	vst @p0 v7  }
0x120: {  	v7 =	vld @p0 [tilespmem:s16+$0x10];
	_ =	sdelay $0x4  }
0x121: {  	v8 =	vand.u32 @p0 $0xFFFF0000, v7  }
0x122: {  	v7 =	vadd.s32 @p0 $0xFFFE0000, v7;
	vm1 =	veq.s32 @p0 v8, $0x20000  }
0x123: {  	v7 =	vsel @p0 vm1, v7, v6  }
0x124: {  	[tilespmem:$0x1C350] =	vst @p0 v7  }
0x125: {  	v7 =	vld @p0 [tilespmem:s16+$0x20];
	_ =	sdelay $0x4  }
0x126: {  	v8 =	vand.u32 @p0 $0xFFFF0000, v7  }
0x127: {  	v7 =	vadd.s32 @p0 $0xFFFE0000, v7;
	vm1 =	veq.s32 @p0 v8, $0x20000  }
0x128: {  	v7 =	vsel @p0 vm1, v7, v6  }
0x129: {  	[tilespmem:$0x1C360] =	vst @p0 v7  }
0x12a: {  	v7 =	vld @p0 [tilespmem:s16+$0x30];
	_ =	sdelay $0x4  }
0x12b: {  	v8 =	vand.u32 @p0 $0xFFFF0000, v7  }
0x12c: {  	v7 =	vadd.s32 @p0 $0xFFFE0000, v7;
	vm1 =	veq.s32 @p0 v8, $0x20000  }
0x12d: {  	v7 =	vsel @p0 vm1, v7, v6  }
0x12e: {  	[tilespmem:$0x1C370] =	vst @p0 v7  }
0x12f: {  	[spmem:s1] =	stream.indirect.scatter.add.f32 @p0 [tilespmem:s12], [sflag:$0x3], $0x1, s10, s30, $0xb8;
	[tilespmem:$0x1E420] =	vst v63  }
0x130: {  	_ =	swait.ge @p0 [sflag:s26], $0x80  }
0x131: {  	s20 =	sadd.s32 $0x64, s20;
	[sflag:s26] =	ssyncset.done @p0 $0x0  }
0x132: {  	[sflag:s26] =	ssyncadd.s32 @p0 $0xFFFFFF80;
	p0 =	sne.s32 s20, $0x3200  }
.Ltmp4:
0x133: {  	_ = 	snop;
	(pc) =	sbr.rel @p0 .LBB2_10-.Ltmp4, $2  }
0x134: {  	_ =	sdelay $0x2  }
0x135: {  	s16 =	sadd.s32 $0x80, s16  }
0x136: {  	[bflag:$0x0] =	sbarrier.arrive $0xFFFF  }
0x137: {  	s16 =	rddreg [dreg:$0x8]  }
0x138: {  	[hbm:s16], [sflag:s28] =	dma.local [spmem:s15], $0x200  }
0x139: {  	_ =	swait.ge [sflag:s26], $0x200  }
0x13a: {  	[sflag:s26] =	ssyncset.done $0x0  }
0x13b: {  	[sflag:s26] =	ssyncadd.s32 $0xFFFFFE00  }
0x13c: {  	[bflag:$0x0] =	sbarrier.arrive $0xFFFF  }
0x13d: {  	[spmem:s9] =	stream.linear.scatter [tilespmem:s7], [sflag:$0x3], $0x808, $0x38;
	[tilespmem:$0x1E420] =	vst v63  }
0x13e: {  	_ =	swait.ge [sflag:s26], $0x808  }
0x13f: {  	[sflag:s26] =	ssyncset.done $0x0  }
0x140: {  	[sflag:s26] =	ssyncadd.s32 $0xFFFFF7F8  }
0x141: {  	[spmem:s11] =	stream.linear.scatter [tilespmem:s8], [sflag:$0x3], $0x808, $0x38;
	[tilespmem:$0x1E420] =	vst v63  }
0x142: {  	_ =	swait.ge [sflag:s26], $0x808  }
0x143: {  	[sflag:s26] =	ssyncset.done $0x0  }
0x144: {  	[sflag:s26] =	ssyncadd.s32 $0xFFFFF7F8  }
0x145: {  	s20 =	simm.s32 $0x0;
	s16 =	simm.s32 $0x18340;
	[bflag:$0x0] =	sbarrier.arrive $0xFFFF  }
.LBB2_12:
0x146: {  	s18 =	sadd.s32 s20, s17  }
0x147: {  	s29 =	sand.u32 $0xE00, s18;
	s18 =	sadd.s32 $0x60, s18  }
0x148: {  	s18 =	sand.u32 $0xE00, s18;
	p0 =	seq.s32 s29, $0x600  }
0x149: {  	p1 =	sne.s32 @!p0 s18, $0x600  }
0x14a: {  	p0 =	por p0, !p1  }
0x14b: {  	v7 =	vld @p0 [tilespmem:s16+$0xFFFFFFC0];
	_ =	sdelay $0x4  }
0x14c: {  	v8 =	vand.u32 @p0 $0xFFFF0000, v7  }
0x14d: {  	v7 =	vadd.s32 @p0 $0xFFFD0000, v7;
	vm1 =	veq.s32 @p0 v8, $0x30000  }
0x14e: {  	v7 =	vsel @p0 vm1, v7, v6  }
0x14f: {  	[tilespmem:$0x1C300] =	vst @p0 v7  }
0x150: {  	v7 =	vld @p0 [tilespmem:s16+$0xFFFFFFD0];
	_ =	sdelay $0x4  }
0x151: {  	v8 =	vand.u32 @p0 $0xFFFF0000, v7  }
0x152: {  	v7 =	vadd.s32 @p0 $0xFFFD0000, v7;
	vm1 =	veq.s32 @p0 v8, $0x30000  }
0x153: {  	v7 =	vsel @p0 vm1, v7, v6  }
0x154: {  	[tilespmem:$0x1C310] =	vst @p0 v7  }
0x155: {  	v7 =	vld @p0 [tilespmem:s16+$0xFFFFFFE0];
	_ =	sdelay $0x4  }
0x156: {  	v8 =	vand.u32 @p0 $0xFFFF0000, v7  }
0x157: {  	v7 =	vadd.s32 @p0 $0xFFFD0000, v7;
	vm1 =	veq.s32 @p0 v8, $0x30000  }
0x158: {  	v7 =	vsel @p0 vm1, v7, v6  }
0x159: {  	[tilespmem:$0x1C320] =	vst @p0 v7  }
0x15a: {  	v7 =	vld @p0 [tilespmem:s16+$0xFFFFFFF0];
	_ =	sdelay $0x4  }
0x15b: {  	v8 =	vand.u32 @p0 $0xFFFF0000, v7  }
0x15c: {  	v7 =	vadd.s32 @p0 $0xFFFD0000, v7;
	vm1 =	veq.s32 @p0 v8, $0x30000  }
0x15d: {  	v7 =	vsel @p0 vm1, v7, v6  }
0x15e: {  	[tilespmem:$0x1C330] =	vst @p0 v7  }
0x15f: {  	v7 =	vld @p0 [tilespmem:s16+$0x0];
	_ =	sdelay $0x4  }
0x160: {  	v8 =	vand.u32 @p0 $0xFFFF0000, v7  }
0x161: {  	v7 =	vadd.s32 @p0 $0xFFFD0000, v7;
	vm1 =	veq.s32 @p0 v8, $0x30000  }
0x162: {  	v7 =	vsel @p0 vm1, v7, v6  }
0x163: {  	[tilespmem:$0x1C340] =	vst @p0 v7  }
0x164: {  	v7 =	vld @p0 [tilespmem:s16+$0x10];
	_ =	sdelay $0x4  }
0x165: {  	v8 =	vand.u32 @p0 $0xFFFF0000, v7  }
0x166: {  	v7 =	vadd.s32 @p0 $0xFFFD0000, v7;
	vm1 =	veq.s32 @p0 v8, $0x30000  }
0x167: {  	v7 =	vsel @p0 vm1, v7, v6  }
0x168: {  	[tilespmem:$0x1C350] =	vst @p0 v7  }
0x169: {  	v7 =	vld @p0 [tilespmem:s16+$0x20];
	_ =	sdelay $0x4  }
0x16a: {  	v8 =	vand.u32 @p0 $0xFFFF0000, v7  }
0x16b: {  	v7 =	vadd.s32 @p0 $0xFFFD0000, v7;
	vm1 =	veq.s32 @p0 v8, $0x30000  }
0x16c: {  	v7 =	vsel @p0 vm1, v7, v6  }
0x16d: {  	[tilespmem:$0x1C360] =	vst @p0 v7  }
0x16e: {  	v7 =	vld @p0 [tilespmem:s16+$0x30];
	_ =	sdelay $0x4  }
0x16f: {  	v8 =	vand.u32 @p0 $0xFFFF0000, v7  }
0x170: {  	v7 =	vadd.s32 @p0 $0xFFFD0000, v7;
	vm1 =	veq.s32 @p0 v8, $0x30000  }
0x171: {  	v7 =	vsel @p0 vm1, v7, v6  }
0x172: {  	[tilespmem:$0x1C370] =	vst @p0 v7  }
0x173: {  	[spmem:s1] =	stream.indirect.scatter.add.f32 @p0 [tilespmem:s12], [sflag:$0x3], $0x1, s10, s30, $0xb8;
	[tilespmem:$0x1E420] =	vst v63  }
0x174: {  	_ =	swait.ge @p0 [sflag:s26], $0x80  }
0x175: {  	s20 =	sadd.s32 $0x64, s20;
	[sflag:s26] =	ssyncset.done @p0 $0x0  }
0x176: {  	[sflag:s26] =	ssyncadd.s32 @p0 $0xFFFFFF80;
	p0 =	sne.s32 s20, $0x3200  }
.Ltmp5:
0x177: {  	_ = 	snop;
	(pc) =	sbr.rel @p0 .LBB2_12-.Ltmp5, $2  }
0x178: {  	_ =	sdelay $0x2  }
0x179: {  	s16 =	sadd.s32 $0x80, s16  }
0x17a: {  	[bflag:$0x0] =	sbarrier.arrive $0xFFFF  }
0x17b: {  	s16 =	rddreg [dreg:$0x9]  }
0x17c: {  	[hbm:s16], [sflag:s28] =	dma.local [spmem:s15], $0x200  }
0x17d: {  	_ =	swait.ge [sflag:s26], $0x200  }
0x17e: {  	[sflag:s26] =	ssyncset.done $0x0  }
0x17f: {  	[sflag:s26] =	ssyncadd.s32 $0xFFFFFE00  }
0x180: {  	[bflag:$0x0] =	sbarrier.arrive $0xFFFF  }
0x181: {  	[spmem:s9] =	stream.linear.scatter [tilespmem:s7], [sflag:$0x3], $0x808, $0x38;
	[tilespmem:$0x1E420] =	vst v63  }
0x182: {  	_ =	swait.ge [sflag:s26], $0x808  }
0x183: {  	[sflag:s26] =	ssyncset.done $0x0  }
0x184: {  	[sflag:s26] =	ssyncadd.s32 $0xFFFFF7F8  }
0x185: {  	[spmem:s11] =	stream.linear.scatter [tilespmem:s8], [sflag:$0x3], $0x808, $0x38;
	[tilespmem:$0x1E420] =	vst v63  }
0x186: {  	_ =	swait.ge [sflag:s26], $0x808  }
0x187: {  	[sflag:s26] =	ssyncset.done $0x0  }
0x188: {  	[sflag:s26] =	ssyncadd.s32 $0xFFFFF7F8  }
0x189: {  	s20 =	simm.s32 $0x0;
	s16 =	simm.s32 $0x18340;
	[bflag:$0x0] =	sbarrier.arrive $0xFFFF  }
.LBB2_14:
0x18a: {  	s18 =	sadd.s32 s20, s17  }
0x18b: {  	s29 =	sand.u32 $0xE00, s18;
	s18 =	sadd.s32 $0x60, s18  }
0x18c: {  	s18 =	sand.u32 $0xE00, s18;
	p0 =	seq.s32 s29, $0x800  }
0x18d: {  	p1 =	sne.s32 @!p0 s18, $0x800  }
0x18e: {  	p0 =	por p0, !p1  }
0x18f: {  	v7 =	vld @p0 [tilespmem:s16+$0xFFFFFFC0];
	_ =	sdelay $0x4  }
0x190: {  	v8 =	vand.u32 @p0 $0xFFFF0000, v7  }
0x191: {  	v7 =	vadd.s32 @p0 $0xFFFC0000, v7;
	vm1 =	veq.s32 @p0 v8, $0x40000  }
0x192: {  	v7 =	vsel @p0 vm1, v7, v6  }
0x193: {  	[tilespmem:$0x1C300] =	vst @p0 v7  }
0x194: {  	v7 =	vld @p0 [tilespmem:s16+$0xFFFFFFD0];
	_ =	sdelay $0x4  }
0x195: {  	v8 =	vand.u32 @p0 $0xFFFF0000, v7  }
0x196: {  	v7 =	vadd.s32 @p0 $0xFFFC0000, v7;
	vm1 =	veq.s32 @p0 v8, $0x40000  }
0x197: {  	v7 =	vsel @p0 vm1, v7, v6  }
0x198: {  	[tilespmem:$0x1C310] =	vst @p0 v7  }
0x199: {  	v7 =	vld @p0 [tilespmem:s16+$0xFFFFFFE0];
	_ =	sdelay $0x4  }
0x19a: {  	v8 =	vand.u32 @p0 $0xFFFF0000, v7  }
0x19b: {  	v7 =	vadd.s32 @p0 $0xFFFC0000, v7;
	vm1 =	veq.s32 @p0 v8, $0x40000  }
0x19c: {  	v7 =	vsel @p0 vm1, v7, v6  }
0x19d: {  	[tilespmem:$0x1C320] =	vst @p0 v7  }
0x19e: {  	v7 =	vld @p0 [tilespmem:s16+$0xFFFFFFF0];
	_ =	sdelay $0x4  }
0x19f: {  	v8 =	vand.u32 @p0 $0xFFFF0000, v7  }
0x1a0: {  	v7 =	vadd.s32 @p0 $0xFFFC0000, v7;
	vm1 =	veq.s32 @p0 v8, $0x40000  }
0x1a1: {  	v7 =	vsel @p0 vm1, v7, v6  }
0x1a2: {  	[tilespmem:$0x1C330] =	vst @p0 v7  }
0x1a3: {  	v7 =	vld @p0 [tilespmem:s16+$0x0];
	_ =	sdelay $0x4  }
0x1a4: {  	v8 =	vand.u32 @p0 $0xFFFF0000, v7  }
0x1a5: {  	v7 =	vadd.s32 @p0 $0xFFFC0000, v7;
	vm1 =	veq.s32 @p0 v8, $0x40000  }
0x1a6: {  	v7 =	vsel @p0 vm1, v7, v6  }
0x1a7: {  	[tilespmem:$0x1C340] =	vst @p0 v7  }
0x1a8: {  	v7 =	vld @p0 [tilespmem:s16+$0x10];
	_ =	sdelay $0x4  }
0x1a9: {  	v8 =	vand.u32 @p0 $0xFFFF0000, v7  }
0x1aa: {  	v7 =	vadd.s32 @p0 $0xFFFC0000, v7;
	vm1 =	veq.s32 @p0 v8, $0x40000  }
0x1ab: {  	v7 =	vsel @p0 vm1, v7, v6  }
0x1ac: {  	[tilespmem:$0x1C350] =	vst @p0 v7  }
0x1ad: {  	v7 =	vld @p0 [tilespmem:s16+$0x20];
	_ =	sdelay $0x4  }
0x1ae: {  	v8 =	vand.u32 @p0 $0xFFFF0000, v7  }
0x1af: {  	v7 =	vadd.s32 @p0 $0xFFFC0000, v7;
	vm1 =	veq.s32 @p0 v8, $0x40000  }
0x1b0: {  	v7 =	vsel @p0 vm1, v7, v6  }
0x1b1: {  	[tilespmem:$0x1C360] =	vst @p0 v7  }
0x1b2: {  	v7 =	vld @p0 [tilespmem:s16+$0x30];
	_ =	sdelay $0x4  }
0x1b3: {  	v8 =	vand.u32 @p0 $0xFFFF0000, v7  }
0x1b4: {  	v7 =	vadd.s32 @p0 $0xFFFC0000, v7;
	vm1 =	veq.s32 @p0 v8, $0x40000  }
0x1b5: {  	v7 =	vsel @p0 vm1, v7, v6  }
0x1b6: {  	[tilespmem:$0x1C370] =	vst @p0 v7  }
0x1b7: {  	[spmem:s1] =	stream.indirect.scatter.add.f32 @p0 [tilespmem:s12], [sflag:$0x3], $0x1, s10, s30, $0xb8;
	[tilespmem:$0x1E420] =	vst v63  }
0x1b8: {  	_ =	swait.ge @p0 [sflag:s26], $0x80  }
0x1b9: {  	s20 =	sadd.s32 $0x64, s20;
	[sflag:s26] =	ssyncset.done @p0 $0x0  }
0x1ba: {  	[sflag:s26] =	ssyncadd.s32 @p0 $0xFFFFFF80;
	p0 =	sne.s32 s20, $0x3200  }
.Ltmp6:
0x1bb: {  	_ = 	snop;
	(pc) =	sbr.rel @p0 .LBB2_14-.Ltmp6, $2  }
0x1bc: {  	_ =	sdelay $0x2  }
0x1bd: {  	s16 =	sadd.s32 $0x80, s16  }
0x1be: {  	[bflag:$0x0] =	sbarrier.arrive $0xFFFF  }
0x1bf: {  	s16 =	rddreg [dreg:$0xa]  }
0x1c0: {  	[hbm:s16], [sflag:s28] =	dma.local [spmem:s15], $0x200  }
0x1c1: {  	_ =	swait.ge [sflag:s26], $0x200  }
0x1c2: {  	[sflag:s26] =	ssyncset.done $0x0  }
0x1c3: {  	[sflag:s26] =	ssyncadd.s32 $0xFFFFFE00  }
0x1c4: {  	[bflag:$0x0] =	sbarrier.arrive $0xFFFF  }
0x1c5: {  	[spmem:s9] =	stream.linear.scatter [tilespmem:s7], [sflag:$0x3], $0x808, $0x38;
	[tilespmem:$0x1E420] =	vst v63  }
0x1c6: {  	_ =	swait.ge [sflag:s26], $0x808  }
0x1c7: {  	[sflag:s26] =	ssyncset.done $0x0  }
0x1c8: {  	[sflag:s26] =	ssyncadd.s32 $0xFFFFF7F8  }
0x1c9: {  	[spmem:s11] =	stream.linear.scatter [tilespmem:s8], [sflag:$0x3], $0x808, $0x38;
	[tilespmem:$0x1E420] =	vst v63  }
0x1ca: {  	_ =	swait.ge [sflag:s26], $0x808  }
0x1cb: {  	[sflag:s26] =	ssyncset.done $0x0  }
0x1cc: {  	[sflag:s26] =	ssyncadd.s32 $0xFFFFF7F8  }
0x1cd: {  	s20 =	simm.s32 $0x0;
	s16 =	simm.s32 $0x18340;
	[bflag:$0x0] =	sbarrier.arrive $0xFFFF  }
.LBB2_16:
0x1ce: {  	s18 =	sadd.s32 s20, s17  }
0x1cf: {  	s29 =	sand.u32 $0xE00, s18;
	s18 =	sadd.s32 $0x60, s18  }
0x1d0: {  	s18 =	sand.u32 $0xE00, s18;
	p0 =	seq.s32 s29, $0xA00  }
0x1d1: {  	p1 =	sne.s32 @!p0 s18, $0xA00  }
0x1d2: {  	p0 =	por p0, !p1  }
0x1d3: {  	v7 =	vld @p0 [tilespmem:s16+$0xFFFFFFC0];
	_ =	sdelay $0x4  }
0x1d4: {  	v8 =	vand.u32 @p0 $0xFFFF0000, v7  }
0x1d5: {  	v7 =	vadd.s32 @p0 $0xFFFB0000, v7;
	vm1 =	veq.s32 @p0 v8, $0x50000  }
0x1d6: {  	v7 =	vsel @p0 vm1, v7, v6  }
0x1d7: {  	[tilespmem:$0x1C300] =	vst @p0 v7  }
0x1d8: {  	v7 =	vld @p0 [tilespmem:s16+$0xFFFFFFD0];
	_ =	sdelay $0x4  }
0x1d9: {  	v8 =	vand.u32 @p0 $0xFFFF0000, v7  }
0x1da: {  	v7 =	vadd.s32 @p0 $0xFFFB0000, v7;
	vm1 =	veq.s32 @p0 v8, $0x50000  }
0x1db: {  	v7 =	vsel @p0 vm1, v7, v6  }
0x1dc: {  	[tilespmem:$0x1C310] =	vst @p0 v7  }
0x1dd: {  	v7 =	vld @p0 [tilespmem:s16+$0xFFFFFFE0];
	_ =	sdelay $0x4  }
0x1de: {  	v8 =	vand.u32 @p0 $0xFFFF0000, v7  }
0x1df: {  	v7 =	vadd.s32 @p0 $0xFFFB0000, v7;
	vm1 =	veq.s32 @p0 v8, $0x50000  }
0x1e0: {  	v7 =	vsel @p0 vm1, v7, v6  }
0x1e1: {  	[tilespmem:$0x1C320] =	vst @p0 v7  }
0x1e2: {  	v7 =	vld @p0 [tilespmem:s16+$0xFFFFFFF0];
	_ =	sdelay $0x4  }
0x1e3: {  	v8 =	vand.u32 @p0 $0xFFFF0000, v7  }
0x1e4: {  	v7 =	vadd.s32 @p0 $0xFFFB0000, v7;
	vm1 =	veq.s32 @p0 v8, $0x50000  }
0x1e5: {  	v7 =	vsel @p0 vm1, v7, v6  }
0x1e6: {  	[tilespmem:$0x1C330] =	vst @p0 v7  }
0x1e7: {  	v7 =	vld @p0 [tilespmem:s16+$0x0];
	_ =	sdelay $0x4  }
0x1e8: {  	v8 =	vand.u32 @p0 $0xFFFF0000, v7  }
0x1e9: {  	v7 =	vadd.s32 @p0 $0xFFFB0000, v7;
	vm1 =	veq.s32 @p0 v8, $0x50000  }
0x1ea: {  	v7 =	vsel @p0 vm1, v7, v6  }
0x1eb: {  	[tilespmem:$0x1C340] =	vst @p0 v7  }
0x1ec: {  	v7 =	vld @p0 [tilespmem:s16+$0x10];
	_ =	sdelay $0x4  }
0x1ed: {  	v8 =	vand.u32 @p0 $0xFFFF0000, v7  }
0x1ee: {  	v7 =	vadd.s32 @p0 $0xFFFB0000, v7;
	vm1 =	veq.s32 @p0 v8, $0x50000  }
0x1ef: {  	v7 =	vsel @p0 vm1, v7, v6  }
0x1f0: {  	[tilespmem:$0x1C350] =	vst @p0 v7  }
0x1f1: {  	v7 =	vld @p0 [tilespmem:s16+$0x20];
	_ =	sdelay $0x4  }
0x1f2: {  	v8 =	vand.u32 @p0 $0xFFFF0000, v7  }
0x1f3: {  	v7 =	vadd.s32 @p0 $0xFFFB0000, v7;
	vm1 =	veq.s32 @p0 v8, $0x50000  }
0x1f4: {  	v7 =	vsel @p0 vm1, v7, v6  }
0x1f5: {  	[tilespmem:$0x1C360] =	vst @p0 v7  }
0x1f6: {  	v7 =	vld @p0 [tilespmem:s16+$0x30];
	_ =	sdelay $0x4  }
0x1f7: {  	v8 =	vand.u32 @p0 $0xFFFF0000, v7  }
0x1f8: {  	v7 =	vadd.s32 @p0 $0xFFFB0000, v7;
	vm1 =	veq.s32 @p0 v8, $0x50000  }
0x1f9: {  	v7 =	vsel @p0 vm1, v7, v6  }
0x1fa: {  	[tilespmem:$0x1C370] =	vst @p0 v7  }
0x1fb: {  	[spmem:s1] =	stream.indirect.scatter.add.f32 @p0 [tilespmem:s12], [sflag:$0x3], $0x1, s10, s30, $0xb8;
	[tilespmem:$0x1E420] =	vst v63  }
0x1fc: {  	_ =	swait.ge @p0 [sflag:s26], $0x80  }
0x1fd: {  	s20 =	sadd.s32 $0x64, s20;
	[sflag:s26] =	ssyncset.done @p0 $0x0  }
0x1fe: {  	[sflag:s26] =	ssyncadd.s32 @p0 $0xFFFFFF80;
	p0 =	sne.s32 s20, $0x3200  }
.Ltmp7:
0x1ff: {  	_ = 	snop;
	(pc) =	sbr.rel @p0 .LBB2_16-.Ltmp7, $2  }
0x200: {  	_ =	sdelay $0x2  }
0x201: {  	s16 =	sadd.s32 $0x80, s16  }
0x202: {  	[bflag:$0x0] =	sbarrier.arrive $0xFFFF  }
0x203: {  	s16 =	rddreg [dreg:$0xb]  }
0x204: {  	[hbm:s16], [sflag:s28] =	dma.local [spmem:s15], $0x200  }
0x205: {  	_ =	swait.ge [sflag:s26], $0x200  }
0x206: {  	[sflag:s26] =	ssyncset.done $0x0  }
0x207: {  	[sflag:s26] =	ssyncadd.s32 $0xFFFFFE00  }
0x208: {  	[bflag:$0x0] =	sbarrier.arrive $0xFFFF  }
0x209: {  	[spmem:s9] =	stream.linear.scatter [tilespmem:s7], [sflag:$0x3], $0x808, $0x38;
	[tilespmem:$0x1E420] =	vst v63  }
0x20a: {  	_ =	swait.ge [sflag:s26], $0x808  }
0x20b: {  	[sflag:s26] =	ssyncset.done $0x0  }
0x20c: {  	[sflag:s26] =	ssyncadd.s32 $0xFFFFF7F8  }
0x20d: {  	[spmem:s11] =	stream.linear.scatter [tilespmem:s8], [sflag:$0x3], $0x808, $0x38;
	[tilespmem:$0x1E420] =	vst v63  }
0x20e: {  	_ =	swait.ge [sflag:s26], $0x808  }
0x20f: {  	[sflag:s26] =	ssyncset.done $0x0  }
0x210: {  	[sflag:s26] =	ssyncadd.s32 $0xFFFFF7F8  }
0x211: {  	s20 =	simm.s32 $0x0;
	s16 =	simm.s32 $0x18340;
	[bflag:$0x0] =	sbarrier.arrive $0xFFFF  }
.LBB2_18:
0x212: {  	s18 =	sadd.s32 s20, s17  }
0x213: {  	s29 =	sand.u32 $0xE00, s18;
	s18 =	sadd.s32 $0x60, s18  }
0x214: {  	s18 =	sand.u32 $0xE00, s18;
	p0 =	seq.s32 s29, $0xC00  }
0x215: {  	p1 =	sne.s32 @!p0 s18, $0xC00  }
0x216: {  	p0 =	por p0, !p1  }
0x217: {  	v7 =	vld @p0 [tilespmem:s16+$0xFFFFFFC0];
	_ =	sdelay $0x4  }
0x218: {  	v8 =	vand.u32 @p0 $0xFFFF0000, v7  }
0x219: {  	v7 =	vadd.s32 @p0 $0xFFFA0000, v7;
	vm1 =	veq.s32 @p0 v8, $0x60000  }
0x21a: {  	v7 =	vsel @p0 vm1, v7, v6  }
0x21b: {  	[tilespmem:$0x1C300] =	vst @p0 v7  }
0x21c: {  	v7 =	vld @p0 [tilespmem:s16+$0xFFFFFFD0];
	_ =	sdelay $0x4  }
0x21d: {  	v8 =	vand.u32 @p0 $0xFFFF0000, v7  }
0x21e: {  	v7 =	vadd.s32 @p0 $0xFFFA0000, v7;
	vm1 =	veq.s32 @p0 v8, $0x60000  }
0x21f: {  	v7 =	vsel @p0 vm1, v7, v6  }
0x220: {  	[tilespmem:$0x1C310] =	vst @p0 v7  }
0x221: {  	v7 =	vld @p0 [tilespmem:s16+$0xFFFFFFE0];
	_ =	sdelay $0x4  }
0x222: {  	v8 =	vand.u32 @p0 $0xFFFF0000, v7  }
0x223: {  	v7 =	vadd.s32 @p0 $0xFFFA0000, v7;
	vm1 =	veq.s32 @p0 v8, $0x60000  }
0x224: {  	v7 =	vsel @p0 vm1, v7, v6  }
0x225: {  	[tilespmem:$0x1C320] =	vst @p0 v7  }
0x226: {  	v7 =	vld @p0 [tilespmem:s16+$0xFFFFFFF0];
	_ =	sdelay $0x4  }
0x227: {  	v8 =	vand.u32 @p0 $0xFFFF0000, v7  }
0x228: {  	v7 =	vadd.s32 @p0 $0xFFFA0000, v7;
	vm1 =	veq.s32 @p0 v8, $0x60000  }
0x229: {  	v7 =	vsel @p0 vm1, v7, v6  }
0x22a: {  	[tilespmem:$0x1C330] =	vst @p0 v7  }
0x22b: {  	v7 =	vld @p0 [tilespmem:s16+$0x0];
	_ =	sdelay $0x4  }
0x22c: {  	v8 =	vand.u32 @p0 $0xFFFF0000, v7  }
0x22d: {  	v7 =	vadd.s32 @p0 $0xFFFA0000, v7;
	vm1 =	veq.s32 @p0 v8, $0x60000  }
0x22e: {  	v7 =	vsel @p0 vm1, v7, v6  }
0x22f: {  	[tilespmem:$0x1C340] =	vst @p0 v7  }
0x230: {  	v7 =	vld @p0 [tilespmem:s16+$0x10];
	_ =	sdelay $0x4  }
0x231: {  	v8 =	vand.u32 @p0 $0xFFFF0000, v7  }
0x232: {  	v7 =	vadd.s32 @p0 $0xFFFA0000, v7;
	vm1 =	veq.s32 @p0 v8, $0x60000  }
0x233: {  	v7 =	vsel @p0 vm1, v7, v6  }
0x234: {  	[tilespmem:$0x1C350] =	vst @p0 v7  }
0x235: {  	v7 =	vld @p0 [tilespmem:s16+$0x20];
	_ =	sdelay $0x4  }
0x236: {  	v8 =	vand.u32 @p0 $0xFFFF0000, v7  }
0x237: {  	v7 =	vadd.s32 @p0 $0xFFFA0000, v7;
	vm1 =	veq.s32 @p0 v8, $0x60000  }
0x238: {  	v7 =	vsel @p0 vm1, v7, v6  }
0x239: {  	[tilespmem:$0x1C360] =	vst @p0 v7  }
0x23a: {  	v7 =	vld @p0 [tilespmem:s16+$0x30];
	_ =	sdelay $0x4  }
0x23b: {  	v8 =	vand.u32 @p0 $0xFFFF0000, v7  }
0x23c: {  	v7 =	vadd.s32 @p0 $0xFFFA0000, v7;
	vm1 =	veq.s32 @p0 v8, $0x60000  }
0x23d: {  	v7 =	vsel @p0 vm1, v7, v6  }
0x23e: {  	[tilespmem:$0x1C370] =	vst @p0 v7  }
0x23f: {  	[spmem:s1] =	stream.indirect.scatter.add.f32 @p0 [tilespmem:s12], [sflag:$0x3], $0x1, s10, s30, $0xb8;
	[tilespmem:$0x1E420] =	vst v63  }
0x240: {  	_ =	swait.ge @p0 [sflag:s26], $0x80  }
0x241: {  	s20 =	sadd.s32 $0x64, s20;
	[sflag:s26] =	ssyncset.done @p0 $0x0  }
0x242: {  	[sflag:s26] =	ssyncadd.s32 @p0 $0xFFFFFF80;
	p0 =	sne.s32 s20, $0x3200  }
.Ltmp8:
0x243: {  	_ = 	snop;
	(pc) =	sbr.rel @p0 .LBB2_18-.Ltmp8, $2  }
0x244: {  	_ =	sdelay $0x2  }
0x245: {  	s16 =	sadd.s32 $0x80, s16  }
0x246: {  	[bflag:$0x0] =	sbarrier.arrive $0xFFFF  }
0x247: {  	s16 =	rddreg [dreg:$0xc]  }
0x248: {  	[hbm:s16], [sflag:s28] =	dma.local [spmem:s15], $0x200  }
0x249: {  	_ =	swait.ge [sflag:s26], $0x200  }
0x24a: {  	[sflag:s26] =	ssyncset.done $0x0  }
0x24b: {  	[sflag:s26] =	ssyncadd.s32 $0xFFFFFE00  }
0x24c: {  	[bflag:$0x0] =	sbarrier.arrive $0xFFFF  }
0x24d: {  	[spmem:s9] =	stream.linear.scatter [tilespmem:s7], [sflag:$0x3], $0x808, $0x38;
	[tilespmem:$0x1E420] =	vst v63  }
0x24e: {  	_ =	swait.ge [sflag:s26], $0x808  }
0x24f: {  	[sflag:s26] =	ssyncset.done $0x0  }
0x250: {  	[sflag:s26] =	ssyncadd.s32 $0xFFFFF7F8  }
0x251: {  	[spmem:s11] =	stream.linear.scatter [tilespmem:s8], [sflag:$0x3], $0x808, $0x38;
	[tilespmem:$0x1E420] =	vst v63  }
0x252: {  	_ =	swait.ge [sflag:s26], $0x808  }
0x253: {  	[sflag:s26] =	ssyncset.done $0x0  }
0x254: {  	s20 =	simm.s32 $0x0;
	[sflag:s26] =	ssyncadd.s32 $0xFFFFF7F8  }
0x255: {  	s29 =	smov.u32 s17;
	s16 =	simm.s32 $0x18340;
	[bflag:$0x0] =	sbarrier.arrive $0xFFFF  }
.LBB2_20:
0x256: {  	s18 =	sand.u32 $0xE00, s29;
	s19 =	sadd.s32 s20, s25  }
0x257: {  	p0 =	seq.s32 s18, $0xE00;
	s18 =	sand.u32 $0xE00, s19  }
0x258: {  	p1 =	sne.s32 @!p0 s18, $0x0  }
0x259: {  	p0 =	por p0, !p1  }
0x25a: {  	v7 =	vld @p0 [tilespmem:s16+$0xFFFFFFC0];
	_ =	sdelay $0x4  }
0x25b: {  	v8 =	vand.u32 @p0 $0xFFFF0000, v7  }
0x25c: {  	v7 =	vadd.s32 @p0 $0xFFF90000, v7;
	vm1 =	veq.s32 @p0 v8, $0x70000  }
0x25d: {  	v7 =	vsel @p0 vm1, v7, v6  }
0x25e: {  	[tilespmem:$0x1C300] =	vst @p0 v7  }
0x25f: {  	v7 =	vld @p0 [tilespmem:s16+$0xFFFFFFD0];
	_ =	sdelay $0x4  }
0x260: {  	v8 =	vand.u32 @p0 $0xFFFF0000, v7  }
0x261: {  	v7 =	vadd.s32 @p0 $0xFFF90000, v7;
	vm1 =	veq.s32 @p0 v8, $0x70000  }
0x262: {  	v7 =	vsel @p0 vm1, v7, v6  }
0x263: {  	[tilespmem:$0x1C310] =	vst @p0 v7  }
0x264: {  	v7 =	vld @p0 [tilespmem:s16+$0xFFFFFFE0];
	_ =	sdelay $0x4  }
0x265: {  	v8 =	vand.u32 @p0 $0xFFFF0000, v7  }
0x266: {  	v7 =	vadd.s32 @p0 $0xFFF90000, v7;
	vm1 =	veq.s32 @p0 v8, $0x70000  }
0x267: {  	v7 =	vsel @p0 vm1, v7, v6  }
0x268: {  	[tilespmem:$0x1C320] =	vst @p0 v7  }
0x269: {  	v7 =	vld @p0 [tilespmem:s16+$0xFFFFFFF0];
	_ =	sdelay $0x4  }
0x26a: {  	v8 =	vand.u32 @p0 $0xFFFF0000, v7  }
0x26b: {  	v7 =	vadd.s32 @p0 $0xFFF90000, v7;
	vm1 =	veq.s32 @p0 v8, $0x70000  }
0x26c: {  	v7 =	vsel @p0 vm1, v7, v6  }
0x26d: {  	[tilespmem:$0x1C330] =	vst @p0 v7  }
0x26e: {  	v7 =	vld @p0 [tilespmem:s16+$0x0];
	_ =	sdelay $0x4  }
0x26f: {  	v8 =	vand.u32 @p0 $0xFFFF0000, v7  }
0x270: {  	v7 =	vadd.s32 @p0 $0xFFF90000, v7;
	vm1 =	veq.s32 @p0 v8, $0x70000  }
0x271: {  	v7 =	vsel @p0 vm1, v7, v6  }
0x272: {  	[tilespmem:$0x1C340] =	vst @p0 v7  }
0x273: {  	v7 =	vld @p0 [tilespmem:s16+$0x10];
	_ =	sdelay $0x4  }
0x274: {  	v8 =	vand.u32 @p0 $0xFFFF0000, v7  }
0x275: {  	v7 =	vadd.s32 @p0 $0xFFF90000, v7;
	vm1 =	veq.s32 @p0 v8, $0x70000  }
0x276: {  	v7 =	vsel @p0 vm1, v7, v6  }
0x277: {  	[tilespmem:$0x1C350] =	vst @p0 v7  }
0x278: {  	v7 =	vld @p0 [tilespmem:s16+$0x20];
	_ =	sdelay $0x4  }
0x279: {  	v8 =	vand.u32 @p0 $0xFFFF0000, v7  }
0x27a: {  	v7 =	vadd.s32 @p0 $0xFFF90000, v7;
	vm1 =	veq.s32 @p0 v8, $0x70000  }
0x27b: {  	v7 =	vsel @p0 vm1, v7, v6  }
0x27c: {  	[tilespmem:$0x1C360] =	vst @p0 v7  }
0x27d: {  	v7 =	vld @p0 [tilespmem:s16+$0x30];
	_ =	sdelay $0x4  }
0x27e: {  	v8 =	vand.u32 @p0 $0xFFFF0000, v7  }
0x27f: {  	v7 =	vadd.s32 @p0 $0xFFF90000, v7;
	vm1 =	veq.s32 @p0 v8, $0x70000  }
0x280: {  	v7 =	vsel @p0 vm1, v7, v6  }
0x281: {  	[tilespmem:$0x1C370] =	vst @p0 v7  }
0x282: {  	[spmem:s1] =	stream.indirect.scatter.add.f32 @p0 [tilespmem:s12], [sflag:$0x3], $0x1, s10, s30, $0xb8;
	[tilespmem:$0x1E420] =	vst v63  }
0x283: {  	_ =	swait.ge @p0 [sflag:s26], $0x80  }
0x284: {  	s20 =	sadd.s32 $0xFFFFFF9C, s20;
	[sflag:s26] =	ssyncset.done @p0 $0x0  }
0x285: {  	[sflag:s26] =	ssyncadd.s32 @p0 $0xFFFFFF80;
	p0 =	sne.s32 s20, $0xFFFFCE00  }
.Ltmp9:
0x286: {  	_ = 	snop;
	(pc) =	sbr.rel @p0 .LBB2_20-.Ltmp9, $2  }
0x287: {  	_ =	sdelay $0x2  }
0x288: {  	s29 =	sadd.s32 $0x64, s29;
	s16 =	sadd.s32 $0x80, s16  }
0x289: {  	[bflag:$0x0] =	sbarrier.arrive $0xFFFF  }
0x28a: {  	s16 =	rddreg [dreg:$0xd]  }
0x28b: {  	[hbm:s16], [sflag:s28] =	dma.local [spmem:s15], $0x200  }
0x28c: {  	_ =	swait.ge [sflag:s26], $0x200  }
0x28d: {  	[sflag:s26] =	ssyncset.done $0x0  }
0x28e: {  	[sflag:s26] =	ssyncadd.s32 $0xFFFFFE00  }
0x28f: {  	[bflag:$0x0] =	sbarrier.arrive $0xFFFF  }
0x290: {  	_ =	swait.ge [sflag:s13], $0x4000  }
0x291: {  	[sflag:s13] =	ssyncset.done $0x0  }
0x292: {  	[sflag:s13] =	ssyncadd.s32 $0xFFFFC000  }
0x293: {  	_ =	swait.ge [sflag:s13], $0x4000  }
0x294: {  	[sflag:s13] =	ssyncset.done $0x0  }
0x295: {  	[sflag:s13] =	ssyncadd.s32 $0xFFFFC000  }
0x296: {  	_ =	swait.ge [sflag:s13], $0x4000  }
0x297: {  	[sflag:s13] =	ssyncset.done $0x0  }
0x298: {  	[sflag:s13] =	ssyncadd.s32 $0xFFFFC000  }
0x299: {  	_ =	swait.ge [sflag:s13], $0x4000  }
0x29a: {  	[sflag:s13] =	ssyncset.done $0x0  }
0x29b: {  	[sflag:s13] =	ssyncadd.s32 $0xFFFFC000  }
0x29c: {  	[hbm4b:s22+s3] =	stream.linear.scatter [tilespmem:s0], [sflag:$0x3], $0x8000, $0x38;
	[tilespmem:$0x1E420] =	vst v63  }
0x29d: {  	s14 =	sadd.s32 $0x1, s14;
	_ =	swait.ge [sflag:s26], $0x8000  }
0x29e: {  	p0 =	sne.s32 s14, s24;
	[sflag:s26] =	ssyncset.done $0x0  }
.Ltmp10:
0x29f: {  	[sflag:s26] =	ssyncadd.s32 $0xFFFF8000;
	(pc) =	sbr.rel @p0 .LBB2_1-.Ltmp10, $4  }
0x2a0: {  	[hbm4b:s23+s3] =	stream.linear.scatter [tilespmem:s31], [sflag:$0x3], $0x8000, $0x38;
	[tilespmem:$0x1E420] =	vst v63  }
0x2a1: {  	_ =	swait.ge [sflag:s26], $0x8000  }
0x2a2: {  	[sflag:s26] =	ssyncset.done $0x0  }
0x2a3: {  	[sflag:s26] =	ssyncadd.s32 $0xFFFF8000  }
0x2a4: {  	_ =	sfence.sel $0x180000  }
0x2a5: {  	[bflag:$0x0] =	sbarrier.arrive $0xFFFF  }
0x2a6: {  	_ =	strace $0x90000047  }
0x2a7: {  	s0 =	stileid.u32;
	[bflag:$0x2] =	sbarrier.arrive $0xFFFF  }
0x2a8: {  	p0 =	sne.s32 s0, $0x0;
	s0 =	rddreg [dreg:$0x2]  }
0x2a9: {  	s0 =	sadd.s32 @!p0 $0x100000, s0  }
0x2aa: {  	[sflag:s0] =	ssyncadd.tile.s32 @!p0 $0x1;
	_ =	shalt  }
.Lfunc_end2:
_tile_overlayer_lowered:
.L_overlay_start_2:
0x2ab: {  	(tag) =	ssettag $0x2  }
0x2ac: {  	s0 =	rddreg [dreg:$0x0];
	s2 =	stileid.u32  }
0x2ad: {  	s1 =	rddreg [dreg:$0x1];
	p0 =	sne.s32 s2, $0x0  }
0x2ae: {  	s3 =	rddreg [dreg:$0x2];
	[bflag:$0x3] =	sbarrier.arrive $0xFFFF;
	s2 =	simm.s32 @!p0 $0x1C03  }
0x2af: {  	[timem:s3], [sflag:s2] =	dma.local @!p0 [hbm:s0], s1  }
0x2b0: {  	s0 =	simm.s32 @!p0 $0x3  }
0x2b1: {  	_ =	swait.ge @!p0 [sflag:s0], s1  }
0x2b2: {  	s1 =	ssub.s32 @!p0 $0x0, s1;
	[sflag:s0] =	ssyncset.done @!p0 $0x0  }
0x2b3: {  	[sflag:s0] =	ssyncadd.s32 @!p0 s1  }
0x2b4: {  	[bflag:$0x3] =	sbarrier.arrive $0xFFFF  }
0x2b5: {  	_ =	shalt  }

</sc_bundles>
